<compile_context>
chip_gen: v7x
topology: tpu7x:2x2x1
jax: 0.10.2.dev20260603
libtpu: 0.0.44.dev20260713+nightly
codegen_flags: <defaults>
</compile_context>

<pallas_src>
import functools

import jax
import jax.numpy as jnp
from jax import lax
from jax.experimental import pallas as pl
from jax.experimental.pallas import tpu as pltpu
from jax.experimental.pallas import tpu_sc as plsc

N = 10000
E = 320000
DIN = 128
DH = 16
DO = 10
NC, NS, L = 2, 16, 16
NW = NC * NS
EPT = E // NW
B = 80
NB = EPT // B
NPAD = 10240
RPS = NPAD // NS
CPAD = 10240
CPS = CPAD // NS


def _sc_edge_body(with_cnt, t0, t1, srcr, dstr, ur, *refs):
    if with_cnt:
        (agg_o, cnt_o, src_v, dst_v, u_v, rows0, rows1, ones_v, zb2, zb1,
         agg_sh, cnt_sh, sem0, sem1) = refs
    else:
        (agg_o, src_v, dst_v, u_v, rows0, rows1, zb2,
         agg_sh, sem0, sem1) = refs
    c = lax.axis_index("c")
    s = lax.axis_index("s")
    wid = c * NS + s

    def _zrow(i, _):
        zb2[i] = jnp.zeros((L,), jnp.float32)
        return 0
    lax.fori_loop(0, RPS // 5, _zrow, 0)
    for k in range(5):
        pltpu.sync_copy(zb2, agg_sh.at[pl.ds(s * RPS + k * (RPS // 5), RPS // 5)])
    if with_cnt:
        def _zw(i, _):
            zb1[pl.ds(i * L, L)] = jnp.zeros((L,), jnp.float32)
            return 0
        lax.fori_loop(0, CPS // L, _zw, 0)
        pltpu.sync_copy(zb1, cnt_sh.at[pl.ds(s * CPS, CPS)])
        for k in range(B // L):
            ones_v[pl.ds(k * L, L)] = jnp.ones((L,), jnp.float32)
    plsc.subcore_barrier()

    pltpu.sync_copy(srcr.at[wid], src_v)
    pltpu.sync_copy(dstr.at[wid], dst_v)
    pltpu.sync_copy(ur.at[wid], u_v)

    def _batch(j, carry):
        cp0 = pltpu.async_copy(t0.at[src_v.at[j]], rows0, sem0)
        cp1 = pltpu.async_copy(t1.at[src_v.at[j]], rows1, sem1)
        cp0.wait()
        cp1.wait()

        def _group(g, _):
            u16 = u_v[pl.ds((j * (B // L) + g) * L, L)]
            u16 = jnp.minimum(jnp.maximum(u16, 0.0), 1.0)
            for k in range(L):
                i = g * L + k
                ub = jnp.broadcast_to(u16[k], (L,))
                r0 = rows0[i]
                r1 = rows1[i]
                rows0[i] = r0 + ub * (r1 - r0)
            return 0
        lax.fori_loop(0, B // L, _group, 0)

        pltpu.sync_copy(rows0, agg_sh.at[dst_v.at[j]], add=True)
        if with_cnt:
            pltpu.sync_copy(ones_v, cnt_sh.at[dst_v.at[j]], add=True)
        return carry
    lax.fori_loop(0, NB, _batch, 0)
    plsc.subcore_barrier()

    pltpu.sync_copy(agg_sh.at[pl.ds(s * RPS, RPS)],
                    agg_o.at[c, pl.ds(s * RPS, RPS)])
    if with_cnt:
        pltpu.sync_copy(cnt_sh.at[pl.ds(s * CPS, CPS)],
                        cnt_o.at[c, pl.ds(s * CPS, CPS)])


def _make_sc_kernel(with_cnt):
    mesh = plsc.VectorSubcoreMesh(core_axis_name="c", subcore_axis_name="s")
    out_type = [jax.ShapeDtypeStruct((NC, NPAD, DH), jnp.float32)]
    scratch = [
        pltpu.VMEM((NB, B), jnp.int32),
        pltpu.VMEM((NB, B), jnp.int32),
        pltpu.VMEM((EPT,), jnp.float32),
        pltpu.VMEM((B, DH), jnp.float32),
        pltpu.VMEM((B, DH), jnp.float32),
    ]
    if with_cnt:
        out_type.append(jax.ShapeDtypeStruct((NC, CPAD), jnp.float32))
        scratch += [
            pltpu.VMEM((B,), jnp.float32),
            pltpu.VMEM((RPS // 5, DH), jnp.float32),
            pltpu.VMEM((CPS,), jnp.float32),
            pltpu.VMEM_SHARED((NPAD, DH), jnp.float32),
            pltpu.VMEM_SHARED((CPAD,), jnp.float32),
        ]
    else:
        scratch += [
            pltpu.VMEM((RPS // 5, DH), jnp.float32),
            pltpu.VMEM_SHARED((NPAD, DH), jnp.float32),
        ]
    scratch += [pltpu.SemaphoreType.DMA, pltpu.SemaphoreType.DMA]
    return pl.kernel(
        functools.partial(_sc_edge_body, with_cnt),
        out_type=out_type,
        mesh=mesh,
        scratch_types=scratch,
        compiler_params=pltpu.CompilerParams(use_tc_tiling_on_sc=False),
    )



_RB = 1000


def _mm1_body(x_ref, w_ref, o_ref):
    o_ref[...] = jnp.dot(x_ref[...], w_ref[...],
                         preferred_element_type=jnp.float32)


def _mid_body(agg_ref, cnt0_ref, cnt1_ref, xr_ref, b1_ref, w2_ref,
              t0_ref, t1_ref, xr2_ref):
    a = agg_ref[0] + agg_ref[1]
    n = jnp.maximum(cnt0_ref[...] + cnt1_ref[...], 1.0)
    h = a / n + xr_ref[...] + b1_ref[...]
    h = jnp.where(h > 0, h, jnp.exp(jnp.minimum(h, 0.0)) - 1.0)
    hw = jnp.dot(h, w2_ref[...], preferred_element_type=jnp.float32)
    t0_ref[...] = hw[:, 0:DH]
    t1_ref[...] = hw[:, DH:2 * DH]
    xr2_ref[...] = hw[:, 2 * DH:3 * DH]


def _fin_body(agg_ref, cnt0_ref, cnt1_ref, xr2_ref, b2_ref, o_ref):
    a = agg_ref[0] + agg_ref[1]
    n = jnp.maximum(cnt0_ref[...] + cnt1_ref[...], 1.0)
    v = a / n + xr2_ref[...] + b2_ref[...]
    col = lax.broadcasted_iota(jnp.int32, v.shape, 1)
    vm = jnp.where(col < DO, v, -1e30)
    m = jnp.max(vm, axis=1, keepdims=True)
    lse = jnp.log(jnp.sum(jnp.exp(vm - m), axis=1, keepdims=True)) + m
    o_ref[...] = (v - lse)[:, 0:DO]


def kernel(x, edge_index, edge_attr, W1k, W1r, b1, W2k, W2r, b2):
    src = edge_index[0].astype(jnp.int32).reshape(NW, NB, B)
    dst = edge_index[1].astype(jnp.int32).reshape(NW, NB, B)
    u = edge_attr[:, 0].astype(jnp.float32).reshape(NW, EPT)

    w1 = jnp.concatenate([W1k[0], W1k[1], W1r], axis=1)
    xw = pl.pallas_call(
        _mm1_body,
        grid=(N // _RB,),
        in_specs=[
            pl.BlockSpec((_RB, DIN), lambda i: (i, 0)),
            pl.BlockSpec((DIN, 3 * DH), lambda i: (0, 0)),
        ],
        out_specs=pl.BlockSpec((_RB, 3 * DH), lambda i: (i, 0)),
        out_shape=jax.ShapeDtypeStruct((N, 3 * DH), jnp.float32),
    )(x, w1)
    t0 = xw[:, 0:DH]
    t1 = xw[:, DH:2 * DH]
    xr1 = xw[:, 2 * DH:3 * DH]

    agg1, cnt = _make_sc_kernel(True)(t0, t1, src, dst, u)
    agg1 = agg1[:, :N]
    cnt0 = cnt[0, :N, None]
    cnt1 = cnt[1, :N, None]

    w2 = jnp.zeros((DH, 3 * DH), jnp.float32)
    w2 = w2.at[:, 0:DO].set(W2k[0])
    w2 = w2.at[:, DH:DH + DO].set(W2k[1])
    w2 = w2.at[:, 2 * DH:2 * DH + DO].set(W2r)
    s0, s1, xr2 = pl.pallas_call(
        _mid_body,
        grid=(N // _RB,),
        in_specs=[
            pl.BlockSpec((NC, _RB, DH), lambda i: (0, i, 0)),
            pl.BlockSpec((_RB, 1), lambda i: (i, 0)),
            pl.BlockSpec((_RB, 1), lambda i: (i, 0)),
            pl.BlockSpec((_RB, DH), lambda i: (i, 0)),
            pl.BlockSpec((1, DH), lambda i: (0, 0)),
            pl.BlockSpec((DH, 3 * DH), lambda i: (0, 0)),
        ],
        out_specs=[
            pl.BlockSpec((_RB, DH), lambda i: (i, 0)),
            pl.BlockSpec((_RB, DH), lambda i: (i, 0)),
            pl.BlockSpec((_RB, DH), lambda i: (i, 0)),
        ],
        out_shape=[
            jax.ShapeDtypeStruct((N, DH), jnp.float32),
            jax.ShapeDtypeStruct((N, DH), jnp.float32),
            jax.ShapeDtypeStruct((N, DH), jnp.float32),
        ],
    )(agg1, cnt0, cnt1, xr1, b1[None, :], w2)

    agg2 = _make_sc_kernel(False)(s0, s1, src, dst, u)[0][:, :N]

    b2p = jnp.zeros((DH,), jnp.float32).at[0:DO].set(b2)
    out = pl.pallas_call(
        _fin_body,
        grid=(N // _RB,),
        in_specs=[
            pl.BlockSpec((NC, _RB, DH), lambda i: (0, i, 0)),
            pl.BlockSpec((_RB, 1), lambda i: (i, 0)),
            pl.BlockSpec((_RB, 1), lambda i: (i, 0)),
            pl.BlockSpec((_RB, DH), lambda i: (i, 0)),
            pl.BlockSpec((1, DH), lambda i: (0, 0)),
        ],
        out_specs=pl.BlockSpec((_RB, DO), lambda i: (i, 0)),
        out_shape=jax.ShapeDtypeStruct((N, DO), jnp.float32),
    )(agg2, cnt0, cnt1, xr2, b2p[None, :])
    return out

# --- scband reference (transcript-rebuilt; emitter-appended) ---
"""Pipeline reference for scband-gcn-t1-73658689126524 (READ-ONLY COPY).

The authoritative reference and input builder live on the scoring server;
editing this copy changes nothing except your own understanding.
"""

import jax, jax.numpy as jnp
import numpy as np

N_NODES = 10000
N_EDGES = 320000
D_IN = 128
D_HID = 16
D_OUT = 10
KERNEL_SIZE = 2


def setup_inputs(seed: int = 0) -> dict:
    key = jax.random.key(seed)
    ks = jax.random.split(key, 10)
    x = jax.random.normal(ks[0], (N_NODES, D_IN), dtype=jnp.float32)
    edge_index = jax.random.randint(ks[1], (2, N_EDGES), 0, N_NODES, dtype=jnp.int64)
    edge_attr = jax.random.uniform(ks[2], (N_EDGES, 1), dtype=jnp.float32)
    # SplineConv layer 1 parameters: kernel weights [K, F_in, F_out], root weight, bias
    W1k = jax.random.normal(ks[3], (KERNEL_SIZE, D_IN, D_HID), dtype=jnp.float32) * (1.0 / np.sqrt(D_IN))
    W1r = jax.random.normal(ks[4], (D_IN, D_HID), dtype=jnp.float32) * (1.0 / np.sqrt(D_IN))
    b1 = jnp.zeros((D_HID,), dtype=jnp.float32)
    # SplineConv layer 2 parameters
    W2k = jax.random.normal(ks[5], (KERNEL_SIZE, D_HID, D_OUT), dtype=jnp.float32) * (1.0 / np.sqrt(D_HID))
    W2r = jax.random.normal(ks[6], (D_HID, D_OUT), dtype=jnp.float32) * (1.0 / np.sqrt(D_HID))
    b2 = jnp.zeros((D_OUT,), dtype=jnp.float32)
    return {"x": x, "edge_index": edge_index, "edge_attr": edge_attr,
            "W1k": W1k, "W1r": W1r, "b1": b1,
            "W2k": W2k, "W2r": W2r, "b2": b2}


def _spline_conv(x, src, dst, u, Wk, Wr, b, num_nodes):
    # degree-1 open B-spline, dim=1, kernel_size=2:
    # basis over the 2 kernel weight matrices is linear interpolation (1-u, u)
    xw0 = x @ Wk[0]
    xw1 = x @ Wk[1]
    msg = (1.0 - u)[:, None] * jnp.take(xw0, src, axis=0) + u[:, None] * jnp.take(xw1, src, axis=0)
    agg = jax.ops.segment_sum(msg, dst, num_segments=num_nodes)
    cnt = jax.ops.segment_sum(jnp.ones((src.shape[0],), dtype=x.dtype), dst, num_segments=num_nodes)
    agg = agg / jnp.maximum(cnt, 1.0)[:, None]  # aggr='mean' (SplineConv default)
    return agg + x @ Wr + b


def reference(x, edge_index, edge_attr, W1k, W1r, b1, W2k, W2r, b2):
    src = edge_index[0]
    dst = edge_index[1]
    u = jnp.clip(edge_attr[:, 0], 0.0, 1.0)
    # dropout is identity in eval mode (training=False)
    h = _spline_conv(x, src, dst, u, W1k, W1r, b1, N_NODES)
    h = jax.nn.elu(h)
    out = _spline_conv(h, src, dst, u, W2k, W2r, b2, N_NODES)
    return jax.nn.log_softmax(out, axis=1)

if __name__ == "__main__":
    import jax
    _d = setup_inputs()
    print(jax.jit(kernel)(*tuple(_d.values())))

</pallas_src>

<mosaic_0001>
#map = affine_map<(d0, d1) -> (0, 0)>
#map1 = affine_map<(d0, d1) -> (0, 0, 0)>
module attributes {stable_mosaic.version = 14 : i64} {
  func.func @_sc_edge_body(%arg0: i32, %arg1: i32, %arg2: memref<10000x16xf32, #tpu.memory_space<hbm>>, %arg3: memref<10000x16xf32, #tpu.memory_space<hbm>>, %arg4: memref<32x125x80xi32, #tpu.memory_space<hbm>>, %arg5: memref<32x125x80xi32, #tpu.memory_space<hbm>>, %arg6: memref<32x10000xf32, #tpu.memory_space<hbm>>, %arg7: memref<2x10240x16xf32, #tpu.memory_space<hbm>>, %arg8: memref<125x80xi32, #tpu.memory_space<vmem>>, %arg9: memref<125x80xi32, #tpu.memory_space<vmem>>, %arg10: memref<10000xf32, #tpu.memory_space<vmem>>, %arg11: memref<80x16xf32, #tpu.memory_space<vmem>>, %arg12: memref<80x16xf32, #tpu.memory_space<vmem>>, %arg13: memref<128x16xf32, #tpu.memory_space<vmem>>, %arg14: memref<10240x16xf32, #tpu.memory_space<vmem_shared>>, %arg15: memref<!tpu.dma_semaphore, #tpu.memory_space<semaphore_mem>>, %arg16: memref<!tpu.dma_semaphore, #tpu.memory_space<semaphore_mem>>) attributes {dimension_semantics = [#tpu.dimension_semantics<core_parallel>, #tpu.dimension_semantics<subcore_parallel>], iteration_bounds = array<i64: 2, 16>, scalar_prefetch = 0 : i64, scratch_operands = 9 : i64, tpu.core_type = #tpu.core_type<sc_vector_subcore>, window_params = [{transform_indices = #map}, {transform_indices = #map}, {transform_indices = #map1}, {transform_indices = #map1}, {transform_indices = #map}, {transform_indices = #map1}]} {
    %mul3A = arith.constant 16 : i32
    %mul3A_0 = arith.muli %arg0, %mul3A : i32
    %add3A = arith.addi %mul3A_0, %arg1 : i32
    %scan3A = arith.constant 0 : i32
    %scan3A_1 = arith.constant 0 : i32
    %scan3A_2 = arith.constant 128 : i32
    %scan3A_3 = arith.addi %scan3A_1, %scan3A_2 : i32
    %scan3A_4 = arith.constant 1 : i32
    %scan3A_5 = scf.for %scan3A_38 = %scan3A_1 to %scan3A_3 step %scan3A_4 iter_args(%scan3A_39 = %scan3A) -> (i32)  : i32 {
      %broadcast_in_dim3A = arith.constant 0.000000e+00 : f32
      %broadcast_in_dim3A_40 = vector.broadcast %broadcast_in_dim3A : f32 to vector<16xf32>
      %swap3A = arith.index_cast %scan3A_38 : i32 to index
      %swap3A_41 = arith.constant 0 : index
      %swap3A_42 = tpu.vector_load %arg13[%swap3A, %swap3A_41] {strides = array<i32>} : memref<128x16xf32, #tpu.memory_space<vmem>>, vector<1x16xf32>,
      %swap3A_43 = vector.shape_cast %swap3A_42 : vector<1x16xf32> to vector<16xf32>
      %swap3A_44 = vector.shape_cast %broadcast_in_dim3A_40 : vector<16xf32> to vector<1x16xf32>
      tpu.vector_store %arg13[%swap3A, %swap3A_41], %swap3A_44 {strides = array<i32>} : memref<128x16xf32, #tpu.memory_space<vmem>>, vector<1x16xf32>,
      %scan3A_45 = arith.constant 0 : i32
      scf.yield %scan3A_45 : i32
    }
    %scan3A_6 = arith.constant 128 : i32
    %mul3A_7 = arith.constant 640 : i32
    %mul3A_8 = arith.muli %arg1, %mul3A_7 : i32
    %add3A_9 = arith.constant 0 : i32
    %add3A_10 = arith.addi %mul3A_8, %add3A_9 : i32
    "tpu.region"() ({
      %run_scoped3A = tpu.sem_alloc : memref<!tpu.dma_semaphore, #tpu.memory_space<semaphore_mem>>
      %dma_start3A = arith.constant 0 : i32
      %dma_start3A_38 = tpu.memref_slice %arg14[%add3A_10, %dma_start3A] : memref<10240x16xf32, #tpu.memory_space<vmem_shared>> -> memref<128x16xf32, #tpu.memory_space<vmem_shared>>
      %dma_start3A_39 = arith.constant 0 : i32
      %dma_start3A_40 = tpu.memref_slice %arg14[%add3A_10, %dma_start3A_39] : memref<10240x16xf32, #tpu.memory_space<vmem_shared>> -> memref<128x16xf32, #tpu.memory_space<vmem_shared>>
      tpu.enqueue_dma source(%arg13 : memref<128x16xf32, #tpu.memory_space<vmem>>) target(%dma_start3A_40 : memref<128x16xf32, #tpu.memory_space<vmem_shared>>) target_semaphore(%run_scoped3A : memref<!tpu.dma_semaphore, #tpu.memory_space<semaphore_mem>>)
      %dma_wait3A = arith.constant 0 : i32
      %dma_wait3A_41 = tpu.memref_slice %arg14[%add3A_10, %dma_wait3A] : memref<10240x16xf32, #tpu.memory_space<vmem_shared>> -> memref<128x16xf32, #tpu.memory_space<vmem_shared>>
      %dma_wait3A_42 = arith.constant 0 : i32
      %dma_wait3A_43 = tpu.memref_slice %arg14[%add3A_10, %dma_wait3A_42] : memref<10240x16xf32, #tpu.memory_space<vmem_shared>> -> memref<128x16xf32, #tpu.memory_space<vmem_shared>>
      tpu.wait_dma2 semaphore(%run_scoped3A : memref<!tpu.dma_semaphore, #tpu.memory_space<semaphore_mem>>) src(%arg13 : memref<128x16xf32, #tpu.memory_space<vmem>>) dst(%dma_wait3A_43 : memref<128x16xf32, #tpu.memory_space<vmem_shared>>)
      tpu.yield
    }) : () -> ()
    %mul3A_11 = arith.constant 640 : i32
    %mul3A_12 = arith.muli %arg1, %mul3A_11 : i32
    %add3A_13 = arith.constant 128 : i32
    %add3A_14 = arith.addi %mul3A_12, %add3A_13 : i32
    "tpu.region"() ({
      %run_scoped3A = tpu.sem_alloc : memref<!tpu.dma_semaphore, #tpu.memory_space<semaphore_mem>>
      %dma_start3A = arith.constant 0 : i32
      %dma_start3A_38 = tpu.memref_slice %arg14[%add3A_14, %dma_start3A] : memref<10240x16xf32, #tpu.memory_space<vmem_shared>> -> memref<128x16xf32, #tpu.memory_space<vmem_shared>>
      %dma_start3A_39 = arith.constant 0 : i32
      %dma_start3A_40 = tpu.memref_slice %arg14[%add3A_14, %dma_start3A_39] : memref<10240x16xf32, #tpu.memory_space<vmem_shared>> -> memref<128x16xf32, #tpu.memory_space<vmem_shared>>
      tpu.enqueue_dma source(%arg13 : memref<128x16xf32, #tpu.memory_space<vmem>>) target(%dma_start3A_40 : memref<128x16xf32, #tpu.memory_space<vmem_shared>>) target_semaphore(%run_scoped3A : memref<!tpu.dma_semaphore, #tpu.memory_space<semaphore_mem>>)
      %dma_wait3A = arith.constant 0 : i32
      %dma_wait3A_41 = tpu.memref_slice %arg14[%add3A_14, %dma_wait3A] : memref<10240x16xf32, #tpu.memory_space<vmem_shared>> -> memref<128x16xf32, #tpu.memory_space<vmem_shared>>
      %dma_wait3A_42 = arith.constant 0 : i32
      %dma_wait3A_43 = tpu.memref_slice %arg14[%add3A_14, %dma_wait3A_42] : memref<10240x16xf32, #tpu.memory_space<vmem_shared>> -> memref<128x16xf32, #tpu.memory_space<vmem_shared>>
      tpu.wait_dma2 semaphore(%run_scoped3A : memref<!tpu.dma_semaphore, #tpu.memory_space<semaphore_mem>>) src(%arg13 : memref<128x16xf32, #tpu.memory_space<vmem>>) dst(%dma_wait3A_43 : memref<128x16xf32, #tpu.memory_space<vmem_shared>>)
      tpu.yield
    }) : () -> ()
    %mul3A_15 = arith.constant 640 : i32
    %mul3A_16 = arith.muli %arg1, %mul3A_15 : i32
    %add3A_17 = arith.constant 256 : i32
    %add3A_18 = arith.addi %mul3A_16, %add3A_17 : i32
    "tpu.region"() ({
      %run_scoped3A = tpu.sem_alloc : memref<!tpu.dma_semaphore, #tpu.memory_space<semaphore_mem>>
      %dma_start3A = arith.constant 0 : i32
      %dma_start3A_38 = tpu.memref_slice %arg14[%add3A_18, %dma_start3A] : memref<10240x16xf32, #tpu.memory_space<vmem_shared>> -> memref<128x16xf32, #tpu.memory_space<vmem_shared>>
      %dma_start3A_39 = arith.constant 0 : i32
      %dma_start3A_40 = tpu.memref_slice %arg14[%add3A_18, %dma_start3A_39] : memref<10240x16xf32, #tpu.memory_space<vmem_shared>> -> memref<128x16xf32, #tpu.memory_space<vmem_shared>>
      tpu.enqueue_dma source(%arg13 : memref<128x16xf32, #tpu.memory_space<vmem>>) target(%dma_start3A_40 : memref<128x16xf32, #tpu.memory_space<vmem_shared>>) target_semaphore(%run_scoped3A : memref<!tpu.dma_semaphore, #tpu.memory_space<semaphore_mem>>)
      %dma_wait3A = arith.constant 0 : i32
      %dma_wait3A_41 = tpu.memref_slice %arg14[%add3A_18, %dma_wait3A] : memref<10240x16xf32, #tpu.memory_space<vmem_shared>> -> memref<128x16xf32, #tpu.memory_space<vmem_shared>>
      %dma_wait3A_42 = arith.constant 0 : i32
      %dma_wait3A_43 = tpu.memref_slice %arg14[%add3A_18, %dma_wait3A_42] : memref<10240x16xf32, #tpu.memory_space<vmem_shared>> -> memref<128x16xf32, #tpu.memory_space<vmem_shared>>
      tpu.wait_dma2 semaphore(%run_scoped3A : memref<!tpu.dma_semaphore, #tpu.memory_space<semaphore_mem>>) src(%arg13 : memref<128x16xf32, #tpu.memory_space<vmem>>) dst(%dma_wait3A_43 : memref<128x16xf32, #tpu.memory_space<vmem_shared>>)
      tpu.yield
    }) : () -> ()
    %mul3A_19 = arith.constant 640 : i32
    %mul3A_20 = arith.muli %arg1, %mul3A_19 : i32
    %add3A_21 = arith.constant 384 : i32
    %add3A_22 = arith.addi %mul3A_20, %add3A_21 : i32
    "tpu.region"() ({
      %run_scoped3A = tpu.sem_alloc : memref<!tpu.dma_semaphore, #tpu.memory_space<semaphore_mem>>
      %dma_start3A = arith.constant 0 : i32
      %dma_start3A_38 = tpu.memref_slice %arg14[%add3A_22, %dma_start3A] : memref<10240x16xf32, #tpu.memory_space<vmem_shared>> -> memref<128x16xf32, #tpu.memory_space<vmem_shared>>
      %dma_start3A_39 = arith.constant 0 : i32
      %dma_start3A_40 = tpu.memref_slice %arg14[%add3A_22, %dma_start3A_39] : memref<10240x16xf32, #tpu.memory_space<vmem_shared>> -> memref<128x16xf32, #tpu.memory_space<vmem_shared>>
      tpu.enqueue_dma source(%arg13 : memref<128x16xf32, #tpu.memory_space<vmem>>) target(%dma_start3A_40 : memref<128x16xf32, #tpu.memory_space<vmem_shared>>) target_semaphore(%run_scoped3A : memref<!tpu.dma_semaphore, #tpu.memory_space<semaphore_mem>>)
      %dma_wait3A = arith.constant 0 : i32
      %dma_wait3A_41 = tpu.memref_slice %arg14[%add3A_22, %dma_wait3A] : memref<10240x16xf32, #tpu.memory_space<vmem_shared>> -> memref<128x16xf32, #tpu.memory_space<vmem_shared>>
      %dma_wait3A_42 = arith.constant 0 : i32
      %dma_wait3A_43 = tpu.memref_slice %arg14[%add3A_22, %dma_wait3A_42] : memref<10240x16xf32, #tpu.memory_space<vmem_shared>> -> memref<128x16xf32, #tpu.memory_space<vmem_shared>>
      tpu.wait_dma2 semaphore(%run_scoped3A : memref<!tpu.dma_semaphore, #tpu.memory_space<semaphore_mem>>) src(%arg13 : memref<128x16xf32, #tpu.memory_space<vmem>>) dst(%dma_wait3A_43 : memref<128x16xf32, #tpu.memory_space<vmem_shared>>)
      tpu.yield
    }) : () -> ()
    %mul3A_23 = arith.constant 640 : i32
    %mul3A_24 = arith.muli %arg1, %mul3A_23 : i32
    %add3A_25 = arith.constant 512 : i32
    %add3A_26 = arith.addi %mul3A_24, %add3A_25 : i32
    "tpu.region"() ({
      %run_scoped3A = tpu.sem_alloc : memref<!tpu.dma_semaphore, #tpu.memory_space<semaphore_mem>>
      %dma_start3A = arith.constant 0 : i32
      %dma_start3A_38 = tpu.memref_slice %arg14[%add3A_26, %dma_start3A] : memref<10240x16xf32, #tpu.memory_space<vmem_shared>> -> memref<128x16xf32, #tpu.memory_space<vmem_shared>>
      %dma_start3A_39 = arith.constant 0 : i32
      %dma_start3A_40 = tpu.memref_slice %arg14[%add3A_26, %dma_start3A_39] : memref<10240x16xf32, #tpu.memory_space<vmem_shared>> -> memref<128x16xf32, #tpu.memory_space<vmem_shared>>
      tpu.enqueue_dma source(%arg13 : memref<128x16xf32, #tpu.memory_space<vmem>>) target(%dma_start3A_40 : memref<128x16xf32, #tpu.memory_space<vmem_shared>>) target_semaphore(%run_scoped3A : memref<!tpu.dma_semaphore, #tpu.memory_space<semaphore_mem>>)
      %dma_wait3A = arith.constant 0 : i32
      %dma_wait3A_41 = tpu.memref_slice %arg14[%add3A_26, %dma_wait3A] : memref<10240x16xf32, #tpu.memory_space<vmem_shared>> -> memref<128x16xf32, #tpu.memory_space<vmem_shared>>
      %dma_wait3A_42 = arith.constant 0 : i32
      %dma_wait3A_43 = tpu.memref_slice %arg14[%add3A_26, %dma_wait3A_42] : memref<10240x16xf32, #tpu.memory_space<vmem_shared>> -> memref<128x16xf32, #tpu.memory_space<vmem_shared>>
      tpu.wait_dma2 semaphore(%run_scoped3A : memref<!tpu.dma_semaphore, #tpu.memory_space<semaphore_mem>>) src(%arg13 : memref<128x16xf32, #tpu.memory_space<vmem>>) dst(%dma_wait3A_43 : memref<128x16xf32, #tpu.memory_space<vmem_shared>>)
      tpu.yield
    }) : () -> ()
    %barrier3A = arith.constant 0 : index
    tpu.barrier barrier_id(%barrier3A)
    "tpu.region"() ({
      %run_scoped3A = tpu.sem_alloc : memref<!tpu.dma_semaphore, #tpu.memory_space<semaphore_mem>>
      %dma_start3A = arith.constant 0 : i32
      %dma_start3A_38 = arith.constant 0 : i32
      %dma_start3A_39 = tpu.memref_slice %arg4[%add3A, %dma_start3A, %dma_start3A_38] : memref<32x125x80xi32, #tpu.memory_space<hbm>> -> memref<1x125x80xi32, #tpu.memory_space<hbm>>
      %dma_start3A_40 = tpu.memref_squeeze %dma_start3A_39 : memref<1x125x80xi32, #tpu.memory_space<hbm>> -> memref<125x80xi32, #tpu.memory_space<hbm>>
      %dma_start3A_41 = arith.constant 0 : i32
      %dma_start3A_42 = arith.constant 0 : i32
      %dma_start3A_43 = tpu.memref_slice %arg4[%add3A, %dma_start3A_41, %dma_start3A_42] : memref<32x125x80xi32, #tpu.memory_space<hbm>> -> memref<1x125x80xi32, #tpu.memory_space<hbm>>
      %dma_start3A_44 = tpu.memref_squeeze %dma_start3A_43 : memref<1x125x80xi32, #tpu.memory_space<hbm>> -> memref<125x80xi32, #tpu.memory_space<hbm>>
      tpu.enqueue_dma source(%dma_start3A_44 : memref<125x80xi32, #tpu.memory_space<hbm>>) target(%arg8 : memref<125x80xi32, #tpu.memory_space<vmem>>) target_semaphore(%run_scoped3A : memref<!tpu.dma_semaphore, #tpu.memory_space<semaphore_mem>>)
      %dma_wait3A = arith.constant 0 : i32
      %dma_wait3A_45 = arith.constant 0 : i32
      %dma_wait3A_46 = tpu.memref_slice %arg4[%add3A, %dma_wait3A, %dma_wait3A_45] : memref<32x125x80xi32, #tpu.memory_space<hbm>> -> memref<1x125x80xi32, #tpu.memory_space<hbm>>
      %dma_wait3A_47 = tpu.memref_squeeze %dma_wait3A_46 : memref<1x125x80xi32, #tpu.memory_space<hbm>> -> memref<125x80xi32, #tpu.memory_space<hbm>>
      %dma_wait3A_48 = arith.constant 0 : i32
      %dma_wait3A_49 = arith.constant 0 : i32
      %dma_wait3A_50 = tpu.memref_slice %arg4[%add3A, %dma_wait3A_48, %dma_wait3A_49] : memref<32x125x80xi32, #tpu.memory_space<hbm>> -> memref<1x125x80xi32, #tpu.memory_space<hbm>>
      %dma_wait3A_51 = tpu.memref_squeeze %dma_wait3A_50 : memref<1x125x80xi32, #tpu.memory_space<hbm>> -> memref<125x80xi32, #tpu.memory_space<hbm>>
      tpu.wait_dma2 semaphore(%run_scoped3A : memref<!tpu.dma_semaphore, #tpu.memory_space<semaphore_mem>>) src(%dma_wait3A_51 : memref<125x80xi32, #tpu.memory_space<hbm>>) dst(%arg8 : memref<125x80xi32, #tpu.memory_space<vmem>>)
      tpu.yield
    }) : () -> ()
    "tpu.region"() ({
      %run_scoped3A = tpu.sem_alloc : memref<!tpu.dma_semaphore, #tpu.memory_space<semaphore_mem>>
      %dma_start3A = arith.constant 0 : i32
      %dma_start3A_38 = arith.constant 0 : i32
      %dma_start3A_39 = tpu.memref_slice %arg5[%add3A, %dma_start3A, %dma_start3A_38] : memref<32x125x80xi32, #tpu.memory_space<hbm>> -> memref<1x125x80xi32, #tpu.memory_space<hbm>>
      %dma_start3A_40 = tpu.memref_squeeze %dma_start3A_39 : memref<1x125x80xi32, #tpu.memory_space<hbm>> -> memref<125x80xi32, #tpu.memory_space<hbm>>
      %dma_start3A_41 = arith.constant 0 : i32
      %dma_start3A_42 = arith.constant 0 : i32
      %dma_start3A_43 = tpu.memref_slice %arg5[%add3A, %dma_start3A_41, %dma_start3A_42] : memref<32x125x80xi32, #tpu.memory_space<hbm>> -> memref<1x125x80xi32, #tpu.memory_space<hbm>>
      %dma_start3A_44 = tpu.memref_squeeze %dma_start3A_43 : memref<1x125x80xi32, #tpu.memory_space<hbm>> -> memref<125x80xi32, #tpu.memory_space<hbm>>
      tpu.enqueue_dma source(%dma_start3A_44 : memref<125x80xi32, #tpu.memory_space<hbm>>) target(%arg9 : memref<125x80xi32, #tpu.memory_space<vmem>>) target_semaphore(%run_scoped3A : memref<!tpu.dma_semaphore, #tpu.memory_space<semaphore_mem>>)
      %dma_wait3A = arith.constant 0 : i32
      %dma_wait3A_45 = arith.constant 0 : i32
      %dma_wait3A_46 = tpu.memref_slice %arg5[%add3A, %dma_wait3A, %dma_wait3A_45] : memref<32x125x80xi32, #tpu.memory_space<hbm>> -> memref<1x125x80xi32, #tpu.memory_space<hbm>>
      %dma_wait3A_47 = tpu.memref_squeeze %dma_wait3A_46 : memref<1x125x80xi32, #tpu.memory_space<hbm>> -> memref<125x80xi32, #tpu.memory_space<hbm>>
      %dma_wait3A_48 = arith.constant 0 : i32
      %dma_wait3A_49 = arith.constant 0 : i32
      %dma_wait3A_50 = tpu.memref_slice %arg5[%add3A, %dma_wait3A_48, %dma_wait3A_49] : memref<32x125x80xi32, #tpu.memory_space<hbm>> -> memref<1x125x80xi32, #tpu.memory_space<hbm>>
      %dma_wait3A_51 = tpu.memref_squeeze %dma_wait3A_50 : memref<1x125x80xi32, #tpu.memory_space<hbm>> -> memref<125x80xi32, #tpu.memory_space<hbm>>
      tpu.wait_dma2 semaphore(%run_scoped3A : memref<!tpu.dma_semaphore, #tpu.memory_space<semaphore_mem>>) src(%dma_wait3A_51 : memref<125x80xi32, #tpu.memory_space<hbm>>) dst(%arg9 : memref<125x80xi32, #tpu.memory_space<vmem>>)
      tpu.yield
    }) : () -> ()
    "tpu.region"() ({
      %run_scoped3A = tpu.sem_alloc : memref<!tpu.dma_semaphore, #tpu.memory_space<semaphore_mem>>
      %dma_start3A = arith.constant 0 : i32
      %dma_start3A_38 = tpu.memref_slice %arg6[%add3A, %dma_start3A] : memref<32x10000xf32, #tpu.memory_space<hbm>> -> memref<1x10000xf32, #tpu.memory_space<hbm>>
      %dma_start3A_39 = tpu.memref_squeeze %dma_start3A_38 : memref<1x10000xf32, #tpu.memory_space<hbm>> -> memref<10000xf32, #tpu.memory_space<hbm>>
      %dma_start3A_40 = arith.constant 0 : i32
      %dma_start3A_41 = tpu.memref_slice %arg6[%add3A, %dma_start3A_40] : memref<32x10000xf32, #tpu.memory_space<hbm>> -> memref<1x10000xf32, #tpu.memory_space<hbm>>
      %dma_start3A_42 = tpu.memref_squeeze %dma_start3A_41 : memref<1x10000xf32, #tpu.memory_space<hbm>> -> memref<10000xf32, #tpu.memory_space<hbm>>
      tpu.enqueue_dma source(%dma_start3A_42 : memref<10000xf32, #tpu.memory_space<hbm>>) target(%arg10 : memref<10000xf32, #tpu.memory_space<vmem>>) target_semaphore(%run_scoped3A : memref<!tpu.dma_semaphore, #tpu.memory_space<semaphore_mem>>)
      %dma_wait3A = arith.constant 0 : i32
      %dma_wait3A_43 = tpu.memref_slice %arg6[%add3A, %dma_wait3A] : memref<32x10000xf32, #tpu.memory_space<hbm>> -> memref<1x10000xf32, #tpu.memory_space<hbm>>
      %dma_wait3A_44 = tpu.memref_squeeze %dma_wait3A_43 : memref<1x10000xf32, #tpu.memory_space<hbm>> -> memref<10000xf32, #tpu.memory_space<hbm>>
      %dma_wait3A_45 = arith.constant 0 : i32
      %dma_wait3A_46 = tpu.memref_slice %arg6[%add3A, %dma_wait3A_45] : memref<32x10000xf32, #tpu.memory_space<hbm>> -> memref<1x10000xf32, #tpu.memory_space<hbm>>
      %dma_wait3A_47 = tpu.memref_squeeze %dma_wait3A_46 : memref<1x10000xf32, #tpu.memory_space<hbm>> -> memref<10000xf32, #tpu.memory_space<hbm>>
      tpu.wait_dma2 semaphore(%run_scoped3A : memref<!tpu.dma_semaphore, #tpu.memory_space<semaphore_mem>>) src(%dma_wait3A_47 : memref<10000xf32, #tpu.memory_space<hbm>>) dst(%arg10 : memref<10000xf32, #tpu.memory_space<vmem>>)
      tpu.yield
    }) : () -> ()
    %scan3A_27 = arith.constant 0 : i32
    %scan3A_28 = arith.constant 0 : i32
    %scan3A_29 = arith.constant 125 : i32
    %scan3A_30 = arith.addi %scan3A_28, %scan3A_29 : i32
    %scan3A_31 = arith.constant 1 : i32
    scf.for %scan3A_38 = %scan3A_28 to %scan3A_30 step %scan3A_31  : i32 {
      %dma_start3A = arith.constant 0 : i32
      %dma_start3A_39 = tpu.memref_slice %arg8[%scan3A_38, %dma_start3A] : memref<125x80xi32, #tpu.memory_space<vmem>> -> memref<1x80xi32, #tpu.memory_space<vmem>>
      %dma_start3A_40 = tpu.memref_squeeze %dma_start3A_39 : memref<1x80xi32, #tpu.memory_space<vmem>> -> memref<80xi32, #tpu.memory_space<vmem>>
      %dma_start3A_41 = arith.constant 0 : i32
      %dma_start3A_42 = arith.constant 0 : i32
      %dma_start3A_43 = tpu.memref_slice %arg2[%dma_start3A_41, %dma_start3A_42] : memref<10000x16xf32, #tpu.memory_space<hbm>> -> memref<10000x16xf32, #tpu.memory_space<hbm>>
      tpu.enqueue_indirect_dma source(%dma_start3A_43 : memref<10000x16xf32, #tpu.memory_space<hbm>>) target(%arg11 : memref<80x16xf32, #tpu.memory_space<vmem>>) offsets(%dma_start3A_40 : memref<80xi32, #tpu.memory_space<vmem>>) semaphore(%arg15 : memref<!tpu.dma_semaphore, #tpu.memory_space<semaphore_mem>>)
      %dma_start3A_44 = arith.constant 0 : i32
      %dma_start3A_45 = tpu.memref_slice %arg8[%scan3A_38, %dma_start3A_44] : memref<125x80xi32, #tpu.memory_space<vmem>> -> memref<1x80xi32, #tpu.memory_space<vmem>>
      %dma_start3A_46 = tpu.memref_squeeze %dma_start3A_45 : memref<1x80xi32, #tpu.memory_space<vmem>> -> memref<80xi32, #tpu.memory_space<vmem>>
      %dma_start3A_47 = arith.constant 0 : i32
      %dma_start3A_48 = arith.constant 0 : i32
      %dma_start3A_49 = tpu.memref_slice %arg3[%dma_start3A_47, %dma_start3A_48] : memref<10000x16xf32, #tpu.memory_space<hbm>> -> memref<10000x16xf32, #tpu.memory_space<hbm>>
      tpu.enqueue_indirect_dma source(%dma_start3A_49 : memref<10000x16xf32, #tpu.memory_space<hbm>>) target(%arg12 : memref<80x16xf32, #tpu.memory_space<vmem>>) offsets(%dma_start3A_46 : memref<80xi32, #tpu.memory_space<vmem>>) semaphore(%arg16 : memref<!tpu.dma_semaphore, #tpu.memory_space<semaphore_mem>>)
      %dma_wait3A = arith.constant 0 : i32
      %dma_wait3A_50 = tpu.memref_slice %arg8[%scan3A_38, %dma_wait3A] : memref<125x80xi32, #tpu.memory_space<vmem>> -> memref<1x80xi32, #tpu.memory_space<vmem>>
      %dma_wait3A_51 = tpu.memref_squeeze %dma_wait3A_50 : memref<1x80xi32, #tpu.memory_space<vmem>> -> memref<80xi32, #tpu.memory_space<vmem>>
      %dma_wait3A_52 = arith.constant 0 : i32
      %dma_wait3A_53 = arith.constant 0 : i32
      %dma_wait3A_54 = tpu.memref_slice %arg2[%dma_wait3A_52, %dma_wait3A_53] : memref<10000x16xf32, #tpu.memory_space<hbm>> -> memref<10000x16xf32, #tpu.memory_space<hbm>>
      tpu.wait_indirect_dma semaphore(%arg15 : memref<!tpu.dma_semaphore, #tpu.memory_space<semaphore_mem>>) src(%dma_wait3A_54 : memref<10000x16xf32, #tpu.memory_space<hbm>>) dst(%arg11 : memref<80x16xf32, #tpu.memory_space<vmem>>)
      %dma_wait3A_55 = arith.constant 0 : i32
      %dma_wait3A_56 = tpu.memref_slice %arg8[%scan3A_38, %dma_wait3A_55] : memref<125x80xi32, #tpu.memory_space<vmem>> -> memref<1x80xi32, #tpu.memory_space<vmem>>
      %dma_wait3A_57 = tpu.memref_squeeze %dma_wait3A_56 : memref<1x80xi32, #tpu.memory_space<vmem>> -> memref<80xi32, #tpu.memory_space<vmem>>
      %dma_wait3A_58 = arith.constant 0 : i32
      %dma_wait3A_59 = arith.constant 0 : i32
      %dma_wait3A_60 = tpu.memref_slice %arg3[%dma_wait3A_58, %dma_wait3A_59] : memref<10000x16xf32, #tpu.memory_space<hbm>> -> memref<10000x16xf32, #tpu.memory_space<hbm>>
      tpu.wait_indirect_dma semaphore(%arg16 : memref<!tpu.dma_semaphore, #tpu.memory_space<semaphore_mem>>) src(%dma_wait3A_60 : memref<10000x16xf32, #tpu.memory_space<hbm>>) dst(%arg12 : memref<80x16xf32, #tpu.memory_space<vmem>>)
      %scan3A_61 = arith.constant 0 : i32
      %scan3A_62 = arith.constant 0 : i32
      %scan3A_63 = arith.constant 5 : i32
      %scan3A_64 = arith.addi %scan3A_62, %scan3A_63 : i32
      %scan3A_65 = arith.constant 1 : i32
      %scan3A_66 = scf.for %scan3A_68 = %scan3A_62 to %scan3A_64 step %scan3A_65 iter_args(%scan3A_69 = %scan3A_61) -> (i32)  : i32 {
        %mul3A_70 = arith.constant 5 : i32
        %mul3A_71 = arith.muli %scan3A_38, %mul3A_70 : i32
        %add3A_72 = arith.addi %mul3A_71, %scan3A_68 : i32
        %mul3A_73 = arith.constant 16 : i32
        %mul3A_74 = arith.muli %add3A_72, %mul3A_73 : i32
        %get3A = arith.index_cast %mul3A_74 : i32 to index
        %get3A_75 = tpu.vector_load %arg10[%get3A] {strides = array<i32>} : memref<10000xf32, #tpu.memory_space<vmem>>, vector<16xf32>,
        %get3A_76 = vector.shape_cast %get3A_75 : vector<16xf32> to vector<16xf32>
        %max3A = arith.constant 0.000000e+00 : f32
        %max3A_77 = vector.broadcast %max3A : f32 to vector<16xf32>
        %max3A_78 = arith.maximumf %get3A_76, %max3A_77 : vector<16xf32>
        %min3A = arith.constant 1.000000e+00 : f32
        %min3A_79 = vector.broadcast %min3A : f32 to vector<16xf32>
        %min3A_80 = arith.minimumf %max3A_78, %min3A_79 : vector<16xf32>
        %mul3A_81 = arith.constant 16 : i32
        %mul3A_82 = arith.muli %scan3A_68, %mul3A_81 : i32
        %add3A_83 = arith.constant 0 : i32
        %add3A_84 = arith.addi %mul3A_82, %add3A_83 : i32
        %slice3A = vector.extract_strided_slice %min3A_80 {offsets = [0], sizes = [1], strides = [1]} : vector<16xf32> to vector<1xf32>
        %squeeze3A = vector.extract %slice3A[0] : f32 from vector<1xf32>
        %broadcast_in_dim3A = vector.broadcast %squeeze3A : f32 to vector<16xf32>
        %get3A_85 = arith.index_cast %add3A_84 : i32 to index
        %get3A_86 = arith.constant 0 : index
        %get3A_87 = tpu.vector_load %arg11[%get3A_85, %get3A_86] {strides = array<i32>} : memref<80x16xf32, #tpu.memory_space<vmem>>, vector<1x16xf32>,
        %get3A_88 = vector.shape_cast %get3A_87 : vector<1x16xf32> to vector<16xf32>
        %get3A_89 = arith.index_cast %add3A_84 : i32 to index
        %get3A_90 = arith.constant 0 : index
        %get3A_91 = tpu.vector_load %arg12[%get3A_89, %get3A_90] {strides = array<i32>} : memref<80x16xf32, #tpu.memory_space<vmem>>, vector<1x16xf32>,
        %get3A_92 = vector.shape_cast %get3A_91 : vector<1x16xf32> to vector<16xf32>
        %sub3A = arith.subf %get3A_92, %get3A_88 : vector<16xf32>
        %mul3A_93 = arith.mulf %broadcast_in_dim3A, %sub3A : vector<16xf32>
        %add3A_94 = arith.addf %get3A_88, %mul3A_93 : vector<16xf32>
        %swap3A = arith.index_cast %add3A_84 : i32 to index
        %swap3A_95 = arith.constant 0 : index
        %swap3A_96 = tpu.vector_load %arg11[%swap3A, %swap3A_95] {strides = array<i32>} : memref<80x16xf32, #tpu.memory_space<vmem>>, vector<1x16xf32>,
        %swap3A_97 = vector.shape_cast %swap3A_96 : vector<1x16xf32> to vector<16xf32>
        %swap3A_98 = vector.shape_cast %add3A_94 : vector<16xf32> to vector<1x16xf32>
        tpu.vector_store %arg11[%swap3A, %swap3A_95], %swap3A_98 {strides = array<i32>} : memref<80x16xf32, #tpu.memory_space<vmem>>, vector<1x16xf32>,
        %mul3A_99 = arith.constant 16 : i32
        %mul3A_100 = arith.muli %scan3A_68, %mul3A_99 : i32
        %add3A_101 = arith.constant 1 : i32
        %add3A_102 = arith.addi %mul3A_100, %add3A_101 : i32
        %slice3A_103 = vector.extract_strided_slice %min3A_80 {offsets = [1], sizes = [1], strides = [1]} : vector<16xf32> to vector<1xf32>
        %squeeze3A_104 = vector.extract %slice3A_103[0] : f32 from vector<1xf32>
        %broadcast_in_dim3A_105 = vector.broadcast %squeeze3A_104 : f32 to vector<16xf32>
        %get3A_106 = arith.index_cast %add3A_102 : i32 to index
        %get3A_107 = arith.constant 0 : index
        %get3A_108 = tpu.vector_load %arg11[%get3A_106, %get3A_107] {strides = array<i32>} : memref<80x16xf32, #tpu.memory_space<vmem>>, vector<1x16xf32>,
        %get3A_109 = vector.shape_cast %get3A_108 : vector<1x16xf32> to vector<16xf32>
        %get3A_110 = arith.index_cast %add3A_102 : i32 to index
        %get3A_111 = arith.constant 0 : index
        %get3A_112 = tpu.vector_load %arg12[%get3A_110, %get3A_111] {strides = array<i32>} : memref<80x16xf32, #tpu.memory_space<vmem>>, vector<1x16xf32>,
        %get3A_113 = vector.shape_cast %get3A_112 : vector<1x16xf32> to vector<16xf32>
        %sub3A_114 = arith.subf %get3A_113, %get3A_109 : vector<16xf32>
        %mul3A_115 = arith.mulf %broadcast_in_dim3A_105, %sub3A_114 : vector<16xf32>
        %add3A_116 = arith.addf %get3A_109, %mul3A_115 : vector<16xf32>
        %swap3A_117 = arith.index_cast %add3A_102 : i32 to index
        %swap3A_118 = arith.constant 0 : index
        %swap3A_119 = tpu.vector_load %arg11[%swap3A_117, %swap3A_118] {strides = array<i32>} : memref<80x16xf32, #tpu.memory_space<vmem>>, vector<1x16xf32>,
        %swap3A_120 = vector.shape_cast %swap3A_119 : vector<1x16xf32> to vector<16xf32>
        %swap3A_121 = vector.shape_cast %add3A_116 : vector<16xf32> to vector<1x16xf32>
        tpu.vector_store %arg11[%swap3A_117, %swap3A_118], %swap3A_121 {strides = array<i32>} : memref<80x16xf32, #tpu.memory_space<vmem>>, vector<1x16xf32>,
        %mul3A_122 = arith.constant 16 : i32
        %mul3A_123 = arith.muli %scan3A_68, %mul3A_122 : i32
        %add3A_124 = arith.constant 2 : i32
        %add3A_125 = arith.addi %mul3A_123, %add3A_124 : i32
        %slice3A_126 = vector.extract_strided_slice %min3A_80 {offsets = [2], sizes = [1], strides = [1]} : vector<16xf32> to vector<1xf32>
        %squeeze3A_127 = vector.extract %slice3A_126[0] : f32 from vector<1xf32>
        %broadcast_in_dim3A_128 = vector.broadcast %squeeze3A_127 : f32 to vector<16xf32>
        %get3A_129 = arith.index_cast %add3A_125 : i32 to index
        %get3A_130 = arith.constant 0 : index
        %get3A_131 = tpu.vector_load %arg11[%get3A_129, %get3A_130] {strides = array<i32>} : memref<80x16xf32, #tpu.memory_space<vmem>>, vector<1x16xf32>,
        %get3A_132 = vector.shape_cast %get3A_131 : vector<1x16xf32> to vector<16xf32>
        %get3A_133 = arith.index_cast %add3A_125 : i32 to index
        %get3A_134 = arith.constant 0 : index
        %get3A_135 = tpu.vector_load %arg12[%get3A_133, %get3A_134] {strides = array<i32>} : memref<80x16xf32, #tpu.memory_space<vmem>>, vector<1x16xf32>,
        %get3A_136 = vector.shape_cast %get3A_135 : vector<1x16xf32> to vector<16xf32>
        %sub3A_137 = arith.subf %get3A_136, %get3A_132 : vector<16xf32>
        %mul3A_138 = arith.mulf %broadcast_in_dim3A_128, %sub3A_137 : vector<16xf32>
        %add3A_139 = arith.addf %get3A_132, %mul3A_138 : vector<16xf32>
        %swap3A_140 = arith.index_cast %add3A_125 : i32 to index
        %swap3A_141 = arith.constant 0 : index
        %swap3A_142 = tpu.vector_load %arg11[%swap3A_140, %swap3A_141] {strides = array<i32>} : memref<80x16xf32, #tpu.memory_space<vmem>>, vector<1x16xf32>,
        %swap3A_143 = vector.shape_cast %swap3A_142 : vector<1x16xf32> to vector<16xf32>
        %swap3A_144 = vector.shape_cast %add3A_139 : vector<16xf32> to vector<1x16xf32>
        tpu.vector_store %arg11[%swap3A_140, %swap3A_141], %swap3A_144 {strides = array<i32>} : memref<80x16xf32, #tpu.memory_space<vmem>>, vector<1x16xf32>,
        %mul3A_145 = arith.constant 16 : i32
        %mul3A_146 = arith.muli %scan3A_68, %mul3A_145 : i32
        %add3A_147 = arith.constant 3 : i32
        %add3A_148 = arith.addi %mul3A_146, %add3A_147 : i32
        %slice3A_149 = vector.extract_strided_slice %min3A_80 {offsets = [3], sizes = [1], strides = [1]} : vector<16xf32> to vector<1xf32>
        %squeeze3A_150 = vector.extract %slice3A_149[0] : f32 from vector<1xf32>
        %broadcast_in_dim3A_151 = vector.broadcast %squeeze3A_150 : f32 to vector<16xf32>
        %get3A_152 = arith.index_cast %add3A_148 : i32 to index
        %get3A_153 = arith.constant 0 : index
        %get3A_154 = tpu.vector_load %arg11[%get3A_152, %get3A_153] {strides = array<i32>} : memref<80x16xf32, #tpu.memory_space<vmem>>, vector<1x16xf32>,
        %get3A_155 = vector.shape_cast %get3A_154 : vector<1x16xf32> to vector<16xf32>
        %get3A_156 = arith.index_cast %add3A_148 : i32 to index
        %get3A_157 = arith.constant 0 : index
        %get3A_158 = tpu.vector_load %arg12[%get3A_156, %get3A_157] {strides = array<i32>} : memref<80x16xf32, #tpu.memory_space<vmem>>, vector<1x16xf32>,
        %get3A_159 = vector.shape_cast %get3A_158 : vector<1x16xf32> to vector<16xf32>
        %sub3A_160 = arith.subf %get3A_159, %get3A_155 : vector<16xf32>
        %mul3A_161 = arith.mulf %broadcast_in_dim3A_151, %sub3A_160 : vector<16xf32>
        %add3A_162 = arith.addf %get3A_155, %mul3A_161 : vector<16xf32>
        %swap3A_163 = arith.index_cast %add3A_148 : i32 to index
        %swap3A_164 = arith.constant 0 : index
        %swap3A_165 = tpu.vector_load %arg11[%swap3A_163, %swap3A_164] {strides = array<i32>} : memref<80x16xf32, #tpu.memory_space<vmem>>, vector<1x16xf32>,
        %swap3A_166 = vector.shape_cast %swap3A_165 : vector<1x16xf32> to vector<16xf32>
        %swap3A_167 = vector.shape_cast %add3A_162 : vector<16xf32> to vector<1x16xf32>
        tpu.vector_store %arg11[%swap3A_163, %swap3A_164], %swap3A_167 {strides = array<i32>} : memref<80x16xf32, #tpu.memory_space<vmem>>, vector<1x16xf32>,
        %mul3A_168 = arith.constant 16 : i32
        %mul3A_169 = arith.muli %scan3A_68, %mul3A_168 : i32
        %add3A_170 = arith.constant 4 : i32
        %add3A_171 = arith.addi %mul3A_169, %add3A_170 : i32
        %slice3A_172 = vector.extract_strided_slice %min3A_80 {offsets = [4], sizes = [1], strides = [1]} : vector<16xf32> to vector<1xf32>
        %squeeze3A_173 = vector.extract %slice3A_172[0] : f32 from vector<1xf32>
        %broadcast_in_dim3A_174 = vector.broadcast %squeeze3A_173 : f32 to vector<16xf32>
        %get3A_175 = arith.index_cast %add3A_171 : i32 to index
        %get3A_176 = arith.constant 0 : index
        %get3A_177 = tpu.vector_load %arg11[%get3A_175, %get3A_176] {strides = array<i32>} : memref<80x16xf32, #tpu.memory_space<vmem>>, vector<1x16xf32>,
        %get3A_178 = vector.shape_cast %get3A_177 : vector<1x16xf32> to vector<16xf32>
        %get3A_179 = arith.index_cast %add3A_171 : i32 to index
        %get3A_180 = arith.constant 0 : index
        %get3A_181 = tpu.vector_load %arg12[%get3A_179, %get3A_180] {strides = array<i32>} : memref<80x16xf32, #tpu.memory_space<vmem>>, vector<1x16xf32>,
        %get3A_182 = vector.shape_cast %get3A_181 : vector<1x16xf32> to vector<16xf32>
        %sub3A_183 = arith.subf %get3A_182, %get3A_178 : vector<16xf32>
        %mul3A_184 = arith.mulf %broadcast_in_dim3A_174, %sub3A_183 : vector<16xf32>
        %add3A_185 = arith.addf %get3A_178, %mul3A_184 : vector<16xf32>
        %swap3A_186 = arith.index_cast %add3A_171 : i32 to index
        %swap3A_187 = arith.constant 0 : index
        %swap3A_188 = tpu.vector_load %arg11[%swap3A_186, %swap3A_187] {strides = array<i32>} : memref<80x16xf32, #tpu.memory_space<vmem>>, vector<1x16xf32>,
        %swap3A_189 = vector.shape_cast %swap3A_188 : vector<1x16xf32> to vector<16xf32>
        %swap3A_190 = vector.shape_cast %add3A_185 : vector<16xf32> to vector<1x16xf32>
        tpu.vector_store %arg11[%swap3A_186, %swap3A_187], %swap3A_190 {strides = array<i32>} : memref<80x16xf32, #tpu.memory_space<vmem>>, vector<1x16xf32>,
        %mul3A_191 = arith.constant 16 : i32
        %mul3A_192 = arith.muli %scan3A_68, %mul3A_191 : i32
        %add3A_193 = arith.constant 5 : i32
        %add3A_194 = arith.addi %mul3A_192, %add3A_193 : i32
        %slice3A_195 = vector.extract_strided_slice %min3A_80 {offsets = [5], sizes = [1], strides = [1]} : vector<16xf32> to vector<1xf32>
        %squeeze3A_196 = vector.extract %slice3A_195[0] : f32 from vector<1xf32>
        %broadcast_in_dim3A_197 = vector.broadcast %squeeze3A_196 : f32 to vector<16xf32>
        %get3A_198 = arith.index_cast %add3A_194 : i32 to index
        %get3A_199 = arith.constant 0 : index
        %get3A_200 = tpu.vector_load %arg11[%get3A_198, %get3A_199] {strides = array<i32>} : memref<80x16xf32, #tpu.memory_space<vmem>>, vector<1x16xf32>,
        %get3A_201 = vector.shape_cast %get3A_200 : vector<1x16xf32> to vector<16xf32>
        %get3A_202 = arith.index_cast %add3A_194 : i32 to index
        %get3A_203 = arith.constant 0 : index
        %get3A_204 = tpu.vector_load %arg12[%get3A_202, %get3A_203] {strides = array<i32>} : memref<80x16xf32, #tpu.memory_space<vmem>>, vector<1x16xf32>,
        %get3A_205 = vector.shape_cast %get3A_204 : vector<1x16xf32> to vector<16xf32>
        %sub3A_206 = arith.subf %get3A_205, %get3A_201 : vector<16xf32>
        %mul3A_207 = arith.mulf %broadcast_in_dim3A_197, %sub3A_206 : vector<16xf32>
        %add3A_208 = arith.addf %get3A_201, %mul3A_207 : vector<16xf32>
        %swap3A_209 = arith.index_cast %add3A_194 : i32 to index
        %swap3A_210 = arith.constant 0 : index
        %swap3A_211 = tpu.vector_load %arg11[%swap3A_209, %swap3A_210] {strides = array<i32>} : memref<80x16xf32, #tpu.memory_space<vmem>>, vector<1x16xf32>,
        %swap3A_212 = vector.shape_cast %swap3A_211 : vector<1x16xf32> to vector<16xf32>
        %swap3A_213 = vector.shape_cast %add3A_208 : vector<16xf32> to vector<1x16xf32>
        tpu.vector_store %arg11[%swap3A_209, %swap3A_210], %swap3A_213 {strides = array<i32>} : memref<80x16xf32, #tpu.memory_space<vmem>>, vector<1x16xf32>,
        %mul3A_214 = arith.constant 16 : i32
        %mul3A_215 = arith.muli %scan3A_68, %mul3A_214 : i32
        %add3A_216 = arith.constant 6 : i32
        %add3A_217 = arith.addi %mul3A_215, %add3A_216 : i32
        %slice3A_218 = vector.extract_strided_slice %min3A_80 {offsets = [6], sizes = [1], strides = [1]} : vector<16xf32> to vector<1xf32>
        %squeeze3A_219 = vector.extract %slice3A_218[0] : f32 from vector<1xf32>
        %broadcast_in_dim3A_220 = vector.broadcast %squeeze3A_219 : f32 to vector<16xf32>
        %get3A_221 = arith.index_cast %add3A_217 : i32 to index
        %get3A_222 = arith.constant 0 : index
        %get3A_223 = tpu.vector_load %arg11[%get3A_221, %get3A_222] {strides = array<i32>} : memref<80x16xf32, #tpu.memory_space<vmem>>, vector<1x16xf32>,
        %get3A_224 = vector.shape_cast %get3A_223 : vector<1x16xf32> to vector<16xf32>
        %get3A_225 = arith.index_cast %add3A_217 : i32 to index
        %get3A_226 = arith.constant 0 : index
        %get3A_227 = tpu.vector_load %arg12[%get3A_225, %get3A_226] {strides = array<i32>} : memref<80x16xf32, #tpu.memory_space<vmem>>, vector<1x16xf32>,
        %get3A_228 = vector.shape_cast %get3A_227 : vector<1x16xf32> to vector<16xf32>
        %sub3A_229 = arith.subf %get3A_228, %get3A_224 : vector<16xf32>
        %mul3A_230 = arith.mulf %broadcast_in_dim3A_220, %sub3A_229 : vector<16xf32>
        %add3A_231 = arith.addf %get3A_224, %mul3A_230 : vector<16xf32>
        %swap3A_232 = arith.index_cast %add3A_217 : i32 to index
        %swap3A_233 = arith.constant 0 : index
        %swap3A_234 = tpu.vector_load %arg11[%swap3A_232, %swap3A_233] {strides = array<i32>} : memref<80x16xf32, #tpu.memory_space<vmem>>, vector<1x16xf32>,
        %swap3A_235 = vector.shape_cast %swap3A_234 : vector<1x16xf32> to vector<16xf32>
        %swap3A_236 = vector.shape_cast %add3A_231 : vector<16xf32> to vector<1x16xf32>
        tpu.vector_store %arg11[%swap3A_232, %swap3A_233], %swap3A_236 {strides = array<i32>} : memref<80x16xf32, #tpu.memory_space<vmem>>, vector<1x16xf32>,
        %mul3A_237 = arith.constant 16 : i32
        %mul3A_238 = arith.muli %scan3A_68, %mul3A_237 : i32
        %add3A_239 = arith.constant 7 : i32
        %add3A_240 = arith.addi %mul3A_238, %add3A_239 : i32
        %slice3A_241 = vector.extract_strided_slice %min3A_80 {offsets = [7], sizes = [1], strides = [1]} : vector<16xf32> to vector<1xf32>
        %squeeze3A_242 = vector.extract %slice3A_241[0] : f32 from vector<1xf32>
        %broadcast_in_dim3A_243 = vector.broadcast %squeeze3A_242 : f32 to vector<16xf32>
        %get3A_244 = arith.index_cast %add3A_240 : i32 to index
        %get3A_245 = arith.constant 0 : index
        %get3A_246 = tpu.vector_load %arg11[%get3A_244, %get3A_245] {strides = array<i32>} : memref<80x16xf32, #tpu.memory_space<vmem>>, vector<1x16xf32>,
        %get3A_247 = vector.shape_cast %get3A_246 : vector<1x16xf32> to vector<16xf32>
        %get3A_248 = arith.index_cast %add3A_240 : i32 to index
        %get3A_249 = arith.constant 0 : index
        %get3A_250 = tpu.vector_load %arg12[%get3A_248, %get3A_249] {strides = array<i32>} : memref<80x16xf32, #tpu.memory_space<vmem>>, vector<1x16xf32>,
        %get3A_251 = vector.shape_cast %get3A_250 : vector<1x16xf32> to vector<16xf32>
        %sub3A_252 = arith.subf %get3A_251, %get3A_247 : vector<16xf32>
        %mul3A_253 = arith.mulf %broadcast_in_dim3A_243, %sub3A_252 : vector<16xf32>
        %add3A_254 = arith.addf %get3A_247, %mul3A_253 : vector<16xf32>
        %swap3A_255 = arith.index_cast %add3A_240 : i32 to index
        %swap3A_256 = arith.constant 0 : index
        %swap3A_257 = tpu.vector_load %arg11[%swap3A_255, %swap3A_256] {strides = array<i32>} : memref<80x16xf32, #tpu.memory_space<vmem>>, vector<1x16xf32>,
        %swap3A_258 = vector.shape_cast %swap3A_257 : vector<1x16xf32> to vector<16xf32>
        %swap3A_259 = vector.shape_cast %add3A_254 : vector<16xf32> to vector<1x16xf32>
        tpu.vector_store %arg11[%swap3A_255, %swap3A_256], %swap3A_259 {strides = array<i32>} : memref<80x16xf32, #tpu.memory_space<vmem>>, vector<1x16xf32>,
        %mul3A_260 = arith.constant 16 : i32
        %mul3A_261 = arith.muli %scan3A_68, %mul3A_260 : i32
        %add3A_262 = arith.constant 8 : i32
        %add3A_263 = arith.addi %mul3A_261, %add3A_262 : i32
        %slice3A_264 = vector.extract_strided_slice %min3A_80 {offsets = [8], sizes = [1], strides = [1]} : vector<16xf32> to vector<1xf32>
        %squeeze3A_265 = vector.extract %slice3A_264[0] : f32 from vector<1xf32>
        %broadcast_in_dim3A_266 = vector.broadcast %squeeze3A_265 : f32 to vector<16xf32>
        %get3A_267 = arith.index_cast %add3A_263 : i32 to index
        %get3A_268 = arith.constant 0 : index
        %get3A_269 = tpu.vector_load %arg11[%get3A_267, %get3A_268] {strides = array<i32>} : memref<80x16xf32, #tpu.memory_space<vmem>>, vector<1x16xf32>,
        %get3A_270 = vector.shape_cast %get3A_269 : vector<1x16xf32> to vector<16xf32>
        %get3A_271 = arith.index_cast %add3A_263 : i32 to index
        %get3A_272 = arith.constant 0 : index
        %get3A_273 = tpu.vector_load %arg12[%get3A_271, %get3A_272] {strides = array<i32>} : memref<80x16xf32, #tpu.memory_space<vmem>>, vector<1x16xf32>,
        %get3A_274 = vector.shape_cast %get3A_273 : vector<1x16xf32> to vector<16xf32>
        %sub3A_275 = arith.subf %get3A_274, %get3A_270 : vector<16xf32>
        %mul3A_276 = arith.mulf %broadcast_in_dim3A_266, %sub3A_275 : vector<16xf32>
        %add3A_277 = arith.addf %get3A_270, %mul3A_276 : vector<16xf32>
        %swap3A_278 = arith.index_cast %add3A_263 : i32 to index
        %swap3A_279 = arith.constant 0 : index
        %swap3A_280 = tpu.vector_load %arg11[%swap3A_278, %swap3A_279] {strides = array<i32>} : memref<80x16xf32, #tpu.memory_space<vmem>>, vector<1x16xf32>,
        %swap3A_281 = vector.shape_cast %swap3A_280 : vector<1x16xf32> to vector<16xf32>
        %swap3A_282 = vector.shape_cast %add3A_277 : vector<16xf32> to vector<1x16xf32>
        tpu.vector_store %arg11[%swap3A_278, %swap3A_279], %swap3A_282 {strides = array<i32>} : memref<80x16xf32, #tpu.memory_space<vmem>>, vector<1x16xf32>,
        %mul3A_283 = arith.constant 16 : i32
        %mul3A_284 = arith.muli %scan3A_68, %mul3A_283 : i32
        %add3A_285 = arith.constant 9 : i32
        %add3A_286 = arith.addi %mul3A_284, %add3A_285 : i32
        %slice3A_287 = vector.extract_strided_slice %min3A_80 {offsets = [9], sizes = [1], strides = [1]} : vector<16xf32> to vector<1xf32>
        %squeeze3A_288 = vector.extract %slice3A_287[0] : f32 from vector<1xf32>
        %broadcast_in_dim3A_289 = vector.broadcast %squeeze3A_288 : f32 to vector<16xf32>
        %get3A_290 = arith.index_cast %add3A_286 : i32 to index
        %get3A_291 = arith.constant 0 : index
        %get3A_292 = tpu.vector_load %arg11[%get3A_290, %get3A_291] {strides = array<i32>} : memref<80x16xf32, #tpu.memory_space<vmem>>, vector<1x16xf32>,
        %get3A_293 = vector.shape_cast %get3A_292 : vector<1x16xf32> to vector<16xf32>
        %get3A_294 = arith.index_cast %add3A_286 : i32 to index
        %get3A_295 = arith.constant 0 : index
        %get3A_296 = tpu.vector_load %arg12[%get3A_294, %get3A_295] {strides = array<i32>} : memref<80x16xf32, #tpu.memory_space<vmem>>, vector<1x16xf32>,
        %get3A_297 = vector.shape_cast %get3A_296 : vector<1x16xf32> to vector<16xf32>
        %sub3A_298 = arith.subf %get3A_297, %get3A_293 : vector<16xf32>
        %mul3A_299 = arith.mulf %broadcast_in_dim3A_289, %sub3A_298 : vector<16xf32>
        %add3A_300 = arith.addf %get3A_293, %mul3A_299 : vector<16xf32>
        %swap3A_301 = arith.index_cast %add3A_286 : i32 to index
        %swap3A_302 = arith.constant 0 : index
        %swap3A_303 = tpu.vector_load %arg11[%swap3A_301, %swap3A_302] {strides = array<i32>} : memref<80x16xf32, #tpu.memory_space<vmem>>, vector<1x16xf32>,
        %swap3A_304 = vector.shape_cast %swap3A_303 : vector<1x16xf32> to vector<16xf32>
        %swap3A_305 = vector.shape_cast %add3A_300 : vector<16xf32> to vector<1x16xf32>
        tpu.vector_store %arg11[%swap3A_301, %swap3A_302], %swap3A_305 {strides = array<i32>} : memref<80x16xf32, #tpu.memory_space<vmem>>, vector<1x16xf32>,
        %mul3A_306 = arith.constant 16 : i32
        %mul3A_307 = arith.muli %scan3A_68, %mul3A_306 : i32
        %add3A_308 = arith.constant 10 : i32
        %add3A_309 = arith.addi %mul3A_307, %add3A_308 : i32
        %slice3A_310 = vector.extract_strided_slice %min3A_80 {offsets = [10], sizes = [1], strides = [1]} : vector<16xf32> to vector<1xf32>
        %squeeze3A_311 = vector.extract %slice3A_310[0] : f32 from vector<1xf32>
        %broadcast_in_dim3A_312 = vector.broadcast %squeeze3A_311 : f32 to vector<16xf32>
        %get3A_313 = arith.index_cast %add3A_309 : i32 to index
        %get3A_314 = arith.constant 0 : index
        %get3A_315 = tpu.vector_load %arg11[%get3A_313, %get3A_314] {strides = array<i32>} : memref<80x16xf32, #tpu.memory_space<vmem>>, vector<1x16xf32>,
        %get3A_316 = vector.shape_cast %get3A_315 : vector<1x16xf32> to vector<16xf32>
        %get3A_317 = arith.index_cast %add3A_309 : i32 to index
        %get3A_318 = arith.constant 0 : index
        %get3A_319 = tpu.vector_load %arg12[%get3A_317, %get3A_318] {strides = array<i32>} : memref<80x16xf32, #tpu.memory_space<vmem>>, vector<1x16xf32>,
        %get3A_320 = vector.shape_cast %get3A_319 : vector<1x16xf32> to vector<16xf32>
        %sub3A_321 = arith.subf %get3A_320, %get3A_316 : vector<16xf32>
        %mul3A_322 = arith.mulf %broadcast_in_dim3A_312, %sub3A_321 : vector<16xf32>
        %add3A_323 = arith.addf %get3A_316, %mul3A_322 : vector<16xf32>
        %swap3A_324 = arith.index_cast %add3A_309 : i32 to index
        %swap3A_325 = arith.constant 0 : index
        %swap3A_326 = tpu.vector_load %arg11[%swap3A_324, %swap3A_325] {strides = array<i32>} : memref<80x16xf32, #tpu.memory_space<vmem>>, vector<1x16xf32>,
        %swap3A_327 = vector.shape_cast %swap3A_326 : vector<1x16xf32> to vector<16xf32>
        %swap3A_328 = vector.shape_cast %add3A_323 : vector<16xf32> to vector<1x16xf32>
        tpu.vector_store %arg11[%swap3A_324, %swap3A_325], %swap3A_328 {strides = array<i32>} : memref<80x16xf32, #tpu.memory_space<vmem>>, vector<1x16xf32>,
        %mul3A_329 = arith.constant 16 : i32
        %mul3A_330 = arith.muli %scan3A_68, %mul3A_329 : i32
        %add3A_331 = arith.constant 11 : i32
        %add3A_332 = arith.addi %mul3A_330, %add3A_331 : i32
        %slice3A_333 = vector.extract_strided_slice %min3A_80 {offsets = [11], sizes = [1], strides = [1]} : vector<16xf32> to vector<1xf32>
        %squeeze3A_334 = vector.extract %slice3A_333[0] : f32 from vector<1xf32>
        %broadcast_in_dim3A_335 = vector.broadcast %squeeze3A_334 : f32 to vector<16xf32>
        %get3A_336 = arith.index_cast %add3A_332 : i32 to index
        %get3A_337 = arith.constant 0 : index
        %get3A_338 = tpu.vector_load %arg11[%get3A_336, %get3A_337] {strides = array<i32>} : memref<80x16xf32, #tpu.memory_space<vmem>>, vector<1x16xf32>,
        %get3A_339 = vector.shape_cast %get3A_338 : vector<1x16xf32> to vector<16xf32>
        %get3A_340 = arith.index_cast %add3A_332 : i32 to index
        %get3A_341 = arith.constant 0 : index
        %get3A_342 = tpu.vector_load %arg12[%get3A_340, %get3A_341] {strides = array<i32>} : memref<80x16xf32, #tpu.memory_space<vmem>>, vector<1x16xf32>,
        %get3A_343 = vector.shape_cast %get3A_342 : vector<1x16xf32> to vector<16xf32>
        %sub3A_344 = arith.subf %get3A_343, %get3A_339 : vector<16xf32>
        %mul3A_345 = arith.mulf %broadcast_in_dim3A_335, %sub3A_344 : vector<16xf32>
        %add3A_346 = arith.addf %get3A_339, %mul3A_345 : vector<16xf32>
        %swap3A_347 = arith.index_cast %add3A_332 : i32 to index
        %swap3A_348 = arith.constant 0 : index
        %swap3A_349 = tpu.vector_load %arg11[%swap3A_347, %swap3A_348] {strides = array<i32>} : memref<80x16xf32, #tpu.memory_space<vmem>>, vector<1x16xf32>,
        %swap3A_350 = vector.shape_cast %swap3A_349 : vector<1x16xf32> to vector<16xf32>
        %swap3A_351 = vector.shape_cast %add3A_346 : vector<16xf32> to vector<1x16xf32>
        tpu.vector_store %arg11[%swap3A_347, %swap3A_348], %swap3A_351 {strides = array<i32>} : memref<80x16xf32, #tpu.memory_space<vmem>>, vector<1x16xf32>,
        %mul3A_352 = arith.constant 16 : i32
        %mul3A_353 = arith.muli %scan3A_68, %mul3A_352 : i32
        %add3A_354 = arith.constant 12 : i32
        %add3A_355 = arith.addi %mul3A_353, %add3A_354 : i32
        %slice3A_356 = vector.extract_strided_slice %min3A_80 {offsets = [12], sizes = [1], strides = [1]} : vector<16xf32> to vector<1xf32>
        %squeeze3A_357 = vector.extract %slice3A_356[0] : f32 from vector<1xf32>
        %broadcast_in_dim3A_358 = vector.broadcast %squeeze3A_357 : f32 to vector<16xf32>
        %get3A_359 = arith.index_cast %add3A_355 : i32 to index
        %get3A_360 = arith.constant 0 : index
        %get3A_361 = tpu.vector_load %arg11[%get3A_359, %get3A_360] {strides = array<i32>} : memref<80x16xf32, #tpu.memory_space<vmem>>, vector<1x16xf32>,
        %get3A_362 = vector.shape_cast %get3A_361 : vector<1x16xf32> to vector<16xf32>
        %get3A_363 = arith.index_cast %add3A_355 : i32 to index
        %get3A_364 = arith.constant 0 : index
        %get3A_365 = tpu.vector_load %arg12[%get3A_363, %get3A_364] {strides = array<i32>} : memref<80x16xf32, #tpu.memory_space<vmem>>, vector<1x16xf32>,
        %get3A_366 = vector.shape_cast %get3A_365 : vector<1x16xf32> to vector<16xf32>
        %sub3A_367 = arith.subf %get3A_366, %get3A_362 : vector<16xf32>
        %mul3A_368 = arith.mulf %broadcast_in_dim3A_358, %sub3A_367 : vector<16xf32>
        %add3A_369 = arith.addf %get3A_362, %mul3A_368 : vector<16xf32>
        %swap3A_370 = arith.index_cast %add3A_355 : i32 to index
        %swap3A_371 = arith.constant 0 : index
        %swap3A_372 = tpu.vector_load %arg11[%swap3A_370, %swap3A_371] {strides = array<i32>} : memref<80x16xf32, #tpu.memory_space<vmem>>, vector<1x16xf32>,
        %swap3A_373 = vector.shape_cast %swap3A_372 : vector<1x16xf32> to vector<16xf32>
        %swap3A_374 = vector.shape_cast %add3A_369 : vector<16xf32> to vector<1x16xf32>
        tpu.vector_store %arg11[%swap3A_370, %swap3A_371], %swap3A_374 {strides = array<i32>} : memref<80x16xf32, #tpu.memory_space<vmem>>, vector<1x16xf32>,
        %mul3A_375 = arith.constant 16 : i32
        %mul3A_376 = arith.muli %scan3A_68, %mul3A_375 : i32
        %add3A_377 = arith.constant 13 : i32
        %add3A_378 = arith.addi %mul3A_376, %add3A_377 : i32
        %slice3A_379 = vector.extract_strided_slice %min3A_80 {offsets = [13], sizes = [1], strides = [1]} : vector<16xf32> to vector<1xf32>
        %squeeze3A_380 = vector.extract %slice3A_379[0] : f32 from vector<1xf32>
        %broadcast_in_dim3A_381 = vector.broadcast %squeeze3A_380 : f32 to vector<16xf32>
        %get3A_382 = arith.index_cast %add3A_378 : i32 to index
        %get3A_383 = arith.constant 0 : index
        %get3A_384 = tpu.vector_load %arg11[%get3A_382, %get3A_383] {strides = array<i32>} : memref<80x16xf32, #tpu.memory_space<vmem>>, vector<1x16xf32>,
        %get3A_385 = vector.shape_cast %get3A_384 : vector<1x16xf32> to vector<16xf32>
        %get3A_386 = arith.index_cast %add3A_378 : i32 to index
        %get3A_387 = arith.constant 0 : index
        %get3A_388 = tpu.vector_load %arg12[%get3A_386, %get3A_387] {strides = array<i32>} : memref<80x16xf32, #tpu.memory_space<vmem>>, vector<1x16xf32>,
        %get3A_389 = vector.shape_cast %get3A_388 : vector<1x16xf32> to vector<16xf32>
        %sub3A_390 = arith.subf %get3A_389, %get3A_385 : vector<16xf32>
        %mul3A_391 = arith.mulf %broadcast_in_dim3A_381, %sub3A_390 : vector<16xf32>
        %add3A_392 = arith.addf %get3A_385, %mul3A_391 : vector<16xf32>
        %swap3A_393 = arith.index_cast %add3A_378 : i32 to index
        %swap3A_394 = arith.constant 0 : index
        %swap3A_395 = tpu.vector_load %arg11[%swap3A_393, %swap3A_394] {strides = array<i32>} : memref<80x16xf32, #tpu.memory_space<vmem>>, vector<1x16xf32>,
        %swap3A_396 = vector.shape_cast %swap3A_395 : vector<1x16xf32> to vector<16xf32>
        %swap3A_397 = vector.shape_cast %add3A_392 : vector<16xf32> to vector<1x16xf32>
        tpu.vector_store %arg11[%swap3A_393, %swap3A_394], %swap3A_397 {strides = array<i32>} : memref<80x16xf32, #tpu.memory_space<vmem>>, vector<1x16xf32>,
        %mul3A_398 = arith.constant 16 : i32
        %mul3A_399 = arith.muli %scan3A_68, %mul3A_398 : i32
        %add3A_400 = arith.constant 14 : i32
        %add3A_401 = arith.addi %mul3A_399, %add3A_400 : i32
        %slice3A_402 = vector.extract_strided_slice %min3A_80 {offsets = [14], sizes = [1], strides = [1]} : vector<16xf32> to vector<1xf32>
        %squeeze3A_403 = vector.extract %slice3A_402[0] : f32 from vector<1xf32>
        %broadcast_in_dim3A_404 = vector.broadcast %squeeze3A_403 : f32 to vector<16xf32>
        %get3A_405 = arith.index_cast %add3A_401 : i32 to index
        %get3A_406 = arith.constant 0 : index
        %get3A_407 = tpu.vector_load %arg11[%get3A_405, %get3A_406] {strides = array<i32>} : memref<80x16xf32, #tpu.memory_space<vmem>>, vector<1x16xf32>,
        %get3A_408 = vector.shape_cast %get3A_407 : vector<1x16xf32> to vector<16xf32>
        %get3A_409 = arith.index_cast %add3A_401 : i32 to index
        %get3A_410 = arith.constant 0 : index
        %get3A_411 = tpu.vector_load %arg12[%get3A_409, %get3A_410] {strides = array<i32>} : memref<80x16xf32, #tpu.memory_space<vmem>>, vector<1x16xf32>,
        %get3A_412 = vector.shape_cast %get3A_411 : vector<1x16xf32> to vector<16xf32>
        %sub3A_413 = arith.subf %get3A_412, %get3A_408 : vector<16xf32>
        %mul3A_414 = arith.mulf %broadcast_in_dim3A_404, %sub3A_413 : vector<16xf32>
        %add3A_415 = arith.addf %get3A_408, %mul3A_414 : vector<16xf32>
        %swap3A_416 = arith.index_cast %add3A_401 : i32 to index
        %swap3A_417 = arith.constant 0 : index
        %swap3A_418 = tpu.vector_load %arg11[%swap3A_416, %swap3A_417] {strides = array<i32>} : memref<80x16xf32, #tpu.memory_space<vmem>>, vector<1x16xf32>,
        %swap3A_419 = vector.shape_cast %swap3A_418 : vector<1x16xf32> to vector<16xf32>
        %swap3A_420 = vector.shape_cast %add3A_415 : vector<16xf32> to vector<1x16xf32>
        tpu.vector_store %arg11[%swap3A_416, %swap3A_417], %swap3A_420 {strides = array<i32>} : memref<80x16xf32, #tpu.memory_space<vmem>>, vector<1x16xf32>,
        %mul3A_421 = arith.constant 16 : i32
        %mul3A_422 = arith.muli %scan3A_68, %mul3A_421 : i32
        %add3A_423 = arith.constant 15 : i32
        %add3A_424 = arith.addi %mul3A_422, %add3A_423 : i32
        %slice3A_425 = vector.extract_strided_slice %min3A_80 {offsets = [15], sizes = [1], strides = [1]} : vector<16xf32> to vector<1xf32>
        %squeeze3A_426 = vector.extract %slice3A_425[0] : f32 from vector<1xf32>
        %broadcast_in_dim3A_427 = vector.broadcast %squeeze3A_426 : f32 to vector<16xf32>
        %get3A_428 = arith.index_cast %add3A_424 : i32 to index
        %get3A_429 = arith.constant 0 : index
        %get3A_430 = tpu.vector_load %arg11[%get3A_428, %get3A_429] {strides = array<i32>} : memref<80x16xf32, #tpu.memory_space<vmem>>, vector<1x16xf32>,
        %get3A_431 = vector.shape_cast %get3A_430 : vector<1x16xf32> to vector<16xf32>
        %get3A_432 = arith.index_cast %add3A_424 : i32 to index
        %get3A_433 = arith.constant 0 : index
        %get3A_434 = tpu.vector_load %arg12[%get3A_432, %get3A_433] {strides = array<i32>} : memref<80x16xf32, #tpu.memory_space<vmem>>, vector<1x16xf32>,
        %get3A_435 = vector.shape_cast %get3A_434 : vector<1x16xf32> to vector<16xf32>
        %sub3A_436 = arith.subf %get3A_435, %get3A_431 : vector<16xf32>
        %mul3A_437 = arith.mulf %broadcast_in_dim3A_427, %sub3A_436 : vector<16xf32>
        %add3A_438 = arith.addf %get3A_431, %mul3A_437 : vector<16xf32>
        %swap3A_439 = arith.index_cast %add3A_424 : i32 to index
        %swap3A_440 = arith.constant 0 : index
        %swap3A_441 = tpu.vector_load %arg11[%swap3A_439, %swap3A_440] {strides = array<i32>} : memref<80x16xf32, #tpu.memory_space<vmem>>, vector<1x16xf32>,
        %swap3A_442 = vector.shape_cast %swap3A_441 : vector<1x16xf32> to vector<16xf32>
        %swap3A_443 = vector.shape_cast %add3A_438 : vector<16xf32> to vector<1x16xf32>
        tpu.vector_store %arg11[%swap3A_439, %swap3A_440], %swap3A_443 {strides = array<i32>} : memref<80x16xf32, #tpu.memory_space<vmem>>, vector<1x16xf32>,
        %scan3A_444 = arith.constant 0 : i32
        scf.yield %scan3A_444 : i32
      }
      %scan3A_67 = arith.constant 5 : i32
      "tpu.region"() ({
        %run_scoped3A = tpu.sem_alloc : memref<!tpu.dma_semaphore, #tpu.memory_space<semaphore_mem>>
        %dma_start3A_68 = arith.constant 0 : i32
        %dma_start3A_69 = tpu.memref_slice %arg9[%scan3A_38, %dma_start3A_68] : memref<125x80xi32, #tpu.memory_space<vmem>> -> memref<1x80xi32, #tpu.memory_space<vmem>>
        %dma_start3A_70 = tpu.memref_squeeze %dma_start3A_69 : memref<1x80xi32, #tpu.memory_space<vmem>> -> memref<80xi32, #tpu.memory_space<vmem>>
        %dma_start3A_71 = arith.constant 0 : i32
        %dma_start3A_72 = arith.constant 0 : i32
        %dma_start3A_73 = tpu.memref_slice %arg14[%dma_start3A_71, %dma_start3A_72] : memref<10240x16xf32, #tpu.memory_space<vmem_shared>> -> memref<10240x16xf32, #tpu.memory_space<vmem_shared>>
        tpu.enqueue_indirect_dma source(%arg11 : memref<80x16xf32, #tpu.memory_space<vmem>>) target(%dma_start3A_73 : memref<10240x16xf32, #tpu.memory_space<vmem_shared>>) offsets(%dma_start3A_70 : memref<80xi32, #tpu.memory_space<vmem>>) semaphore(%run_scoped3A : memref<!tpu.dma_semaphore, #tpu.memory_space<semaphore_mem>>) {add = true}
        %dma_wait3A_74 = arith.constant 0 : i32
        %dma_wait3A_75 = tpu.memref_slice %arg9[%scan3A_38, %dma_wait3A_74] : memref<125x80xi32, #tpu.memory_space<vmem>> -> memref<1x80xi32, #tpu.memory_space<vmem>>
        %dma_wait3A_76 = tpu.memref_squeeze %dma_wait3A_75 : memref<1x80xi32, #tpu.memory_space<vmem>> -> memref<80xi32, #tpu.memory_space<vmem>>
        %dma_wait3A_77 = arith.constant 0 : i32
        %dma_wait3A_78 = arith.constant 0 : i32
        %dma_wait3A_79 = tpu.memref_slice %arg14[%dma_wait3A_77, %dma_wait3A_78] : memref<10240x16xf32, #tpu.memory_space<vmem_shared>> -> memref<10240x16xf32, #tpu.memory_space<vmem_shared>>
        tpu.wait_indirect_dma semaphore(%run_scoped3A : memref<!tpu.dma_semaphore, #tpu.memory_space<semaphore_mem>>) src(%arg11 : memref<80x16xf32, #tpu.memory_space<vmem>>) dst(%dma_wait3A_79 : memref<10240x16xf32, #tpu.memory_space<vmem_shared>>)
        tpu.yield
      }) : () -> ()
    }
    %scan3A_32 = arith.constant 125 : i32
    %barrier3A_33 = arith.constant 0 : index
    tpu.barrier barrier_id(%barrier3A_33)
    %mul3A_34 = arith.constant 640 : i32
    %mul3A_35 = arith.muli %arg1, %mul3A_34 : i32
    %mul3A_36 = arith.constant 640 : i32
    %mul3A_37 = arith.muli %arg1, %mul3A_36 : i32
    "tpu.region"() ({
      %run_scoped3A = tpu.sem_alloc : memref<!tpu.dma_semaphore, #tpu.memory_space<semaphore_mem>>
      %dma_start3A = arith.constant 0 : i32
      %dma_start3A_38 = tpu.memref_slice %arg7[%arg0, %mul3A_37, %dma_start3A] : memref<2x10240x16xf32, #tpu.memory_space<hbm>> -> memref<1x640x16xf32, #tpu.memory_space<hbm>>
      %dma_start3A_39 = tpu.memref_squeeze %dma_start3A_38 : memref<1x640x16xf32, #tpu.memory_space<hbm>> -> memref<640x16xf32, #tpu.memory_space<hbm>>
      %dma_start3A_40 = arith.constant 0 : i32
      %dma_start3A_41 = tpu.memref_slice %arg14[%mul3A_35, %dma_start3A_40] : memref<10240x16xf32, #tpu.memory_space<vmem_shared>> -> memref<640x16xf32, #tpu.memory_space<vmem_shared>>
      tpu.enqueue_dma source(%dma_start3A_41 : memref<640x16xf32, #tpu.memory_space<vmem_shared>>) target(%dma_start3A_39 : memref<640x16xf32, #tpu.memory_space<hbm>>) target_semaphore(%run_scoped3A : memref<!tpu.dma_semaphore, #tpu.memory_space<semaphore_mem>>)
      %dma_wait3A = arith.constant 0 : i32
      %dma_wait3A_42 = tpu.memref_slice %arg7[%arg0, %mul3A_37, %dma_wait3A] : memref<2x10240x16xf32, #tpu.memory_space<hbm>> -> memref<1x640x16xf32, #tpu.memory_space<hbm>>
      %dma_wait3A_43 = tpu.memref_squeeze %dma_wait3A_42 : memref<1x640x16xf32, #tpu.memory_space<hbm>> -> memref<640x16xf32, #tpu.memory_space<hbm>>
      %dma_wait3A_44 = arith.constant 0 : i32
      %dma_wait3A_45 = tpu.memref_slice %arg14[%mul3A_35, %dma_wait3A_44] : memref<10240x16xf32, #tpu.memory_space<vmem_shared>> -> memref<640x16xf32, #tpu.memory_space<vmem_shared>>
      tpu.wait_dma2 semaphore(%run_scoped3A : memref<!tpu.dma_semaphore, #tpu.memory_space<semaphore_mem>>) src(%dma_wait3A_45 : memref<640x16xf32, #tpu.memory_space<vmem_shared>>) dst(%dma_wait3A_43 : memref<640x16xf32, #tpu.memory_space<hbm>>)
      tpu.yield
    }) : () -> ()
    return
  }
}

#map = affine_map<(d0, d1) -> (0, 0)>
#map1 = affine_map<(d0, d1) -> (0, 0, 0)>
module attributes {stable_mosaic.version = 14 : i64} {
  func.func @_sc_edge_body(%arg0: i32, %arg1: i32, %arg2: memref<10000x16xf32, #tpu.memory_space<hbm>>, %arg3: memref<10000x16xf32, #tpu.memory_space<hbm>>, %arg4: memref<32x125x80xi32, #tpu.memory_space<hbm>>, %arg5: memref<32x125x80xi32, #tpu.memory_space<hbm>>, %arg6: memref<32x10000xf32, #tpu.memory_space<hbm>>, %arg7: memref<2x10240x16xf32, #tpu.memory_space<hbm>>, %arg8: memref<2x10240xf32, #tpu.memory_space<hbm>>, %arg9: memref<125x80xi32, #tpu.memory_space<vmem>>, %arg10: memref<125x80xi32, #tpu.memory_space<vmem>>, %arg11: memref<10000xf32, #tpu.memory_space<vmem>>, %arg12: memref<80x16xf32, #tpu.memory_space<vmem>>, %arg13: memref<80x16xf32, #tpu.memory_space<vmem>>, %arg14: memref<80xf32, #tpu.memory_space<vmem>>, %arg15: memref<128x16xf32, #tpu.memory_space<vmem>>, %arg16: memref<640xf32, #tpu.memory_space<vmem>>, %arg17: memref<10240x16xf32, #tpu.memory_space<vmem_shared>>, %arg18: memref<10240xf32, #tpu.memory_space<vmem_shared>>, %arg19: memref<!tpu.dma_semaphore, #tpu.memory_space<semaphore_mem>>, %arg20: memref<!tpu.dma_semaphore, #tpu.memory_space<semaphore_mem>>) attributes {dimension_semantics = [#tpu.dimension_semantics<core_parallel>, #tpu.dimension_semantics<subcore_parallel>], iteration_bounds = array<i64: 2, 16>, scalar_prefetch = 0 : i64, scratch_operands = 12 : i64, tpu.core_type = #tpu.core_type<sc_vector_subcore>, window_params = [{transform_indices = #map}, {transform_indices = #map}, {transform_indices = #map1}, {transform_indices = #map1}, {transform_indices = #map}, {transform_indices = #map1}, {transform_indices = #map}]} {
    %mul3A = arith.constant 16 : i32
    %mul3A_0 = arith.muli %arg0, %mul3A : i32
    %add3A = arith.addi %mul3A_0, %arg1 : i32
    %scan3A = arith.constant 0 : i32
    %scan3A_1 = arith.constant 0 : i32
    %scan3A_2 = arith.constant 128 : i32
    %scan3A_3 = arith.addi %scan3A_1, %scan3A_2 : i32
    %scan3A_4 = arith.constant 1 : i32
    %scan3A_5 = scf.for %scan3A_79 = %scan3A_1 to %scan3A_3 step %scan3A_4 iter_args(%scan3A_80 = %scan3A) -> (i32)  : i32 {
      %broadcast_in_dim3A_81 = arith.constant 0.000000e+00 : f32
      %broadcast_in_dim3A_82 = vector.broadcast %broadcast_in_dim3A_81 : f32 to vector<16xf32>
      %swap3A_83 = arith.index_cast %scan3A_79 : i32 to index
      %swap3A_84 = arith.constant 0 : index
      %swap3A_85 = tpu.vector_load %arg15[%swap3A_83, %swap3A_84] {strides = array<i32>} : memref<128x16xf32, #tpu.memory_space<vmem>>, vector<1x16xf32>,
      %swap3A_86 = vector.shape_cast %swap3A_85 : vector<1x16xf32> to vector<16xf32>
      %swap3A_87 = vector.shape_cast %broadcast_in_dim3A_82 : vector<16xf32> to vector<1x16xf32>
      tpu.vector_store %arg15[%swap3A_83, %swap3A_84], %swap3A_87 {strides = array<i32>} : memref<128x16xf32, #tpu.memory_space<vmem>>, vector<1x16xf32>,
      %scan3A_88 = arith.constant 0 : i32
      scf.yield %scan3A_88 : i32
    }
    %scan3A_6 = arith.constant 128 : i32
    %mul3A_7 = arith.constant 640 : i32
    %mul3A_8 = arith.muli %arg1, %mul3A_7 : i32
    %add3A_9 = arith.constant 0 : i32
    %add3A_10 = arith.addi %mul3A_8, %add3A_9 : i32
    "tpu.region"() ({
      %run_scoped3A = tpu.sem_alloc : memref<!tpu.dma_semaphore, #tpu.memory_space<semaphore_mem>>
      %dma_start3A = arith.constant 0 : i32
      %dma_start3A_79 = tpu.memref_slice %arg17[%add3A_10, %dma_start3A] : memref<10240x16xf32, #tpu.memory_space<vmem_shared>> -> memref<128x16xf32, #tpu.memory_space<vmem_shared>>
      %dma_start3A_80 = arith.constant 0 : i32
      %dma_start3A_81 = tpu.memref_slice %arg17[%add3A_10, %dma_start3A_80] : memref<10240x16xf32, #tpu.memory_space<vmem_shared>> -> memref<128x16xf32, #tpu.memory_space<vmem_shared>>
      tpu.enqueue_dma source(%arg15 : memref<128x16xf32, #tpu.memory_space<vmem>>) target(%dma_start3A_81 : memref<128x16xf32, #tpu.memory_space<vmem_shared>>) target_semaphore(%run_scoped3A : memref<!tpu.dma_semaphore, #tpu.memory_space<semaphore_mem>>)
      %dma_wait3A = arith.constant 0 : i32
      %dma_wait3A_82 = tpu.memref_slice %arg17[%add3A_10, %dma_wait3A] : memref<10240x16xf32, #tpu.memory_space<vmem_shared>> -> memref<128x16xf32, #tpu.memory_space<vmem_shared>>
      %dma_wait3A_83 = arith.constant 0 : i32
      %dma_wait3A_84 = tpu.memref_slice %arg17[%add3A_10, %dma_wait3A_83] : memref<10240x16xf32, #tpu.memory_space<vmem_shared>> -> memref<128x16xf32, #tpu.memory_space<vmem_shared>>
      tpu.wait_dma2 semaphore(%run_scoped3A : memref<!tpu.dma_semaphore, #tpu.memory_space<semaphore_mem>>) src(%arg15 : memref<128x16xf32, #tpu.memory_space<vmem>>) dst(%dma_wait3A_84 : memref<128x16xf32, #tpu.memory_space<vmem_shared>>)
      tpu.yield
    }) : () -> ()
    %mul3A_11 = arith.constant 640 : i32
    %mul3A_12 = arith.muli %arg1, %mul3A_11 : i32
    %add3A_13 = arith.constant 128 : i32
    %add3A_14 = arith.addi %mul3A_12, %add3A_13 : i32
    "tpu.region"() ({
      %run_scoped3A = tpu.sem_alloc : memref<!tpu.dma_semaphore, #tpu.memory_space<semaphore_mem>>
      %dma_start3A = arith.constant 0 : i32
      %dma_start3A_79 = tpu.memref_slice %arg17[%add3A_14, %dma_start3A] : memref<10240x16xf32, #tpu.memory_space<vmem_shared>> -> memref<128x16xf32, #tpu.memory_space<vmem_shared>>
      %dma_start3A_80 = arith.constant 0 : i32
      %dma_start3A_81 = tpu.memref_slice %arg17[%add3A_14, %dma_start3A_80] : memref<10240x16xf32, #tpu.memory_space<vmem_shared>> -> memref<128x16xf32, #tpu.memory_space<vmem_shared>>
      tpu.enqueue_dma source(%arg15 : memref<128x16xf32, #tpu.memory_space<vmem>>) target(%dma_start3A_81 : memref<128x16xf32, #tpu.memory_space<vmem_shared>>) target_semaphore(%run_scoped3A : memref<!tpu.dma_semaphore, #tpu.memory_space<semaphore_mem>>)
      %dma_wait3A = arith.constant 0 : i32
      %dma_wait3A_82 = tpu.memref_slice %arg17[%add3A_14, %dma_wait3A] : memref<10240x16xf32, #tpu.memory_space<vmem_shared>> -> memref<128x16xf32, #tpu.memory_space<vmem_shared>>
      %dma_wait3A_83 = arith.constant 0 : i32
      %dma_wait3A_84 = tpu.memref_slice %arg17[%add3A_14, %dma_wait3A_83] : memref<10240x16xf32, #tpu.memory_space<vmem_shared>> -> memref<128x16xf32, #tpu.memory_space<vmem_shared>>
      tpu.wait_dma2 semaphore(%run_scoped3A : memref<!tpu.dma_semaphore, #tpu.memory_space<semaphore_mem>>) src(%arg15 : memref<128x16xf32, #tpu.memory_space<vmem>>) dst(%dma_wait3A_84 : memref<128x16xf32, #tpu.memory_space<vmem_shared>>)
      tpu.yield
    }) : () -> ()
    %mul3A_15 = arith.constant 640 : i32
    %mul3A_16 = arith.muli %arg1, %mul3A_15 : i32
    %add3A_17 = arith.constant 256 : i32
    %add3A_18 = arith.addi %mul3A_16, %add3A_17 : i32
    "tpu.region"() ({
      %run_scoped3A = tpu.sem_alloc : memref<!tpu.dma_semaphore, #tpu.memory_space<semaphore_mem>>
      %dma_start3A = arith.constant 0 : i32
      %dma_start3A_79 = tpu.memref_slice %arg17[%add3A_18, %dma_start3A] : memref<10240x16xf32, #tpu.memory_space<vmem_shared>> -> memref<128x16xf32, #tpu.memory_space<vmem_shared>>
      %dma_start3A_80 = arith.constant 0 : i32
      %dma_start3A_81 = tpu.memref_slice %arg17[%add3A_18, %dma_start3A_80] : memref<10240x16xf32, #tpu.memory_space<vmem_shared>> -> memref<128x16xf32, #tpu.memory_space<vmem_shared>>
      tpu.enqueue_dma source(%arg15 : memref<128x16xf32, #tpu.memory_space<vmem>>) target(%dma_start3A_81 : memref<128x16xf32, #tpu.memory_space<vmem_shared>>) target_semaphore(%run_scoped3A : memref<!tpu.dma_semaphore, #tpu.memory_space<semaphore_mem>>)
      %dma_wait3A = arith.constant 0 : i32
      %dma_wait3A_82 = tpu.memref_slice %arg17[%add3A_18, %dma_wait3A] : memref<10240x16xf32, #tpu.memory_space<vmem_shared>> -> memref<128x16xf32, #tpu.memory_space<vmem_shared>>
      %dma_wait3A_83 = arith.constant 0 : i32
      %dma_wait3A_84 = tpu.memref_slice %arg17[%add3A_18, %dma_wait3A_83] : memref<10240x16xf32, #tpu.memory_space<vmem_shared>> -> memref<128x16xf32, #tpu.memory_space<vmem_shared>>
      tpu.wait_dma2 semaphore(%run_scoped3A : memref<!tpu.dma_semaphore, #tpu.memory_space<semaphore_mem>>) src(%arg15 : memref<128x16xf32, #tpu.memory_space<vmem>>) dst(%dma_wait3A_84 : memref<128x16xf32, #tpu.memory_space<vmem_shared>>)
      tpu.yield
    }) : () -> ()
    %mul3A_19 = arith.constant 640 : i32
    %mul3A_20 = arith.muli %arg1, %mul3A_19 : i32
    %add3A_21 = arith.constant 384 : i32
    %add3A_22 = arith.addi %mul3A_20, %add3A_21 : i32
    "tpu.region"() ({
      %run_scoped3A = tpu.sem_alloc : memref<!tpu.dma_semaphore, #tpu.memory_space<semaphore_mem>>
      %dma_start3A = arith.constant 0 : i32
      %dma_start3A_79 = tpu.memref_slice %arg17[%add3A_22, %dma_start3A] : memref<10240x16xf32, #tpu.memory_space<vmem_shared>> -> memref<128x16xf32, #tpu.memory_space<vmem_shared>>
      %dma_start3A_80 = arith.constant 0 : i32
      %dma_start3A_81 = tpu.memref_slice %arg17[%add3A_22, %dma_start3A_80] : memref<10240x16xf32, #tpu.memory_space<vmem_shared>> -> memref<128x16xf32, #tpu.memory_space<vmem_shared>>
      tpu.enqueue_dma source(%arg15 : memref<128x16xf32, #tpu.memory_space<vmem>>) target(%dma_start3A_81 : memref<128x16xf32, #tpu.memory_space<vmem_shared>>) target_semaphore(%run_scoped3A : memref<!tpu.dma_semaphore, #tpu.memory_space<semaphore_mem>>)
      %dma_wait3A = arith.constant 0 : i32
      %dma_wait3A_82 = tpu.memref_slice %arg17[%add3A_22, %dma_wait3A] : memref<10240x16xf32, #tpu.memory_space<vmem_shared>> -> memref<128x16xf32, #tpu.memory_space<vmem_shared>>
      %dma_wait3A_83 = arith.constant 0 : i32
      %dma_wait3A_84 = tpu.memref_slice %arg17[%add3A_22, %dma_wait3A_83] : memref<10240x16xf32, #tpu.memory_space<vmem_shared>> -> memref<128x16xf32, #tpu.memory_space<vmem_shared>>
      tpu.wait_dma2 semaphore(%run_scoped3A : memref<!tpu.dma_semaphore, #tpu.memory_space<semaphore_mem>>) src(%arg15 : memref<128x16xf32, #tpu.memory_space<vmem>>) dst(%dma_wait3A_84 : memref<128x16xf32, #tpu.memory_space<vmem_shared>>)
      tpu.yield
    }) : () -> ()
    %mul3A_23 = arith.constant 640 : i32
    %mul3A_24 = arith.muli %arg1, %mul3A_23 : i32
    %add3A_25 = arith.constant 512 : i32
    %add3A_26 = arith.addi %mul3A_24, %add3A_25 : i32
    "tpu.region"() ({
      %run_scoped3A = tpu.sem_alloc : memref<!tpu.dma_semaphore, #tpu.memory_space<semaphore_mem>>
      %dma_start3A = arith.constant 0 : i32
      %dma_start3A_79 = tpu.memref_slice %arg17[%add3A_26, %dma_start3A] : memref<10240x16xf32, #tpu.memory_space<vmem_shared>> -> memref<128x16xf32, #tpu.memory_space<vmem_shared>>
      %dma_start3A_80 = arith.constant 0 : i32
      %dma_start3A_81 = tpu.memref_slice %arg17[%add3A_26, %dma_start3A_80] : memref<10240x16xf32, #tpu.memory_space<vmem_shared>> -> memref<128x16xf32, #tpu.memory_space<vmem_shared>>
      tpu.enqueue_dma source(%arg15 : memref<128x16xf32, #tpu.memory_space<vmem>>) target(%dma_start3A_81 : memref<128x16xf32, #tpu.memory_space<vmem_shared>>) target_semaphore(%run_scoped3A : memref<!tpu.dma_semaphore, #tpu.memory_space<semaphore_mem>>)
      %dma_wait3A = arith.constant 0 : i32
      %dma_wait3A_82 = tpu.memref_slice %arg17[%add3A_26, %dma_wait3A] : memref<10240x16xf32, #tpu.memory_space<vmem_shared>> -> memref<128x16xf32, #tpu.memory_space<vmem_shared>>
      %dma_wait3A_83 = arith.constant 0 : i32
      %dma_wait3A_84 = tpu.memref_slice %arg17[%add3A_26, %dma_wait3A_83] : memref<10240x16xf32, #tpu.memory_space<vmem_shared>> -> memref<128x16xf32, #tpu.memory_space<vmem_shared>>
      tpu.wait_dma2 semaphore(%run_scoped3A : memref<!tpu.dma_semaphore, #tpu.memory_space<semaphore_mem>>) src(%arg15 : memref<128x16xf32, #tpu.memory_space<vmem>>) dst(%dma_wait3A_84 : memref<128x16xf32, #tpu.memory_space<vmem_shared>>)
      tpu.yield
    }) : () -> ()
    %scan3A_27 = arith.constant 0 : i32
    %scan3A_28 = arith.constant 0 : i32
    %scan3A_29 = arith.constant 40 : i32
    %scan3A_30 = arith.addi %scan3A_28, %scan3A_29 : i32
    %scan3A_31 = arith.constant 1 : i32
    %scan3A_32 = scf.for %scan3A_79 = %scan3A_28 to %scan3A_30 step %scan3A_31 iter_args(%scan3A_80 = %scan3A_27) -> (i32)  : i32 {
      %broadcast_in_dim3A_81 = arith.constant 0.000000e+00 : f32
      %broadcast_in_dim3A_82 = vector.broadcast %broadcast_in_dim3A_81 : f32 to vector<16xf32>
      %mul3A_83 = arith.constant 16 : i32
      %mul3A_84 = arith.muli %scan3A_79, %mul3A_83 : i32
      %swap3A_85 = arith.index_cast %mul3A_84 : i32 to index
      %swap3A_86 = tpu.vector_load %arg16[%swap3A_85] {strides = array<i32>} : memref<640xf32, #tpu.memory_space<vmem>>, vector<16xf32>,
      %swap3A_87 = vector.shape_cast %swap3A_86 : vector<16xf32> to vector<16xf32>
      %swap3A_88 = vector.shape_cast %broadcast_in_dim3A_82 : vector<16xf32> to vector<16xf32>
      tpu.vector_store %arg16[%swap3A_85], %swap3A_88 {strides = array<i32>} : memref<640xf32, #tpu.memory_space<vmem>>, vector<16xf32>,
      %scan3A_89 = arith.constant 0 : i32
      scf.yield %scan3A_89 : i32
    }
    %scan3A_33 = arith.constant 40 : i32
    %mul3A_34 = arith.constant 640 : i32
    %mul3A_35 = arith.muli %arg1, %mul3A_34 : i32
    "tpu.region"() ({
      %run_scoped3A = tpu.sem_alloc : memref<!tpu.dma_semaphore, #tpu.memory_space<semaphore_mem>>
      %dma_start3A = tpu.memref_slice %arg18[%mul3A_35] : memref<10240xf32, #tpu.memory_space<vmem_shared>> -> memref<640xf32, #tpu.memory_space<vmem_shared>>
      %dma_start3A_79 = tpu.memref_slice %arg18[%mul3A_35] : memref<10240xf32, #tpu.memory_space<vmem_shared>> -> memref<640xf32, #tpu.memory_space<vmem_shared>>
      tpu.enqueue_dma source(%arg16 : memref<640xf32, #tpu.memory_space<vmem>>) target(%dma_start3A_79 : memref<640xf32, #tpu.memory_space<vmem_shared>>) target_semaphore(%run_scoped3A : memref<!tpu.dma_semaphore, #tpu.memory_space<semaphore_mem>>)
      %dma_wait3A = tpu.memref_slice %arg18[%mul3A_35] : memref<10240xf32, #tpu.memory_space<vmem_shared>> -> memref<640xf32, #tpu.memory_space<vmem_shared>>
      %dma_wait3A_80 = tpu.memref_slice %arg18[%mul3A_35] : memref<10240xf32, #tpu.memory_space<vmem_shared>> -> memref<640xf32, #tpu.memory_space<vmem_shared>>
      tpu.wait_dma2 semaphore(%run_scoped3A : memref<!tpu.dma_semaphore, #tpu.memory_space<semaphore_mem>>) src(%arg16 : memref<640xf32, #tpu.memory_space<vmem>>) dst(%dma_wait3A_80 : memref<640xf32, #tpu.memory_space<vmem_shared>>)
      tpu.yield
    }) : () -> ()
    %broadcast_in_dim3A = arith.constant 1.000000e+00 : f32
    %broadcast_in_dim3A_36 = vector.broadcast %broadcast_in_dim3A : f32 to vector<16xf32>
    %swap3A = arith.constant 0 : index
    %swap3A_37 = tpu.vector_load %arg14[%swap3A] {strides = array<i32>} : memref<80xf32, #tpu.memory_space<vmem>>, vector<16xf32>,
    %swap3A_38 = vector.shape_cast %swap3A_37 : vector<16xf32> to vector<16xf32>
    %swap3A_39 = vector.shape_cast %broadcast_in_dim3A_36 : vector<16xf32> to vector<16xf32>
    tpu.vector_store %arg14[%swap3A], %swap3A_39 {strides = array<i32>} : memref<80xf32, #tpu.memory_space<vmem>>, vector<16xf32>,
    %broadcast_in_dim3A_40 = arith.constant 1.000000e+00 : f32
    %broadcast_in_dim3A_41 = vector.broadcast %broadcast_in_dim3A_40 : f32 to vector<16xf32>
    %swap3A_42 = arith.constant 16 : index
    %swap3A_43 = tpu.vector_load %arg14[%swap3A_42] {strides = array<i32>} : memref<80xf32, #tpu.memory_space<vmem>>, vector<16xf32>,
    %swap3A_44 = vector.shape_cast %swap3A_43 : vector<16xf32> to vector<16xf32>
    %swap3A_45 = vector.shape_cast %broadcast_in_dim3A_41 : vector<16xf32> to vector<16xf32>
    tpu.vector_store %arg14[%swap3A_42], %swap3A_45 {strides = array<i32>} : memref<80xf32, #tpu.memory_space<vmem>>, vector<16xf32>,
    %broadcast_in_dim3A_46 = arith.constant 1.000000e+00 : f32
    %broadcast_in_dim3A_47 = vector.broadcast %broadcast_in_dim3A_46 : f32 to vector<16xf32>
    %swap3A_48 = arith.constant 32 : index
    %swap3A_49 = tpu.vector_load %arg14[%swap3A_48] {strides = array<i32>} : memref<80xf32, #tpu.memory_space<vmem>>, vector<16xf32>,
    %swap3A_50 = vector.shape_cast %swap3A_49 : vector<16xf32> to vector<16xf32>
    %swap3A_51 = vector.shape_cast %broadcast_in_dim3A_47 : vector<16xf32> to vector<16xf32>
    tpu.vector_store %arg14[%swap3A_48], %swap3A_51 {strides = array<i32>} : memref<80xf32, #tpu.memory_space<vmem>>, vector<16xf32>,
    %broadcast_in_dim3A_52 = arith.constant 1.000000e+00 : f32
    %broadcast_in_dim3A_53 = vector.broadcast %broadcast_in_dim3A_52 : f32 to vector<16xf32>
    %swap3A_54 = arith.constant 48 : index
    %swap3A_55 = tpu.vector_load %arg14[%swap3A_54] {strides = array<i32>} : memref<80xf32, #tpu.memory_space<vmem>>, vector<16xf32>,
    %swap3A_56 = vector.shape_cast %swap3A_55 : vector<16xf32> to vector<16xf32>
    %swap3A_57 = vector.shape_cast %broadcast_in_dim3A_53 : vector<16xf32> to vector<16xf32>
    tpu.vector_store %arg14[%swap3A_54], %swap3A_57 {strides = array<i32>} : memref<80xf32, #tpu.memory_space<vmem>>, vector<16xf32>,
    %broadcast_in_dim3A_58 = arith.constant 1.000000e+00 : f32
    %broadcast_in_dim3A_59 = vector.broadcast %broadcast_in_dim3A_58 : f32 to vector<16xf32>
    %swap3A_60 = arith.constant 64 : index
    %swap3A_61 = tpu.vector_load %arg14[%swap3A_60] {strides = array<i32>} : memref<80xf32, #tpu.memory_space<vmem>>, vector<16xf32>,
    %swap3A_62 = vector.shape_cast %swap3A_61 : vector<16xf32> to vector<16xf32>
    %swap3A_63 = vector.shape_cast %broadcast_in_dim3A_59 : vector<16xf32> to vector<16xf32>
    tpu.vector_store %arg14[%swap3A_60], %swap3A_63 {strides = array<i32>} : memref<80xf32, #tpu.memory_space<vmem>>, vector<16xf32>,
    %barrier3A = arith.constant 0 : index
    tpu.barrier barrier_id(%barrier3A)
    "tpu.region"() ({
      %run_scoped3A = tpu.sem_alloc : memref<!tpu.dma_semaphore, #tpu.memory_space<semaphore_mem>>
      %dma_start3A = arith.constant 0 : i32
      %dma_start3A_79 = arith.constant 0 : i32
      %dma_start3A_80 = tpu.memref_slice %arg4[%add3A, %dma_start3A, %dma_start3A_79] : memref<32x125x80xi32, #tpu.memory_space<hbm>> -> memref<1x125x80xi32, #tpu.memory_space<hbm>>
      %dma_start3A_81 = tpu.memref_squeeze %dma_start3A_80 : memref<1x125x80xi32, #tpu.memory_space<hbm>> -> memref<125x80xi32, #tpu.memory_space<hbm>>
      %dma_start3A_82 = arith.constant 0 : i32
      %dma_start3A_83 = arith.constant 0 : i32
      %dma_start3A_84 = tpu.memref_slice %arg4[%add3A, %dma_start3A_82, %dma_start3A_83] : memref<32x125x80xi32, #tpu.memory_space<hbm>> -> memref<1x125x80xi32, #tpu.memory_space<hbm>>
      %dma_start3A_85 = tpu.memref_squeeze %dma_start3A_84 : memref<1x125x80xi32, #tpu.memory_space<hbm>> -> memref<125x80xi32, #tpu.memory_space<hbm>>
      tpu.enqueue_dma source(%dma_start3A_85 : memref<125x80xi32, #tpu.memory_space<hbm>>) target(%arg9 : memref<125x80xi32, #tpu.memory_space<vmem>>) target_semaphore(%run_scoped3A : memref<!tpu.dma_semaphore, #tpu.memory_space<semaphore_mem>>)
      %dma_wait3A = arith.constant 0 : i32
      %dma_wait3A_86 = arith.constant 0 : i32
      %dma_wait3A_87 = tpu.memref_slice %arg4[%add3A, %dma_wait3A, %dma_wait3A_86] : memref<32x125x80xi32, #tpu.memory_space<hbm>> -> memref<1x125x80xi32, #tpu.memory_space<hbm>>
      %dma_wait3A_88 = tpu.memref_squeeze %dma_wait3A_87 : memref<1x125x80xi32, #tpu.memory_space<hbm>> -> memref<125x80xi32, #tpu.memory_space<hbm>>
      %dma_wait3A_89 = arith.constant 0 : i32
      %dma_wait3A_90 = arith.constant 0 : i32
      %dma_wait3A_91 = tpu.memref_slice %arg4[%add3A, %dma_wait3A_89, %dma_wait3A_90] : memref<32x125x80xi32, #tpu.memory_space<hbm>> -> memref<1x125x80xi32, #tpu.memory_space<hbm>>
      %dma_wait3A_92 = tpu.memref_squeeze %dma_wait3A_91 : memref<1x125x80xi32, #tpu.memory_space<hbm>> -> memref<125x80xi32, #tpu.memory_space<hbm>>
      tpu.wait_dma2 semaphore(%run_scoped3A : memref<!tpu.dma_semaphore, #tpu.memory_space<semaphore_mem>>) src(%dma_wait3A_92 : memref<125x80xi32, #tpu.memory_space<hbm>>) dst(%arg9 : memref<125x80xi32, #tpu.memory_space<vmem>>)
      tpu.yield
    }) : () -> ()
    "tpu.region"() ({
      %run_scoped3A = tpu.sem_alloc : memref<!tpu.dma_semaphore, #tpu.memory_space<semaphore_mem>>
      %dma_start3A = arith.constant 0 : i32
      %dma_start3A_79 = arith.constant 0 : i32
      %dma_start3A_80 = tpu.memref_slice %arg5[%add3A, %dma_start3A, %dma_start3A_79] : memref<32x125x80xi32, #tpu.memory_space<hbm>> -> memref<1x125x80xi32, #tpu.memory_space<hbm>>
      %dma_start3A_81 = tpu.memref_squeeze %dma_start3A_80 : memref<1x125x80xi32, #tpu.memory_space<hbm>> -> memref<125x80xi32, #tpu.memory_space<hbm>>
      %dma_start3A_82 = arith.constant 0 : i32
      %dma_start3A_83 = arith.constant 0 : i32
      %dma_start3A_84 = tpu.memref_slice %arg5[%add3A, %dma_start3A_82, %dma_start3A_83] : memref<32x125x80xi32, #tpu.memory_space<hbm>> -> memref<1x125x80xi32, #tpu.memory_space<hbm>>
      %dma_start3A_85 = tpu.memref_squeeze %dma_start3A_84 : memref<1x125x80xi32, #tpu.memory_space<hbm>> -> memref<125x80xi32, #tpu.memory_space<hbm>>
      tpu.enqueue_dma source(%dma_start3A_85 : memref<125x80xi32, #tpu.memory_space<hbm>>) target(%arg10 : memref<125x80xi32, #tpu.memory_space<vmem>>) target_semaphore(%run_scoped3A : memref<!tpu.dma_semaphore, #tpu.memory_space<semaphore_mem>>)
      %dma_wait3A = arith.constant 0 : i32
      %dma_wait3A_86 = arith.constant 0 : i32
      %dma_wait3A_87 = tpu.memref_slice %arg5[%add3A, %dma_wait3A, %dma_wait3A_86] : memref<32x125x80xi32, #tpu.memory_space<hbm>> -> memref<1x125x80xi32, #tpu.memory_space<hbm>>
      %dma_wait3A_88 = tpu.memref_squeeze %dma_wait3A_87 : memref<1x125x80xi32, #tpu.memory_space<hbm>> -> memref<125x80xi32, #tpu.memory_space<hbm>>
      %dma_wait3A_89 = arith.constant 0 : i32
      %dma_wait3A_90 = arith.constant 0 : i32
      %dma_wait3A_91 = tpu.memref_slice %arg5[%add3A, %dma_wait3A_89, %dma_wait3A_90] : memref<32x125x80xi32, #tpu.memory_space<hbm>> -> memref<1x125x80xi32, #tpu.memory_space<hbm>>
      %dma_wait3A_92 = tpu.memref_squeeze %dma_wait3A_91 : memref<1x125x80xi32, #tpu.memory_space<hbm>> -> memref<125x80xi32, #tpu.memory_space<hbm>>
      tpu.wait_dma2 semaphore(%run_scoped3A : memref<!tpu.dma_semaphore, #tpu.memory_space<semaphore_mem>>) src(%dma_wait3A_92 : memref<125x80xi32, #tpu.memory_space<hbm>>) dst(%arg10 : memref<125x80xi32, #tpu.memory_space<vmem>>)
      tpu.yield
    }) : () -> ()
    "tpu.region"() ({
      %run_scoped3A = tpu.sem_alloc : memref<!tpu.dma_semaphore, #tpu.memory_space<semaphore_mem>>
      %dma_start3A = arith.constant 0 : i32
      %dma_start3A_79 = tpu.memref_slice %arg6[%add3A, %dma_start3A] : memref<32x10000xf32, #tpu.memory_space<hbm>> -> memref<1x10000xf32, #tpu.memory_space<hbm>>
      %dma_start3A_80 = tpu.memref_squeeze %dma_start3A_79 : memref<1x10000xf32, #tpu.memory_space<hbm>> -> memref<10000xf32, #tpu.memory_space<hbm>>
      %dma_start3A_81 = arith.constant 0 : i32
      %dma_start3A_82 = tpu.memref_slice %arg6[%add3A, %dma_start3A_81] : memref<32x10000xf32, #tpu.memory_space<hbm>> -> memref<1x10000xf32, #tpu.memory_space<hbm>>
      %dma_start3A_83 = tpu.memref_squeeze %dma_start3A_82 : memref<1x10000xf32, #tpu.memory_space<hbm>> -> memref<10000xf32, #tpu.memory_space<hbm>>
      tpu.enqueue_dma source(%dma_start3A_83 : memref<10000xf32, #tpu.memory_space<hbm>>) target(%arg11 : memref<10000xf32, #tpu.memory_space<vmem>>) target_semaphore(%run_scoped3A : memref<!tpu.dma_semaphore, #tpu.memory_space<semaphore_mem>>)
      %dma_wait3A = arith.constant 0 : i32
      %dma_wait3A_84 = tpu.memref_slice %arg6[%add3A, %dma_wait3A] : memref<32x10000xf32, #tpu.memory_space<hbm>> -> memref<1x10000xf32, #tpu.memory_space<hbm>>
      %dma_wait3A_85 = tpu.memref_squeeze %dma_wait3A_84 : memref<1x10000xf32, #tpu.memory_space<hbm>> -> memref<10000xf32, #tpu.memory_space<hbm>>
      %dma_wait3A_86 = arith.constant 0 : i32
      %dma_wait3A_87 = tpu.memref_slice %arg6[%add3A, %dma_wait3A_86] : memref<32x10000xf32, #tpu.memory_space<hbm>> -> memref<1x10000xf32, #tpu.memory_space<hbm>>
      %dma_wait3A_88 = tpu.memref_squeeze %dma_wait3A_87 : memref<1x10000xf32, #tpu.memory_space<hbm>> -> memref<10000xf32, #tpu.memory_space<hbm>>
      tpu.wait_dma2 semaphore(%run_scoped3A : memref<!tpu.dma_semaphore, #tpu.memory_space<semaphore_mem>>) src(%dma_wait3A_88 : memref<10000xf32, #tpu.memory_space<hbm>>) dst(%arg11 : memref<10000xf32, #tpu.memory_space<vmem>>)
      tpu.yield
    }) : () -> ()
    %scan3A_64 = arith.constant 0 : i32
    %scan3A_65 = arith.constant 0 : i32
    %scan3A_66 = arith.constant 125 : i32
    %scan3A_67 = arith.addi %scan3A_65, %scan3A_66 : i32
    %scan3A_68 = arith.constant 1 : i32
    scf.for %scan3A_79 = %scan3A_65 to %scan3A_67 step %scan3A_68  : i32 {
      %dma_start3A = arith.constant 0 : i32
      %dma_start3A_80 = tpu.memref_slice %arg9[%scan3A_79, %dma_start3A] : memref<125x80xi32, #tpu.memory_space<vmem>> -> memref<1x80xi32, #tpu.memory_space<vmem>>
      %dma_start3A_81 = tpu.memref_squeeze %dma_start3A_80 : memref<1x80xi32, #tpu.memory_space<vmem>> -> memref<80xi32, #tpu.memory_space<vmem>>
      %dma_start3A_82 = arith.constant 0 : i32
      %dma_start3A_83 = arith.constant 0 : i32
      %dma_start3A_84 = tpu.memref_slice %arg2[%dma_start3A_82, %dma_start3A_83] : memref<10000x16xf32, #tpu.memory_space<hbm>> -> memref<10000x16xf32, #tpu.memory_space<hbm>>
      tpu.enqueue_indirect_dma source(%dma_start3A_84 : memref<10000x16xf32, #tpu.memory_space<hbm>>) target(%arg12 : memref<80x16xf32, #tpu.memory_space<vmem>>) offsets(%dma_start3A_81 : memref<80xi32, #tpu.memory_space<vmem>>) semaphore(%arg19 : memref<!tpu.dma_semaphore, #tpu.memory_space<semaphore_mem>>)
      %dma_start3A_85 = arith.constant 0 : i32
      %dma_start3A_86 = tpu.memref_slice %arg9[%scan3A_79, %dma_start3A_85] : memref<125x80xi32, #tpu.memory_space<vmem>> -> memref<1x80xi32, #tpu.memory_space<vmem>>
      %dma_start3A_87 = tpu.memref_squeeze %dma_start3A_86 : memref<1x80xi32, #tpu.memory_space<vmem>> -> memref<80xi32, #tpu.memory_space<vmem>>
      %dma_start3A_88 = arith.constant 0 : i32
      %dma_start3A_89 = arith.constant 0 : i32
      %dma_start3A_90 = tpu.memref_slice %arg3[%dma_start3A_88, %dma_start3A_89] : memref<10000x16xf32, #tpu.memory_space<hbm>> -> memref<10000x16xf32, #tpu.memory_space<hbm>>
      tpu.enqueue_indirect_dma source(%dma_start3A_90 : memref<10000x16xf32, #tpu.memory_space<hbm>>) target(%arg13 : memref<80x16xf32, #tpu.memory_space<vmem>>) offsets(%dma_start3A_87 : memref<80xi32, #tpu.memory_space<vmem>>) semaphore(%arg20 : memref<!tpu.dma_semaphore, #tpu.memory_space<semaphore_mem>>)
      %dma_wait3A = arith.constant 0 : i32
      %dma_wait3A_91 = tpu.memref_slice %arg9[%scan3A_79, %dma_wait3A] : memref<125x80xi32, #tpu.memory_space<vmem>> -> memref<1x80xi32, #tpu.memory_space<vmem>>
      %dma_wait3A_92 = tpu.memref_squeeze %dma_wait3A_91 : memref<1x80xi32, #tpu.memory_space<vmem>> -> memref<80xi32, #tpu.memory_space<vmem>>
      %dma_wait3A_93 = arith.constant 0 : i32
      %dma_wait3A_94 = arith.constant 0 : i32
      %dma_wait3A_95 = tpu.memref_slice %arg2[%dma_wait3A_93, %dma_wait3A_94] : memref<10000x16xf32, #tpu.memory_space<hbm>> -> memref<10000x16xf32, #tpu.memory_space<hbm>>
      tpu.wait_indirect_dma semaphore(%arg19 : memref<!tpu.dma_semaphore, #tpu.memory_space<semaphore_mem>>) src(%dma_wait3A_95 : memref<10000x16xf32, #tpu.memory_space<hbm>>) dst(%arg12 : memref<80x16xf32, #tpu.memory_space<vmem>>)
      %dma_wait3A_96 = arith.constant 0 : i32
      %dma_wait3A_97 = tpu.memref_slice %arg9[%scan3A_79, %dma_wait3A_96] : memref<125x80xi32, #tpu.memory_space<vmem>> -> memref<1x80xi32, #tpu.memory_space<vmem>>
      %dma_wait3A_98 = tpu.memref_squeeze %dma_wait3A_97 : memref<1x80xi32, #tpu.memory_space<vmem>> -> memref<80xi32, #tpu.memory_space<vmem>>
      %dma_wait3A_99 = arith.constant 0 : i32
      %dma_wait3A_100 = arith.constant 0 : i32
      %dma_wait3A_101 = tpu.memref_slice %arg3[%dma_wait3A_99, %dma_wait3A_100] : memref<10000x16xf32, #tpu.memory_space<hbm>> -> memref<10000x16xf32, #tpu.memory_space<hbm>>
      tpu.wait_indirect_dma semaphore(%arg20 : memref<!tpu.dma_semaphore, #tpu.memory_space<semaphore_mem>>) src(%dma_wait3A_101 : memref<10000x16xf32, #tpu.memory_space<hbm>>) dst(%arg13 : memref<80x16xf32, #tpu.memory_space<vmem>>)
      %scan3A_102 = arith.constant 0 : i32
      %scan3A_103 = arith.constant 0 : i32
      %scan3A_104 = arith.constant 5 : i32
      %scan3A_105 = arith.addi %scan3A_103, %scan3A_104 : i32
      %scan3A_106 = arith.constant 1 : i32
      %scan3A_107 = scf.for %scan3A_109 = %scan3A_103 to %scan3A_105 step %scan3A_106 iter_args(%scan3A_110 = %scan3A_102) -> (i32)  : i32 {
        %mul3A_111 = arith.constant 5 : i32
        %mul3A_112 = arith.muli %scan3A_79, %mul3A_111 : i32
        %add3A_113 = arith.addi %mul3A_112, %scan3A_109 : i32
        %mul3A_114 = arith.constant 16 : i32
        %mul3A_115 = arith.muli %add3A_113, %mul3A_114 : i32
        %get3A = arith.index_cast %mul3A_115 : i32 to index
        %get3A_116 = tpu.vector_load %arg11[%get3A] {strides = array<i32>} : memref<10000xf32, #tpu.memory_space<vmem>>, vector<16xf32>,
        %get3A_117 = vector.shape_cast %get3A_116 : vector<16xf32> to vector<16xf32>
        %max3A = arith.constant 0.000000e+00 : f32
        %max3A_118 = vector.broadcast %max3A : f32 to vector<16xf32>
        %max3A_119 = arith.maximumf %get3A_117, %max3A_118 : vector<16xf32>
        %min3A = arith.constant 1.000000e+00 : f32
        %min3A_120 = vector.broadcast %min3A : f32 to vector<16xf32>
        %min3A_121 = arith.minimumf %max3A_119, %min3A_120 : vector<16xf32>
        %mul3A_122 = arith.constant 16 : i32
        %mul3A_123 = arith.muli %scan3A_109, %mul3A_122 : i32
        %add3A_124 = arith.constant 0 : i32
        %add3A_125 = arith.addi %mul3A_123, %add3A_124 : i32
        %slice3A = vector.extract_strided_slice %min3A_121 {offsets = [0], sizes = [1], strides = [1]} : vector<16xf32> to vector<1xf32>
        %squeeze3A = vector.extract %slice3A[0] : f32 from vector<1xf32>
        %broadcast_in_dim3A_126 = vector.broadcast %squeeze3A : f32 to vector<16xf32>
        %get3A_127 = arith.index_cast %add3A_125 : i32 to index
        %get3A_128 = arith.constant 0 : index
        %get3A_129 = tpu.vector_load %arg12[%get3A_127, %get3A_128] {strides = array<i32>} : memref<80x16xf32, #tpu.memory_space<vmem>>, vector<1x16xf32>,
        %get3A_130 = vector.shape_cast %get3A_129 : vector<1x16xf32> to vector<16xf32>
        %get3A_131 = arith.index_cast %add3A_125 : i32 to index
        %get3A_132 = arith.constant 0 : index
        %get3A_133 = tpu.vector_load %arg13[%get3A_131, %get3A_132] {strides = array<i32>} : memref<80x16xf32, #tpu.memory_space<vmem>>, vector<1x16xf32>,
        %get3A_134 = vector.shape_cast %get3A_133 : vector<1x16xf32> to vector<16xf32>
        %sub3A = arith.subf %get3A_134, %get3A_130 : vector<16xf32>
        %mul3A_135 = arith.mulf %broadcast_in_dim3A_126, %sub3A : vector<16xf32>
        %add3A_136 = arith.addf %get3A_130, %mul3A_135 : vector<16xf32>
        %swap3A_137 = arith.index_cast %add3A_125 : i32 to index
        %swap3A_138 = arith.constant 0 : index
        %swap3A_139 = tpu.vector_load %arg12[%swap3A_137, %swap3A_138] {strides = array<i32>} : memref<80x16xf32, #tpu.memory_space<vmem>>, vector<1x16xf32>,
        %swap3A_140 = vector.shape_cast %swap3A_139 : vector<1x16xf32> to vector<16xf32>
        %swap3A_141 = vector.shape_cast %add3A_136 : vector<16xf32> to vector<1x16xf32>
        tpu.vector_store %arg12[%swap3A_137, %swap3A_138], %swap3A_141 {strides = array<i32>} : memref<80x16xf32, #tpu.memory_space<vmem>>, vector<1x16xf32>,
        %mul3A_142 = arith.constant 16 : i32
        %mul3A_143 = arith.muli %scan3A_109, %mul3A_142 : i32
        %add3A_144 = arith.constant 1 : i32
        %add3A_145 = arith.addi %mul3A_143, %add3A_144 : i32
        %slice3A_146 = vector.extract_strided_slice %min3A_121 {offsets = [1], sizes = [1], strides = [1]} : vector<16xf32> to vector<1xf32>
        %squeeze3A_147 = vector.extract %slice3A_146[0] : f32 from vector<1xf32>
        %broadcast_in_dim3A_148 = vector.broadcast %squeeze3A_147 : f32 to vector<16xf32>
        %get3A_149 = arith.index_cast %add3A_145 : i32 to index
        %get3A_150 = arith.constant 0 : index
        %get3A_151 = tpu.vector_load %arg12[%get3A_149, %get3A_150] {strides = array<i32>} : memref<80x16xf32, #tpu.memory_space<vmem>>, vector<1x16xf32>,
        %get3A_152 = vector.shape_cast %get3A_151 : vector<1x16xf32> to vector<16xf32>
        %get3A_153 = arith.index_cast %add3A_145 : i32 to index
        %get3A_154 = arith.constant 0 : index
        %get3A_155 = tpu.vector_load %arg13[%get3A_153, %get3A_154] {strides = array<i32>} : memref<80x16xf32, #tpu.memory_space<vmem>>, vector<1x16xf32>,
        %get3A_156 = vector.shape_cast %get3A_155 : vector<1x16xf32> to vector<16xf32>
        %sub3A_157 = arith.subf %get3A_156, %get3A_152 : vector<16xf32>
        %mul3A_158 = arith.mulf %broadcast_in_dim3A_148, %sub3A_157 : vector<16xf32>
        %add3A_159 = arith.addf %get3A_152, %mul3A_158 : vector<16xf32>
        %swap3A_160 = arith.index_cast %add3A_145 : i32 to index
        %swap3A_161 = arith.constant 0 : index
        %swap3A_162 = tpu.vector_load %arg12[%swap3A_160, %swap3A_161] {strides = array<i32>} : memref<80x16xf32, #tpu.memory_space<vmem>>, vector<1x16xf32>,
        %swap3A_163 = vector.shape_cast %swap3A_162 : vector<1x16xf32> to vector<16xf32>
        %swap3A_164 = vector.shape_cast %add3A_159 : vector<16xf32> to vector<1x16xf32>
        tpu.vector_store %arg12[%swap3A_160, %swap3A_161], %swap3A_164 {strides = array<i32>} : memref<80x16xf32, #tpu.memory_space<vmem>>, vector<1x16xf32>,
        %mul3A_165 = arith.constant 16 : i32
        %mul3A_166 = arith.muli %scan3A_109, %mul3A_165 : i32
        %add3A_167 = arith.constant 2 : i32
        %add3A_168 = arith.addi %mul3A_166, %add3A_167 : i32
        %slice3A_169 = vector.extract_strided_slice %min3A_121 {offsets = [2], sizes = [1], strides = [1]} : vector<16xf32> to vector<1xf32>
        %squeeze3A_170 = vector.extract %slice3A_169[0] : f32 from vector<1xf32>
        %broadcast_in_dim3A_171 = vector.broadcast %squeeze3A_170 : f32 to vector<16xf32>
        %get3A_172 = arith.index_cast %add3A_168 : i32 to index
        %get3A_173 = arith.constant 0 : index
        %get3A_174 = tpu.vector_load %arg12[%get3A_172, %get3A_173] {strides = array<i32>} : memref<80x16xf32, #tpu.memory_space<vmem>>, vector<1x16xf32>,
        %get3A_175 = vector.shape_cast %get3A_174 : vector<1x16xf32> to vector<16xf32>
        %get3A_176 = arith.index_cast %add3A_168 : i32 to index
        %get3A_177 = arith.constant 0 : index
        %get3A_178 = tpu.vector_load %arg13[%get3A_176, %get3A_177] {strides = array<i32>} : memref<80x16xf32, #tpu.memory_space<vmem>>, vector<1x16xf32>,
        %get3A_179 = vector.shape_cast %get3A_178 : vector<1x16xf32> to vector<16xf32>
        %sub3A_180 = arith.subf %get3A_179, %get3A_175 : vector<16xf32>
        %mul3A_181 = arith.mulf %broadcast_in_dim3A_171, %sub3A_180 : vector<16xf32>
        %add3A_182 = arith.addf %get3A_175, %mul3A_181 : vector<16xf32>
        %swap3A_183 = arith.index_cast %add3A_168 : i32 to index
        %swap3A_184 = arith.constant 0 : index
        %swap3A_185 = tpu.vector_load %arg12[%swap3A_183, %swap3A_184] {strides = array<i32>} : memref<80x16xf32, #tpu.memory_space<vmem>>, vector<1x16xf32>,
        %swap3A_186 = vector.shape_cast %swap3A_185 : vector<1x16xf32> to vector<16xf32>
        %swap3A_187 = vector.shape_cast %add3A_182 : vector<16xf32> to vector<1x16xf32>
        tpu.vector_store %arg12[%swap3A_183, %swap3A_184], %swap3A_187 {strides = array<i32>} : memref<80x16xf32, #tpu.memory_space<vmem>>, vector<1x16xf32>,
        %mul3A_188 = arith.constant 16 : i32
        %mul3A_189 = arith.muli %scan3A_109, %mul3A_188 : i32
        %add3A_190 = arith.constant 3 : i32
        %add3A_191 = arith.addi %mul3A_189, %add3A_190 : i32
        %slice3A_192 = vector.extract_strided_slice %min3A_121 {offsets = [3], sizes = [1], strides = [1]} : vector<16xf32> to vector<1xf32>
        %squeeze3A_193 = vector.extract %slice3A_192[0] : f32 from vector<1xf32>
        %broadcast_in_dim3A_194 = vector.broadcast %squeeze3A_193 : f32 to vector<16xf32>
        %get3A_195 = arith.index_cast %add3A_191 : i32 to index
        %get3A_196 = arith.constant 0 : index
        %get3A_197 = tpu.vector_load %arg12[%get3A_195, %get3A_196] {strides = array<i32>} : memref<80x16xf32, #tpu.memory_space<vmem>>, vector<1x16xf32>,
        %get3A_198 = vector.shape_cast %get3A_197 : vector<1x16xf32> to vector<16xf32>
        %get3A_199 = arith.index_cast %add3A_191 : i32 to index
        %get3A_200 = arith.constant 0 : index
        %get3A_201 = tpu.vector_load %arg13[%get3A_199, %get3A_200] {strides = array<i32>} : memref<80x16xf32, #tpu.memory_space<vmem>>, vector<1x16xf32>,
        %get3A_202 = vector.shape_cast %get3A_201 : vector<1x16xf32> to vector<16xf32>
        %sub3A_203 = arith.subf %get3A_202, %get3A_198 : vector<16xf32>
        %mul3A_204 = arith.mulf %broadcast_in_dim3A_194, %sub3A_203 : vector<16xf32>
        %add3A_205 = arith.addf %get3A_198, %mul3A_204 : vector<16xf32>
        %swap3A_206 = arith.index_cast %add3A_191 : i32 to index
        %swap3A_207 = arith.constant 0 : index
        %swap3A_208 = tpu.vector_load %arg12[%swap3A_206, %swap3A_207] {strides = array<i32>} : memref<80x16xf32, #tpu.memory_space<vmem>>, vector<1x16xf32>,
        %swap3A_209 = vector.shape_cast %swap3A_208 : vector<1x16xf32> to vector<16xf32>
        %swap3A_210 = vector.shape_cast %add3A_205 : vector<16xf32> to vector<1x16xf32>
        tpu.vector_store %arg12[%swap3A_206, %swap3A_207], %swap3A_210 {strides = array<i32>} : memref<80x16xf32, #tpu.memory_space<vmem>>, vector<1x16xf32>,
        %mul3A_211 = arith.constant 16 : i32
        %mul3A_212 = arith.muli %scan3A_109, %mul3A_211 : i32
        %add3A_213 = arith.constant 4 : i32
        %add3A_214 = arith.addi %mul3A_212, %add3A_213 : i32
        %slice3A_215 = vector.extract_strided_slice %min3A_121 {offsets = [4], sizes = [1], strides = [1]} : vector<16xf32> to vector<1xf32>
        %squeeze3A_216 = vector.extract %slice3A_215[0] : f32 from vector<1xf32>
        %broadcast_in_dim3A_217 = vector.broadcast %squeeze3A_216 : f32 to vector<16xf32>
        %get3A_218 = arith.index_cast %add3A_214 : i32 to index
        %get3A_219 = arith.constant 0 : index
        %get3A_220 = tpu.vector_load %arg12[%get3A_218, %get3A_219] {strides = array<i32>} : memref<80x16xf32, #tpu.memory_space<vmem>>, vector<1x16xf32>,
        %get3A_221 = vector.shape_cast %get3A_220 : vector<1x16xf32> to vector<16xf32>
        %get3A_222 = arith.index_cast %add3A_214 : i32 to index
        %get3A_223 = arith.constant 0 : index
        %get3A_224 = tpu.vector_load %arg13[%get3A_222, %get3A_223] {strides = array<i32>} : memref<80x16xf32, #tpu.memory_space<vmem>>, vector<1x16xf32>,
        %get3A_225 = vector.shape_cast %get3A_224 : vector<1x16xf32> to vector<16xf32>
        %sub3A_226 = arith.subf %get3A_225, %get3A_221 : vector<16xf32>
        %mul3A_227 = arith.mulf %broadcast_in_dim3A_217, %sub3A_226 : vector<16xf32>
        %add3A_228 = arith.addf %get3A_221, %mul3A_227 : vector<16xf32>
        %swap3A_229 = arith.index_cast %add3A_214 : i32 to index
        %swap3A_230 = arith.constant 0 : index
        %swap3A_231 = tpu.vector_load %arg12[%swap3A_229, %swap3A_230] {strides = array<i32>} : memref<80x16xf32, #tpu.memory_space<vmem>>, vector<1x16xf32>,
        %swap3A_232 = vector.shape_cast %swap3A_231 : vector<1x16xf32> to vector<16xf32>
        %swap3A_233 = vector.shape_cast %add3A_228 : vector<16xf32> to vector<1x16xf32>
        tpu.vector_store %arg12[%swap3A_229, %swap3A_230], %swap3A_233 {strides = array<i32>} : memref<80x16xf32, #tpu.memory_space<vmem>>, vector<1x16xf32>,
        %mul3A_234 = arith.constant 16 : i32
        %mul3A_235 = arith.muli %scan3A_109, %mul3A_234 : i32
        %add3A_236 = arith.constant 5 : i32
        %add3A_237 = arith.addi %mul3A_235, %add3A_236 : i32
        %slice3A_238 = vector.extract_strided_slice %min3A_121 {offsets = [5], sizes = [1], strides = [1]} : vector<16xf32> to vector<1xf32>
        %squeeze3A_239 = vector.extract %slice3A_238[0] : f32 from vector<1xf32>
        %broadcast_in_dim3A_240 = vector.broadcast %squeeze3A_239 : f32 to vector<16xf32>
        %get3A_241 = arith.index_cast %add3A_237 : i32 to index
        %get3A_242 = arith.constant 0 : index
        %get3A_243 = tpu.vector_load %arg12[%get3A_241, %get3A_242] {strides = array<i32>} : memref<80x16xf32, #tpu.memory_space<vmem>>, vector<1x16xf32>,
        %get3A_244 = vector.shape_cast %get3A_243 : vector<1x16xf32> to vector<16xf32>
        %get3A_245 = arith.index_cast %add3A_237 : i32 to index
        %get3A_246 = arith.constant 0 : index
        %get3A_247 = tpu.vector_load %arg13[%get3A_245, %get3A_246] {strides = array<i32>} : memref<80x16xf32, #tpu.memory_space<vmem>>, vector<1x16xf32>,
        %get3A_248 = vector.shape_cast %get3A_247 : vector<1x16xf32> to vector<16xf32>
        %sub3A_249 = arith.subf %get3A_248, %get3A_244 : vector<16xf32>
        %mul3A_250 = arith.mulf %broadcast_in_dim3A_240, %sub3A_249 : vector<16xf32>
        %add3A_251 = arith.addf %get3A_244, %mul3A_250 : vector<16xf32>
        %swap3A_252 = arith.index_cast %add3A_237 : i32 to index
        %swap3A_253 = arith.constant 0 : index
        %swap3A_254 = tpu.vector_load %arg12[%swap3A_252, %swap3A_253] {strides = array<i32>} : memref<80x16xf32, #tpu.memory_space<vmem>>, vector<1x16xf32>,
        %swap3A_255 = vector.shape_cast %swap3A_254 : vector<1x16xf32> to vector<16xf32>
        %swap3A_256 = vector.shape_cast %add3A_251 : vector<16xf32> to vector<1x16xf32>
        tpu.vector_store %arg12[%swap3A_252, %swap3A_253], %swap3A_256 {strides = array<i32>} : memref<80x16xf32, #tpu.memory_space<vmem>>, vector<1x16xf32>,
        %mul3A_257 = arith.constant 16 : i32
        %mul3A_258 = arith.muli %scan3A_109, %mul3A_257 : i32
        %add3A_259 = arith.constant 6 : i32
        %add3A_260 = arith.addi %mul3A_258, %add3A_259 : i32
        %slice3A_261 = vector.extract_strided_slice %min3A_121 {offsets = [6], sizes = [1], strides = [1]} : vector<16xf32> to vector<1xf32>
        %squeeze3A_262 = vector.extract %slice3A_261[0] : f32 from vector<1xf32>
        %broadcast_in_dim3A_263 = vector.broadcast %squeeze3A_262 : f32 to vector<16xf32>
        %get3A_264 = arith.index_cast %add3A_260 : i32 to index
        %get3A_265 = arith.constant 0 : index
        %get3A_266 = tpu.vector_load %arg12[%get3A_264, %get3A_265] {strides = array<i32>} : memref<80x16xf32, #tpu.memory_space<vmem>>, vector<1x16xf32>,
        %get3A_267 = vector.shape_cast %get3A_266 : vector<1x16xf32> to vector<16xf32>
        %get3A_268 = arith.index_cast %add3A_260 : i32 to index
        %get3A_269 = arith.constant 0 : index
        %get3A_270 = tpu.vector_load %arg13[%get3A_268, %get3A_269] {strides = array<i32>} : memref<80x16xf32, #tpu.memory_space<vmem>>, vector<1x16xf32>,
        %get3A_271 = vector.shape_cast %get3A_270 : vector<1x16xf32> to vector<16xf32>
        %sub3A_272 = arith.subf %get3A_271, %get3A_267 : vector<16xf32>
        %mul3A_273 = arith.mulf %broadcast_in_dim3A_263, %sub3A_272 : vector<16xf32>
        %add3A_274 = arith.addf %get3A_267, %mul3A_273 : vector<16xf32>
        %swap3A_275 = arith.index_cast %add3A_260 : i32 to index
        %swap3A_276 = arith.constant 0 : index
        %swap3A_277 = tpu.vector_load %arg12[%swap3A_275, %swap3A_276] {strides = array<i32>} : memref<80x16xf32, #tpu.memory_space<vmem>>, vector<1x16xf32>,
        %swap3A_278 = vector.shape_cast %swap3A_277 : vector<1x16xf32> to vector<16xf32>
        %swap3A_279 = vector.shape_cast %add3A_274 : vector<16xf32> to vector<1x16xf32>
        tpu.vector_store %arg12[%swap3A_275, %swap3A_276], %swap3A_279 {strides = array<i32>} : memref<80x16xf32, #tpu.memory_space<vmem>>, vector<1x16xf32>,
        %mul3A_280 = arith.constant 16 : i32
        %mul3A_281 = arith.muli %scan3A_109, %mul3A_280 : i32
        %add3A_282 = arith.constant 7 : i32
        %add3A_283 = arith.addi %mul3A_281, %add3A_282 : i32
        %slice3A_284 = vector.extract_strided_slice %min3A_121 {offsets = [7], sizes = [1], strides = [1]} : vector<16xf32> to vector<1xf32>
        %squeeze3A_285 = vector.extract %slice3A_284[0] : f32 from vector<1xf32>
        %broadcast_in_dim3A_286 = vector.broadcast %squeeze3A_285 : f32 to vector<16xf32>
        %get3A_287 = arith.index_cast %add3A_283 : i32 to index
        %get3A_288 = arith.constant 0 : index
        %get3A_289 = tpu.vector_load %arg12[%get3A_287, %get3A_288] {strides = array<i32>} : memref<80x16xf32, #tpu.memory_space<vmem>>, vector<1x16xf32>,
        %get3A_290 = vector.shape_cast %get3A_289 : vector<1x16xf32> to vector<16xf32>
        %get3A_291 = arith.index_cast %add3A_283 : i32 to index
        %get3A_292 = arith.constant 0 : index
        %get3A_293 = tpu.vector_load %arg13[%get3A_291, %get3A_292] {strides = array<i32>} : memref<80x16xf32, #tpu.memory_space<vmem>>, vector<1x16xf32>,
        %get3A_294 = vector.shape_cast %get3A_293 : vector<1x16xf32> to vector<16xf32>
        %sub3A_295 = arith.subf %get3A_294, %get3A_290 : vector<16xf32>
        %mul3A_296 = arith.mulf %broadcast_in_dim3A_286, %sub3A_295 : vector<16xf32>
        %add3A_297 = arith.addf %get3A_290, %mul3A_296 : vector<16xf32>
        %swap3A_298 = arith.index_cast %add3A_283 : i32 to index
        %swap3A_299 = arith.constant 0 : index
        %swap3A_300 = tpu.vector_load %arg12[%swap3A_298, %swap3A_299] {strides = array<i32>} : memref<80x16xf32, #tpu.memory_space<vmem>>, vector<1x16xf32>,
        %swap3A_301 = vector.shape_cast %swap3A_300 : vector<1x16xf32> to vector<16xf32>
        %swap3A_302 = vector.shape_cast %add3A_297 : vector<16xf32> to vector<1x16xf32>
        tpu.vector_store %arg12[%swap3A_298, %swap3A_299], %swap3A_302 {strides = array<i32>} : memref<80x16xf32, #tpu.memory_space<vmem>>, vector<1x16xf32>,
        %mul3A_303 = arith.constant 16 : i32
        %mul3A_304 = arith.muli %scan3A_109, %mul3A_303 : i32
        %add3A_305 = arith.constant 8 : i32
        %add3A_306 = arith.addi %mul3A_304, %add3A_305 : i32
        %slice3A_307 = vector.extract_strided_slice %min3A_121 {offsets = [8], sizes = [1], strides = [1]} : vector<16xf32> to vector<1xf32>
        %squeeze3A_308 = vector.extract %slice3A_307[0] : f32 from vector<1xf32>
        %broadcast_in_dim3A_309 = vector.broadcast %squeeze3A_308 : f32 to vector<16xf32>
        %get3A_310 = arith.index_cast %add3A_306 : i32 to index
        %get3A_311 = arith.constant 0 : index
        %get3A_312 = tpu.vector_load %arg12[%get3A_310, %get3A_311] {strides = array<i32>} : memref<80x16xf32, #tpu.memory_space<vmem>>, vector<1x16xf32>,
        %get3A_313 = vector.shape_cast %get3A_312 : vector<1x16xf32> to vector<16xf32>
        %get3A_314 = arith.index_cast %add3A_306 : i32 to index
        %get3A_315 = arith.constant 0 : index
        %get3A_316 = tpu.vector_load %arg13[%get3A_314, %get3A_315] {strides = array<i32>} : memref<80x16xf32, #tpu.memory_space<vmem>>, vector<1x16xf32>,
        %get3A_317 = vector.shape_cast %get3A_316 : vector<1x16xf32> to vector<16xf32>
        %sub3A_318 = arith.subf %get3A_317, %get3A_313 : vector<16xf32>
        %mul3A_319 = arith.mulf %broadcast_in_dim3A_309, %sub3A_318 : vector<16xf32>
        %add3A_320 = arith.addf %get3A_313, %mul3A_319 : vector<16xf32>
        %swap3A_321 = arith.index_cast %add3A_306 : i32 to index
        %swap3A_322 = arith.constant 0 : index
        %swap3A_323 = tpu.vector_load %arg12[%swap3A_321, %swap3A_322] {strides = array<i32>} : memref<80x16xf32, #tpu.memory_space<vmem>>, vector<1x16xf32>,
        %swap3A_324 = vector.shape_cast %swap3A_323 : vector<1x16xf32> to vector<16xf32>
        %swap3A_325 = vector.shape_cast %add3A_320 : vector<16xf32> to vector<1x16xf32>
        tpu.vector_store %arg12[%swap3A_321, %swap3A_322], %swap3A_325 {strides = array<i32>} : memref<80x16xf32, #tpu.memory_space<vmem>>, vector<1x16xf32>,
        %mul3A_326 = arith.constant 16 : i32
        %mul3A_327 = arith.muli %scan3A_109, %mul3A_326 : i32
        %add3A_328 = arith.constant 9 : i32
        %add3A_329 = arith.addi %mul3A_327, %add3A_328 : i32
        %slice3A_330 = vector.extract_strided_slice %min3A_121 {offsets = [9], sizes = [1], strides = [1]} : vector<16xf32> to vector<1xf32>
        %squeeze3A_331 = vector.extract %slice3A_330[0] : f32 from vector<1xf32>
        %broadcast_in_dim3A_332 = vector.broadcast %squeeze3A_331 : f32 to vector<16xf32>
        %get3A_333 = arith.index_cast %add3A_329 : i32 to index
        %get3A_334 = arith.constant 0 : index
        %get3A_335 = tpu.vector_load %arg12[%get3A_333, %get3A_334] {strides = array<i32>} : memref<80x16xf32, #tpu.memory_space<vmem>>, vector<1x16xf32>,
        %get3A_336 = vector.shape_cast %get3A_335 : vector<1x16xf32> to vector<16xf32>
        %get3A_337 = arith.index_cast %add3A_329 : i32 to index
        %get3A_338 = arith.constant 0 : index
        %get3A_339 = tpu.vector_load %arg13[%get3A_337, %get3A_338] {strides = array<i32>} : memref<80x16xf32, #tpu.memory_space<vmem>>, vector<1x16xf32>,
        %get3A_340 = vector.shape_cast %get3A_339 : vector<1x16xf32> to vector<16xf32>
        %sub3A_341 = arith.subf %get3A_340, %get3A_336 : vector<16xf32>
        %mul3A_342 = arith.mulf %broadcast_in_dim3A_332, %sub3A_341 : vector<16xf32>
        %add3A_343 = arith.addf %get3A_336, %mul3A_342 : vector<16xf32>
        %swap3A_344 = arith.index_cast %add3A_329 : i32 to index
        %swap3A_345 = arith.constant 0 : index
        %swap3A_346 = tpu.vector_load %arg12[%swap3A_344, %swap3A_345] {strides = array<i32>} : memref<80x16xf32, #tpu.memory_space<vmem>>, vector<1x16xf32>,
        %swap3A_347 = vector.shape_cast %swap3A_346 : vector<1x16xf32> to vector<16xf32>
        %swap3A_348 = vector.shape_cast %add3A_343 : vector<16xf32> to vector<1x16xf32>
        tpu.vector_store %arg12[%swap3A_344, %swap3A_345], %swap3A_348 {strides = array<i32>} : memref<80x16xf32, #tpu.memory_space<vmem>>, vector<1x16xf32>,
        %mul3A_349 = arith.constant 16 : i32
        %mul3A_350 = arith.muli %scan3A_109, %mul3A_349 : i32
        %add3A_351 = arith.constant 10 : i32
        %add3A_352 = arith.addi %mul3A_350, %add3A_351 : i32
        %slice3A_353 = vector.extract_strided_slice %min3A_121 {offsets = [10], sizes = [1], strides = [1]} : vector<16xf32> to vector<1xf32>
        %squeeze3A_354 = vector.extract %slice3A_353[0] : f32 from vector<1xf32>
        %broadcast_in_dim3A_355 = vector.broadcast %squeeze3A_354 : f32 to vector<16xf32>
        %get3A_356 = arith.index_cast %add3A_352 : i32 to index
        %get3A_357 = arith.constant 0 : index
        %get3A_358 = tpu.vector_load %arg12[%get3A_356, %get3A_357] {strides = array<i32>} : memref<80x16xf32, #tpu.memory_space<vmem>>, vector<1x16xf32>,
        %get3A_359 = vector.shape_cast %get3A_358 : vector<1x16xf32> to vector<16xf32>
        %get3A_360 = arith.index_cast %add3A_352 : i32 to index
        %get3A_361 = arith.constant 0 : index
        %get3A_362 = tpu.vector_load %arg13[%get3A_360, %get3A_361] {strides = array<i32>} : memref<80x16xf32, #tpu.memory_space<vmem>>, vector<1x16xf32>,
        %get3A_363 = vector.shape_cast %get3A_362 : vector<1x16xf32> to vector<16xf32>
        %sub3A_364 = arith.subf %get3A_363, %get3A_359 : vector<16xf32>
        %mul3A_365 = arith.mulf %broadcast_in_dim3A_355, %sub3A_364 : vector<16xf32>
        %add3A_366 = arith.addf %get3A_359, %mul3A_365 : vector<16xf32>
        %swap3A_367 = arith.index_cast %add3A_352 : i32 to index
        %swap3A_368 = arith.constant 0 : index
        %swap3A_369 = tpu.vector_load %arg12[%swap3A_367, %swap3A_368] {strides = array<i32>} : memref<80x16xf32, #tpu.memory_space<vmem>>, vector<1x16xf32>,
        %swap3A_370 = vector.shape_cast %swap3A_369 : vector<1x16xf32> to vector<16xf32>
        %swap3A_371 = vector.shape_cast %add3A_366 : vector<16xf32> to vector<1x16xf32>
        tpu.vector_store %arg12[%swap3A_367, %swap3A_368], %swap3A_371 {strides = array<i32>} : memref<80x16xf32, #tpu.memory_space<vmem>>, vector<1x16xf32>,
        %mul3A_372 = arith.constant 16 : i32
        %mul3A_373 = arith.muli %scan3A_109, %mul3A_372 : i32
        %add3A_374 = arith.constant 11 : i32
        %add3A_375 = arith.addi %mul3A_373, %add3A_374 : i32
        %slice3A_376 = vector.extract_strided_slice %min3A_121 {offsets = [11], sizes = [1], strides = [1]} : vector<16xf32> to vector<1xf32>
        %squeeze3A_377 = vector.extract %slice3A_376[0] : f32 from vector<1xf32>
        %broadcast_in_dim3A_378 = vector.broadcast %squeeze3A_377 : f32 to vector<16xf32>
        %get3A_379 = arith.index_cast %add3A_375 : i32 to index
        %get3A_380 = arith.constant 0 : index
        %get3A_381 = tpu.vector_load %arg12[%get3A_379, %get3A_380] {strides = array<i32>} : memref<80x16xf32, #tpu.memory_space<vmem>>, vector<1x16xf32>,
        %get3A_382 = vector.shape_cast %get3A_381 : vector<1x16xf32> to vector<16xf32>
        %get3A_383 = arith.index_cast %add3A_375 : i32 to index
        %get3A_384 = arith.constant 0 : index
        %get3A_385 = tpu.vector_load %arg13[%get3A_383, %get3A_384] {strides = array<i32>} : memref<80x16xf32, #tpu.memory_space<vmem>>, vector<1x16xf32>,
        %get3A_386 = vector.shape_cast %get3A_385 : vector<1x16xf32> to vector<16xf32>
        %sub3A_387 = arith.subf %get3A_386, %get3A_382 : vector<16xf32>
        %mul3A_388 = arith.mulf %broadcast_in_dim3A_378, %sub3A_387 : vector<16xf32>
        %add3A_389 = arith.addf %get3A_382, %mul3A_388 : vector<16xf32>
        %swap3A_390 = arith.index_cast %add3A_375 : i32 to index
        %swap3A_391 = arith.constant 0 : index
        %swap3A_392 = tpu.vector_load %arg12[%swap3A_390, %swap3A_391] {strides = array<i32>} : memref<80x16xf32, #tpu.memory_space<vmem>>, vector<1x16xf32>,
        %swap3A_393 = vector.shape_cast %swap3A_392 : vector<1x16xf32> to vector<16xf32>
        %swap3A_394 = vector.shape_cast %add3A_389 : vector<16xf32> to vector<1x16xf32>
        tpu.vector_store %arg12[%swap3A_390, %swap3A_391], %swap3A_394 {strides = array<i32>} : memref<80x16xf32, #tpu.memory_space<vmem>>, vector<1x16xf32>,
        %mul3A_395 = arith.constant 16 : i32
        %mul3A_396 = arith.muli %scan3A_109, %mul3A_395 : i32
        %add3A_397 = arith.constant 12 : i32
        %add3A_398 = arith.addi %mul3A_396, %add3A_397 : i32
        %slice3A_399 = vector.extract_strided_slice %min3A_121 {offsets = [12], sizes = [1], strides = [1]} : vector<16xf32> to vector<1xf32>
        %squeeze3A_400 = vector.extract %slice3A_399[0] : f32 from vector<1xf32>
        %broadcast_in_dim3A_401 = vector.broadcast %squeeze3A_400 : f32 to vector<16xf32>
        %get3A_402 = arith.index_cast %add3A_398 : i32 to index
        %get3A_403 = arith.constant 0 : index
        %get3A_404 = tpu.vector_load %arg12[%get3A_402, %get3A_403] {strides = array<i32>} : memref<80x16xf32, #tpu.memory_space<vmem>>, vector<1x16xf32>,
        %get3A_405 = vector.shape_cast %get3A_404 : vector<1x16xf32> to vector<16xf32>
        %get3A_406 = arith.index_cast %add3A_398 : i32 to index
        %get3A_407 = arith.constant 0 : index
        %get3A_408 = tpu.vector_load %arg13[%get3A_406, %get3A_407] {strides = array<i32>} : memref<80x16xf32, #tpu.memory_space<vmem>>, vector<1x16xf32>,
        %get3A_409 = vector.shape_cast %get3A_408 : vector<1x16xf32> to vector<16xf32>
        %sub3A_410 = arith.subf %get3A_409, %get3A_405 : vector<16xf32>
        %mul3A_411 = arith.mulf %broadcast_in_dim3A_401, %sub3A_410 : vector<16xf32>
        %add3A_412 = arith.addf %get3A_405, %mul3A_411 : vector<16xf32>
        %swap3A_413 = arith.index_cast %add3A_398 : i32 to index
        %swap3A_414 = arith.constant 0 : index
        %swap3A_415 = tpu.vector_load %arg12[%swap3A_413, %swap3A_414] {strides = array<i32>} : memref<80x16xf32, #tpu.memory_space<vmem>>, vector<1x16xf32>,
        %swap3A_416 = vector.shape_cast %swap3A_415 : vector<1x16xf32> to vector<16xf32>
        %swap3A_417 = vector.shape_cast %add3A_412 : vector<16xf32> to vector<1x16xf32>
        tpu.vector_store %arg12[%swap3A_413, %swap3A_414], %swap3A_417 {strides = array<i32>} : memref<80x16xf32, #tpu.memory_space<vmem>>, vector<1x16xf32>,
        %mul3A_418 = arith.constant 16 : i32
        %mul3A_419 = arith.muli %scan3A_109, %mul3A_418 : i32
        %add3A_420 = arith.constant 13 : i32
        %add3A_421 = arith.addi %mul3A_419, %add3A_420 : i32
        %slice3A_422 = vector.extract_strided_slice %min3A_121 {offsets = [13], sizes = [1], strides = [1]} : vector<16xf32> to vector<1xf32>
        %squeeze3A_423 = vector.extract %slice3A_422[0] : f32 from vector<1xf32>
        %broadcast_in_dim3A_424 = vector.broadcast %squeeze3A_423 : f32 to vector<16xf32>
        %get3A_425 = arith.index_cast %add3A_421 : i32 to index
        %get3A_426 = arith.constant 0 : index
        %get3A_427 = tpu.vector_load %arg12[%get3A_425, %get3A_426] {strides = array<i32>} : memref<80x16xf32, #tpu.memory_space<vmem>>, vector<1x16xf32>,
        %get3A_428 = vector.shape_cast %get3A_427 : vector<1x16xf32> to vector<16xf32>
        %get3A_429 = arith.index_cast %add3A_421 : i32 to index
        %get3A_430 = arith.constant 0 : index
        %get3A_431 = tpu.vector_load %arg13[%get3A_429, %get3A_430] {strides = array<i32>} : memref<80x16xf32, #tpu.memory_space<vmem>>, vector<1x16xf32>,
        %get3A_432 = vector.shape_cast %get3A_431 : vector<1x16xf32> to vector<16xf32>
        %sub3A_433 = arith.subf %get3A_432, %get3A_428 : vector<16xf32>
        %mul3A_434 = arith.mulf %broadcast_in_dim3A_424, %sub3A_433 : vector<16xf32>
        %add3A_435 = arith.addf %get3A_428, %mul3A_434 : vector<16xf32>
        %swap3A_436 = arith.index_cast %add3A_421 : i32 to index
        %swap3A_437 = arith.constant 0 : index
        %swap3A_438 = tpu.vector_load %arg12[%swap3A_436, %swap3A_437] {strides = array<i32>} : memref<80x16xf32, #tpu.memory_space<vmem>>, vector<1x16xf32>,
        %swap3A_439 = vector.shape_cast %swap3A_438 : vector<1x16xf32> to vector<16xf32>
        %swap3A_440 = vector.shape_cast %add3A_435 : vector<16xf32> to vector<1x16xf32>
        tpu.vector_store %arg12[%swap3A_436, %swap3A_437], %swap3A_440 {strides = array<i32>} : memref<80x16xf32, #tpu.memory_space<vmem>>, vector<1x16xf32>,
        %mul3A_441 = arith.constant 16 : i32
        %mul3A_442 = arith.muli %scan3A_109, %mul3A_441 : i32
        %add3A_443 = arith.constant 14 : i32
        %add3A_444 = arith.addi %mul3A_442, %add3A_443 : i32
        %slice3A_445 = vector.extract_strided_slice %min3A_121 {offsets = [14], sizes = [1], strides = [1]} : vector<16xf32> to vector<1xf32>
        %squeeze3A_446 = vector.extract %slice3A_445[0] : f32 from vector<1xf32>
        %broadcast_in_dim3A_447 = vector.broadcast %squeeze3A_446 : f32 to vector<16xf32>
        %get3A_448 = arith.index_cast %add3A_444 : i32 to index
        %get3A_449 = arith.constant 0 : index
        %get3A_450 = tpu.vector_load %arg12[%get3A_448, %get3A_449] {strides = array<i32>} : memref<80x16xf32, #tpu.memory_space<vmem>>, vector<1x16xf32>,
        %get3A_451 = vector.shape_cast %get3A_450 : vector<1x16xf32> to vector<16xf32>
        %get3A_452 = arith.index_cast %add3A_444 : i32 to index
        %get3A_453 = arith.constant 0 : index
        %get3A_454 = tpu.vector_load %arg13[%get3A_452, %get3A_453] {strides = array<i32>} : memref<80x16xf32, #tpu.memory_space<vmem>>, vector<1x16xf32>,
        %get3A_455 = vector.shape_cast %get3A_454 : vector<1x16xf32> to vector<16xf32>
        %sub3A_456 = arith.subf %get3A_455, %get3A_451 : vector<16xf32>
        %mul3A_457 = arith.mulf %broadcast_in_dim3A_447, %sub3A_456 : vector<16xf32>
        %add3A_458 = arith.addf %get3A_451, %mul3A_457 : vector<16xf32>
        %swap3A_459 = arith.index_cast %add3A_444 : i32 to index
        %swap3A_460 = arith.constant 0 : index
        %swap3A_461 = tpu.vector_load %arg12[%swap3A_459, %swap3A_460] {strides = array<i32>} : memref<80x16xf32, #tpu.memory_space<vmem>>, vector<1x16xf32>,
        %swap3A_462 = vector.shape_cast %swap3A_461 : vector<1x16xf32> to vector<16xf32>
        %swap3A_463 = vector.shape_cast %add3A_458 : vector<16xf32> to vector<1x16xf32>
        tpu.vector_store %arg12[%swap3A_459, %swap3A_460], %swap3A_463 {strides = array<i32>} : memref<80x16xf32, #tpu.memory_space<vmem>>, vector<1x16xf32>,
        %mul3A_464 = arith.constant 16 : i32
        %mul3A_465 = arith.muli %scan3A_109, %mul3A_464 : i32
        %add3A_466 = arith.constant 15 : i32
        %add3A_467 = arith.addi %mul3A_465, %add3A_466 : i32
        %slice3A_468 = vector.extract_strided_slice %min3A_121 {offsets = [15], sizes = [1], strides = [1]} : vector<16xf32> to vector<1xf32>
        %squeeze3A_469 = vector.extract %slice3A_468[0] : f32 from vector<1xf32>
        %broadcast_in_dim3A_470 = vector.broadcast %squeeze3A_469 : f32 to vector<16xf32>
        %get3A_471 = arith.index_cast %add3A_467 : i32 to index
        %get3A_472 = arith.constant 0 : index
        %get3A_473 = tpu.vector_load %arg12[%get3A_471, %get3A_472] {strides = array<i32>} : memref<80x16xf32, #tpu.memory_space<vmem>>, vector<1x16xf32>,
        %get3A_474 = vector.shape_cast %get3A_473 : vector<1x16xf32> to vector<16xf32>
        %get3A_475 = arith.index_cast %add3A_467 : i32 to index
        %get3A_476 = arith.constant 0 : index
        %get3A_477 = tpu.vector_load %arg13[%get3A_475, %get3A_476] {strides = array<i32>} : memref<80x16xf32, #tpu.memory_space<vmem>>, vector<1x16xf32>,
        %get3A_478 = vector.shape_cast %get3A_477 : vector<1x16xf32> to vector<16xf32>
        %sub3A_479 = arith.subf %get3A_478, %get3A_474 : vector<16xf32>
        %mul3A_480 = arith.mulf %broadcast_in_dim3A_470, %sub3A_479 : vector<16xf32>
        %add3A_481 = arith.addf %get3A_474, %mul3A_480 : vector<16xf32>
        %swap3A_482 = arith.index_cast %add3A_467 : i32 to index
        %swap3A_483 = arith.constant 0 : index
        %swap3A_484 = tpu.vector_load %arg12[%swap3A_482, %swap3A_483] {strides = array<i32>} : memref<80x16xf32, #tpu.memory_space<vmem>>, vector<1x16xf32>,
        %swap3A_485 = vector.shape_cast %swap3A_484 : vector<1x16xf32> to vector<16xf32>
        %swap3A_486 = vector.shape_cast %add3A_481 : vector<16xf32> to vector<1x16xf32>
        tpu.vector_store %arg12[%swap3A_482, %swap3A_483], %swap3A_486 {strides = array<i32>} : memref<80x16xf32, #tpu.memory_space<vmem>>, vector<1x16xf32>,
        %scan3A_487 = arith.constant 0 : i32
        scf.yield %scan3A_487 : i32
      }
      %scan3A_108 = arith.constant 5 : i32
      "tpu.region"() ({
        %run_scoped3A = tpu.sem_alloc : memref<!tpu.dma_semaphore, #tpu.memory_space<semaphore_mem>>
        %dma_start3A_109 = arith.constant 0 : i32
        %dma_start3A_110 = tpu.memref_slice %arg10[%scan3A_79, %dma_start3A_109] : memref<125x80xi32, #tpu.memory_space<vmem>> -> memref<1x80xi32, #tpu.memory_space<vmem>>
        %dma_start3A_111 = tpu.memref_squeeze %dma_start3A_110 : memref<1x80xi32, #tpu.memory_space<vmem>> -> memref<80xi32, #tpu.memory_space<vmem>>
        %dma_start3A_112 = arith.constant 0 : i32
        %dma_start3A_113 = arith.constant 0 : i32
        %dma_start3A_114 = tpu.memref_slice %arg17[%dma_start3A_112, %dma_start3A_113] : memref<10240x16xf32, #tpu.memory_space<vmem_shared>> -> memref<10240x16xf32, #tpu.memory_space<vmem_shared>>
        tpu.enqueue_indirect_dma source(%arg12 : memref<80x16xf32, #tpu.memory_space<vmem>>) target(%dma_start3A_114 : memref<10240x16xf32, #tpu.memory_space<vmem_shared>>) offsets(%dma_start3A_111 : memref<80xi32, #tpu.memory_space<vmem>>) semaphore(%run_scoped3A : memref<!tpu.dma_semaphore, #tpu.memory_space<semaphore_mem>>) {add = true}
        %dma_wait3A_115 = arith.constant 0 : i32
        %dma_wait3A_116 = tpu.memref_slice %arg10[%scan3A_79, %dma_wait3A_115] : memref<125x80xi32, #tpu.memory_space<vmem>> -> memref<1x80xi32, #tpu.memory_space<vmem>>
        %dma_wait3A_117 = tpu.memref_squeeze %dma_wait3A_116 : memref<1x80xi32, #tpu.memory_space<vmem>> -> memref<80xi32, #tpu.memory_space<vmem>>
        %dma_wait3A_118 = arith.constant 0 : i32
        %dma_wait3A_119 = arith.constant 0 : i32
        %dma_wait3A_120 = tpu.memref_slice %arg17[%dma_wait3A_118, %dma_wait3A_119] : memref<10240x16xf32, #tpu.memory_space<vmem_shared>> -> memref<10240x16xf32, #tpu.memory_space<vmem_shared>>
        tpu.wait_indirect_dma semaphore(%run_scoped3A : memref<!tpu.dma_semaphore, #tpu.memory_space<semaphore_mem>>) src(%arg12 : memref<80x16xf32, #tpu.memory_space<vmem>>) dst(%dma_wait3A_120 : memref<10240x16xf32, #tpu.memory_space<vmem_shared>>)
        tpu.yield
      }) : () -> ()
      "tpu.region"() ({
        %run_scoped3A = tpu.sem_alloc : memref<!tpu.dma_semaphore, #tpu.memory_space<semaphore_mem>>
        %dma_start3A_109 = arith.constant 0 : i32
        %dma_start3A_110 = tpu.memref_slice %arg10[%scan3A_79, %dma_start3A_109] : memref<125x80xi32, #tpu.memory_space<vmem>> -> memref<1x80xi32, #tpu.memory_space<vmem>>
        %dma_start3A_111 = tpu.memref_squeeze %dma_start3A_110 : memref<1x80xi32, #tpu.memory_space<vmem>> -> memref<80xi32, #tpu.memory_space<vmem>>
        %dma_start3A_112 = arith.constant 0 : i32
        %dma_start3A_113 = tpu.memref_slice %arg18[%dma_start3A_112] : memref<10240xf32, #tpu.memory_space<vmem_shared>> -> memref<10240xf32, #tpu.memory_space<vmem_shared>>
        tpu.enqueue_indirect_dma source(%arg14 : memref<80xf32, #tpu.memory_space<vmem>>) target(%dma_start3A_113 : memref<10240xf32, #tpu.memory_space<vmem_shared>>) offsets(%dma_start3A_111 : memref<80xi32, #tpu.memory_space<vmem>>) semaphore(%run_scoped3A : memref<!tpu.dma_semaphore, #tpu.memory_space<semaphore_mem>>) {add = true}
        %dma_wait3A_114 = arith.constant 0 : i32
        %dma_wait3A_115 = tpu.memref_slice %arg10[%scan3A_79, %dma_wait3A_114] : memref<125x80xi32, #tpu.memory_space<vmem>> -> memref<1x80xi32, #tpu.memory_space<vmem>>
        %dma_wait3A_116 = tpu.memref_squeeze %dma_wait3A_115 : memref<1x80xi32, #tpu.memory_space<vmem>> -> memref<80xi32, #tpu.memory_space<vmem>>
        %dma_wait3A_117 = arith.constant 0 : i32
        %dma_wait3A_118 = tpu.memref_slice %arg18[%dma_wait3A_117] : memref<10240xf32, #tpu.memory_space<vmem_shared>> -> memref<10240xf32, #tpu.memory_space<vmem_shared>>
        tpu.wait_indirect_dma semaphore(%run_scoped3A : memref<!tpu.dma_semaphore, #tpu.memory_space<semaphore_mem>>) src(%arg14 : memref<80xf32, #tpu.memory_space<vmem>>) dst(%dma_wait3A_118 : memref<10240xf32, #tpu.memory_space<vmem_shared>>)
        tpu.yield
      }) : () -> ()
    }
    %scan3A_69 = arith.constant 125 : i32
    %barrier3A_70 = arith.constant 0 : index
    tpu.barrier barrier_id(%barrier3A_70)
    %mul3A_71 = arith.constant 640 : i32
    %mul3A_72 = arith.muli %arg1, %mul3A_71 : i32
    %mul3A_73 = arith.constant 640 : i32
    %mul3A_74 = arith.muli %arg1, %mul3A_73 : i32
    "tpu.region"() ({
      %run_scoped3A = tpu.sem_alloc : memref<!tpu.dma_semaphore, #tpu.memory_space<semaphore_mem>>
      %dma_start3A = arith.constant 0 : i32
      %dma_start3A_79 = tpu.memref_slice %arg7[%arg0, %mul3A_74, %dma_start3A] : memref<2x10240x16xf32, #tpu.memory_space<hbm>> -> memref<1x640x16xf32, #tpu.memory_space<hbm>>
      %dma_start3A_80 = tpu.memref_squeeze %dma_start3A_79 : memref<1x640x16xf32, #tpu.memory_space<hbm>> -> memref<640x16xf32, #tpu.memory_space<hbm>>
      %dma_start3A_81 = arith.constant 0 : i32
      %dma_start3A_82 = tpu.memref_slice %arg17[%mul3A_72, %dma_start3A_81] : memref<10240x16xf32, #tpu.memory_space<vmem_shared>> -> memref<640x16xf32, #tpu.memory_space<vmem_shared>>
      tpu.enqueue_dma source(%dma_start3A_82 : memref<640x16xf32, #tpu.memory_space<vmem_shared>>) target(%dma_start3A_80 : memref<640x16xf32, #tpu.memory_space<hbm>>) target_semaphore(%run_scoped3A : memref<!tpu.dma_semaphore, #tpu.memory_space<semaphore_mem>>)
      %dma_wait3A = arith.constant 0 : i32
      %dma_wait3A_83 = tpu.memref_slice %arg7[%arg0, %mul3A_74, %dma_wait3A] : memref<2x10240x16xf32, #tpu.memory_space<hbm>> -> memref<1x640x16xf32, #tpu.memory_space<hbm>>
      %dma_wait3A_84 = tpu.memref_squeeze %dma_wait3A_83 : memref<1x640x16xf32, #tpu.memory_space<hbm>> -> memref<640x16xf32, #tpu.memory_space<hbm>>
      %dma_wait3A_85 = arith.constant 0 : i32
      %dma_wait3A_86 = tpu.memref_slice %arg17[%mul3A_72, %dma_wait3A_85] : memref<10240x16xf32, #tpu.memory_space<vmem_shared>> -> memref<640x16xf32, #tpu.memory_space<vmem_shared>>
      tpu.wait_dma2 semaphore(%run_scoped3A : memref<!tpu.dma_semaphore, #tpu.memory_space<semaphore_mem>>) src(%dma_wait3A_86 : memref<640x16xf32, #tpu.memory_space<vmem_shared>>) dst(%dma_wait3A_84 : memref<640x16xf32, #tpu.memory_space<hbm>>)
      tpu.yield
    }) : () -> ()
    %mul3A_75 = arith.constant 640 : i32
    %mul3A_76 = arith.muli %arg1, %mul3A_75 : i32
    %mul3A_77 = arith.constant 640 : i32
    %mul3A_78 = arith.muli %arg1, %mul3A_77 : i32
    "tpu.region"() ({
      %run_scoped3A = tpu.sem_alloc : memref<!tpu.dma_semaphore, #tpu.memory_space<semaphore_mem>>
      %dma_start3A = tpu.memref_slice %arg8[%arg0, %mul3A_78] : memref<2x10240xf32, #tpu.memory_space<hbm>> -> memref<1x640xf32, #tpu.memory_space<hbm>>
      %dma_start3A_79 = tpu.memref_squeeze %dma_start3A : memref<1x640xf32, #tpu.memory_space<hbm>> -> memref<640xf32, #tpu.memory_space<hbm>>
      %dma_start3A_80 = tpu.memref_slice %arg18[%mul3A_76] : memref<10240xf32, #tpu.memory_space<vmem_shared>> -> memref<640xf32, #tpu.memory_space<vmem_shared>>
      tpu.enqueue_dma source(%dma_start3A_80 : memref<640xf32, #tpu.memory_space<vmem_shared>>) target(%dma_start3A_79 : memref<640xf32, #tpu.memory_space<hbm>>) target_semaphore(%run_scoped3A : memref<!tpu.dma_semaphore, #tpu.memory_space<semaphore_mem>>)
      %dma_wait3A = tpu.memref_slice %arg8[%arg0, %mul3A_78] : memref<2x10240xf32, #tpu.memory_space<hbm>> -> memref<1x640xf32, #tpu.memory_space<hbm>>
      %dma_wait3A_81 = tpu.memref_squeeze %dma_wait3A : memref<1x640xf32, #tpu.memory_space<hbm>> -> memref<640xf32, #tpu.memory_space<hbm>>
      %dma_wait3A_82 = tpu.memref_slice %arg18[%mul3A_76] : memref<10240xf32, #tpu.memory_space<vmem_shared>> -> memref<640xf32, #tpu.memory_space<vmem_shared>>
      tpu.wait_dma2 semaphore(%run_scoped3A : memref<!tpu.dma_semaphore, #tpu.memory_space<semaphore_mem>>) src(%dma_wait3A_82 : memref<640xf32, #tpu.memory_space<vmem_shared>>) dst(%dma_wait3A_81 : memref<640xf32, #tpu.memory_space<hbm>>)
      tpu.yield
    }) : () -> ()
    return
  }
}

module attributes {stable_mosaic.version = 14 : i64} {
  func.func @_mm1_body(%arg0: i32, %arg1: memref<1000x128xf32, #tpu.memory_space<vmem>>, %arg2: memref<128x48xf32, #tpu.memory_space<vmem>>, %arg3: memref<1000x48xf32, #tpu.memory_space<vmem>>) attributes {dimension_semantics = [#tpu.dimension_semantics<arbitrary>], iteration_bounds = array<i64: 10>, scalar_prefetch = 0 : i64, scratch_operands = 0 : i64, tpu.core_type = #tpu.core_type<tc>, window_params = [{transform_indices = @transform_0, window_bounds = array<i64: 1000, 128>}, {pipeline_mode = #tpu.pipeline_mode<synchronous>, transform_indices = @transform_1, window_bounds = array<i64: 128, 48>}, {transform_indices = @transform_2, window_bounds = array<i64: 1000, 48>}]} {
    %get3A = arith.constant 0 : index
    %get3A_0 = arith.constant 0 : index
    %get3A_1 = vector.load %arg1[%get3A, %get3A_0] : memref<1000x128xf32, #tpu.memory_space<vmem>>, vector<1000x128xf32>
    %get3A_2 = arith.constant 0 : index
    %get3A_3 = arith.constant 0 : index
    %get3A_4 = vector.load %arg2[%get3A_2, %get3A_3] : memref<128x48xf32, #tpu.memory_space<vmem>>, vector<128x48xf32>
    %dot_general3A = arith.constant dense<0.000000e+00> : vector<1000x48xf32>
    %dot_general3A_5 = tpu.matmul %get3A_1, %get3A_4, %dot_general3A {dimension_numbers = #tpu.dot_dimension_numbers<[1], [0], [0], [1], [0, 0, 1, 1], [], []>, transpose_lhs_hint = false} : vector<1000x128xf32>, vector<128x48xf32>, vector<1000x48xf32> -> vector<1000x48xf32>
    %swap3A = arith.constant 0 : index
    %swap3A_6 = arith.constant 0 : index
    %swap3A_7 = vector.load %arg3[%swap3A, %swap3A_6] : memref<1000x48xf32, #tpu.memory_space<vmem>>, vector<1000x48xf32>
    tpu.vector_store %arg3[%swap3A, %swap3A_6], %dot_general3A_5 {strides = array<i32>} : memref<1000x48xf32, #tpu.memory_space<vmem>>, vector<1000x48xf32>,
    return
  }
  func.func @transform_0(%arg0: i32) -> (i32, i32) {
    %c0_i32 = arith.constant 0 : i32
    %c0_i32_0 = arith.constant 0 : i32
    return %arg0, %c0_i32 : i32, i32
  }
  func.func @transform_1(%arg0: i32) -> (i32, i32) {
    %c0_i32 = arith.constant 0 : i32
    %c0_i32_0 = arith.constant 0 : i32
    %c0_i32_1 = arith.constant 0 : i32
    return %c0_i32, %c0_i32_0 : i32, i32
  }
  func.func @transform_2(%arg0: i32) -> (i32, i32) {
    %c0_i32 = arith.constant 0 : i32
    %c0_i32_0 = arith.constant 0 : i32
    return %arg0, %c0_i32 : i32, i32
  }
}

module attributes {stable_mosaic.version = 14 : i64} {
  func.func @_mid_body(%arg0: i32, %arg1: memref<2x1000x16xf32, #tpu.memory_space<vmem>>, %arg2: memref<1000x1xf32, #tpu.memory_space<vmem>>, %arg3: memref<1000x1xf32, #tpu.memory_space<vmem>>, %arg4: memref<1000x16xf32, #tpu.memory_space<vmem>>, %arg5: memref<1x16xf32, #tpu.memory_space<vmem>>, %arg6: memref<16x48xf32, #tpu.memory_space<vmem>>, %arg7: memref<1000x16xf32, #tpu.memory_space<vmem>>, %arg8: memref<1000x16xf32, #tpu.memory_space<vmem>>, %arg9: memref<1000x16xf32, #tpu.memory_space<vmem>>) attributes {dimension_semantics = [#tpu.dimension_semantics<arbitrary>], iteration_bounds = array<i64: 10>, scalar_prefetch = 0 : i64, scratch_operands = 0 : i64, tpu.core_type = #tpu.core_type<tc>, window_params = [{transform_indices = @transform_0, window_bounds = array<i64: 2, 1000, 16>}, {transform_indices = @transform_1, window_bounds = array<i64: 1000, 1>}, {transform_indices = @transform_2, window_bounds = array<i64: 1000, 1>}, {transform_indices = @transform_3, window_bounds = array<i64: 1000, 16>}, {pipeline_mode = #tpu.pipeline_mode<synchronous>, transform_indices = @transform_4, window_bounds = array<i64: 1, 16>}, {pipeline_mode = #tpu.pipeline_mode<synchronous>, transform_indices = @transform_5, window_bounds = array<i64: 16, 48>}, {transform_indices = @transform_6, window_bounds = array<i64: 1000, 16>}, {transform_indices = @transform_7, window_bounds = array<i64: 1000, 16>}, {transform_indices = @transform_8, window_bounds = array<i64: 1000, 16>}]} {
    %get3A = arith.constant 0 : index
    %get3A_0 = arith.constant 0 : index
    %get3A_1 = arith.constant 0 : index
    %get3A_2 = vector.load %arg1[%get3A, %get3A_0, %get3A_1] : memref<2x1000x16xf32, #tpu.memory_space<vmem>>, vector<1x1000x16xf32>
    %get3A_3 = vector.shape_cast %get3A_2 : vector<1x1000x16xf32> to vector<1000x16xf32>
    %get3A_4 = arith.constant 1 : index
    %get3A_5 = arith.constant 0 : index
    %get3A_6 = arith.constant 0 : index
    %get3A_7 = vector.load %arg1[%get3A_4, %get3A_5, %get3A_6] : memref<2x1000x16xf32, #tpu.memory_space<vmem>>, vector<1x1000x16xf32>
    %get3A_8 = vector.shape_cast %get3A_7 : vector<1x1000x16xf32> to vector<1000x16xf32>
    %add3A = arith.addf %get3A_3, %get3A_8 : vector<1000x16xf32>
    %get3A_9 = arith.constant 0 : index
    %get3A_10 = arith.constant 0 : index
    %get3A_11 = vector.load %arg2[%get3A_9, %get3A_10] : memref<1000x1xf32, #tpu.memory_space<vmem>>, vector<1000x1xf32>
    %get3A_12 = arith.constant 0 : index
    %get3A_13 = arith.constant 0 : index
    %get3A_14 = vector.load %arg3[%get3A_12, %get3A_13] : memref<1000x1xf32, #tpu.memory_space<vmem>>, vector<1000x1xf32>
    %add3A_15 = arith.addf %get3A_11, %get3A_14 : vector<1000x1xf32>
    %max3A = arith.constant 1.000000e+00 : f32
    %max3A_16 = vector.broadcast %max3A : f32 to vector<1000x1xf32>
    %max3A_17 = arith.maximumf %add3A_15, %max3A_16 : vector<1000x1xf32>
    %div3A = vector.broadcast %max3A_17 : vector<1000x1xf32> to vector<1000x16xf32>
    %div3A_18 = arith.divf %add3A, %div3A : vector<1000x16xf32>
    %get3A_19 = arith.constant 0 : index
    %get3A_20 = arith.constant 0 : index
    %get3A_21 = vector.load %arg4[%get3A_19, %get3A_20] : memref<1000x16xf32, #tpu.memory_space<vmem>>, vector<1000x16xf32>
    %add3A_22 = arith.addf %div3A_18, %get3A_21 : vector<1000x16xf32>
    %get3A_23 = arith.constant 0 : index
    %get3A_24 = arith.constant 0 : index
    %get3A_25 = vector.load %arg5[%get3A_23, %get3A_24] : memref<1x16xf32, #tpu.memory_space<vmem>>, vector<1x16xf32>
    %add3A_26 = vector.broadcast %get3A_25 : vector<1x16xf32> to vector<1000x16xf32>
    %add3A_27 = arith.addf %add3A_22, %add3A_26 : vector<1000x16xf32>
    %gt3A = arith.constant 0.000000e+00 : f32
    %gt3A_28 = vector.broadcast %gt3A : f32 to vector<1000x16xf32>
    %gt3A_29 = arith.cmpf ogt, %add3A_27, %gt3A_28 : vector<1000x16xf32>
    %min3A = arith.constant 0.000000e+00 : f32
    %min3A_30 = vector.broadcast %min3A : f32 to vector<1000x16xf32>
    %min3A_31 = arith.minimumf %add3A_27, %min3A_30 : vector<1000x16xf32>
    %exp3A = math.exp %min3A_31 : vector<1000x16xf32>
    %sub3A = arith.constant 1.000000e+00 : f32
    %sub3A_32 = vector.broadcast %sub3A : f32 to vector<1000x16xf32>
    %sub3A_33 = arith.subf %exp3A, %sub3A_32 : vector<1000x16xf32>
    %select_n3A = arith.select %gt3A_29, %add3A_27, %sub3A_33 : vector<1000x16xi1>, vector<1000x16xf32>
    %get3A_34 = arith.constant 0 : index
    %get3A_35 = arith.constant 0 : index
    %get3A_36 = vector.load %arg6[%get3A_34, %get3A_35] : memref<16x48xf32, #tpu.memory_space<vmem>>, vector<16x48xf32>
    %dot_general3A = arith.constant dense<0.000000e+00> : vector<1000x48xf32>
    %dot_general3A_37 = tpu.matmul %select_n3A, %get3A_36, %dot_general3A {dimension_numbers = #tpu.dot_dimension_numbers<[1], [0], [0], [1], [0, 0, 1, 1], [], []>, transpose_lhs_hint = false} : vector<1000x16xf32>, vector<16x48xf32>, vector<1000x48xf32> -> vector<1000x48xf32>
    %slice3A = vector.extract_strided_slice %dot_general3A_37 {offsets = [0, 0], sizes = [1000, 16], strides = [1, 1]} : vector<1000x48xf32> to vector<1000x16xf32>
    %swap3A = arith.constant 0 : index
    %swap3A_38 = arith.constant 0 : index
    %swap3A_39 = vector.load %arg7[%swap3A, %swap3A_38] : memref<1000x16xf32, #tpu.memory_space<vmem>>, vector<1000x16xf32>
    tpu.vector_store %arg7[%swap3A, %swap3A_38], %slice3A {strides = array<i32>} : memref<1000x16xf32, #tpu.memory_space<vmem>>, vector<1000x16xf32>,
    %slice3A_40 = vector.extract_strided_slice %dot_general3A_37 {offsets = [0, 16], sizes = [1000, 16], strides = [1, 1]} : vector<1000x48xf32> to vector<1000x16xf32>
    %swap3A_41 = arith.constant 0 : index
    %swap3A_42 = arith.constant 0 : index
    %swap3A_43 = vector.load %arg8[%swap3A_41, %swap3A_42] : memref<1000x16xf32, #tpu.memory_space<vmem>>, vector<1000x16xf32>
    tpu.vector_store %arg8[%swap3A_41, %swap3A_42], %slice3A_40 {strides = array<i32>} : memref<1000x16xf32, #tpu.memory_space<vmem>>, vector<1000x16xf32>,
    %slice3A_44 = vector.extract_strided_slice %dot_general3A_37 {offsets = [0, 32], sizes = [1000, 16], strides = [1, 1]} : vector<1000x48xf32> to vector<1000x16xf32>
    %swap3A_45 = arith.constant 0 : index
    %swap3A_46 = arith.constant 0 : index
    %swap3A_47 = vector.load %arg9[%swap3A_45, %swap3A_46] : memref<1000x16xf32, #tpu.memory_space<vmem>>, vector<1000x16xf32>
    tpu.vector_store %arg9[%swap3A_45, %swap3A_46], %slice3A_44 {strides = array<i32>} : memref<1000x16xf32, #tpu.memory_space<vmem>>, vector<1000x16xf32>,
    return
  }
  func.func @transform_0(%arg0: i32) -> (i32, i32, i32) {
    %c0_i32 = arith.constant 0 : i32
    %c0_i32_0 = arith.constant 0 : i32
    %c0_i32_1 = arith.constant 0 : i32
    return %c0_i32, %arg0, %c0_i32_0 : i32, i32, i32
  }
  func.func @transform_1(%arg0: i32) -> (i32, i32) {
    %c0_i32 = arith.constant 0 : i32
    %c0_i32_0 = arith.constant 0 : i32
    return %arg0, %c0_i32 : i32, i32
  }
  func.func @transform_2(%arg0: i32) -> (i32, i32) {
    %c0_i32 = arith.constant 0 : i32
    %c0_i32_0 = arith.constant 0 : i32
    return %arg0, %c0_i32 : i32, i32
  }
  func.func @transform_3(%arg0: i32) -> (i32, i32) {
    %c0_i32 = arith.constant 0 : i32
    %c0_i32_0 = arith.constant 0 : i32
    return %arg0, %c0_i32 : i32, i32
  }
  func.func @transform_4(%arg0: i32) -> (i32, i32) {
    %c0_i32 = arith.constant 0 : i32
    %c0_i32_0 = arith.constant 0 : i32
    %c0_i32_1 = arith.constant 0 : i32
    return %c0_i32, %c0_i32_0 : i32, i32
  }
  func.func @transform_5(%arg0: i32) -> (i32, i32) {
    %c0_i32 = arith.constant 0 : i32
    %c0_i32_0 = arith.constant 0 : i32
    %c0_i32_1 = arith.constant 0 : i32
    return %c0_i32, %c0_i32_0 : i32, i32
  }
  func.func @transform_6(%arg0: i32) -> (i32, i32) {
    %c0_i32 = arith.constant 0 : i32
    %c0_i32_0 = arith.constant 0 : i32
    return %arg0, %c0_i32 : i32, i32
  }
  func.func @transform_7(%arg0: i32) -> (i32, i32) {
    %c0_i32 = arith.constant 0 : i32
    %c0_i32_0 = arith.constant 0 : i32
    return %arg0, %c0_i32 : i32, i32
  }
  func.func @transform_8(%arg0: i32) -> (i32, i32) {
    %c0_i32 = arith.constant 0 : i32
    %c0_i32_0 = arith.constant 0 : i32
    return %arg0, %c0_i32 : i32, i32
  }
}

module attributes {stable_mosaic.version = 14 : i64} {
  func.func @_fin_body(%arg0: i32, %arg1: memref<2x1000x16xf32, #tpu.memory_space<vmem>>, %arg2: memref<1000x1xf32, #tpu.memory_space<vmem>>, %arg3: memref<1000x1xf32, #tpu.memory_space<vmem>>, %arg4: memref<1000x16xf32, #tpu.memory_space<vmem>>, %arg5: memref<1x16xf32, #tpu.memory_space<vmem>>, %arg6: memref<1000x10xf32, #tpu.memory_space<vmem>>) attributes {dimension_semantics = [#tpu.dimension_semantics<arbitrary>], iteration_bounds = array<i64: 10>, scalar_prefetch = 0 : i64, scratch_operands = 0 : i64, tpu.core_type = #tpu.core_type<tc>, window_params = [{transform_indices = @transform_0, window_bounds = array<i64: 2, 1000, 16>}, {transform_indices = @transform_1, window_bounds = array<i64: 1000, 1>}, {transform_indices = @transform_2, window_bounds = array<i64: 1000, 1>}, {transform_indices = @transform_3, window_bounds = array<i64: 1000, 16>}, {pipeline_mode = #tpu.pipeline_mode<synchronous>, transform_indices = @transform_4, window_bounds = array<i64: 1, 16>}, {transform_indices = @transform_5, window_bounds = array<i64: 1000, 10>}]} {
    %get3A = arith.constant 0 : index
    %get3A_0 = arith.constant 0 : index
    %get3A_1 = arith.constant 0 : index
    %get3A_2 = vector.load %arg1[%get3A, %get3A_0, %get3A_1] : memref<2x1000x16xf32, #tpu.memory_space<vmem>>, vector<1x1000x16xf32>
    %get3A_3 = vector.shape_cast %get3A_2 : vector<1x1000x16xf32> to vector<1000x16xf32>
    %get3A_4 = arith.constant 1 : index
    %get3A_5 = arith.constant 0 : index
    %get3A_6 = arith.constant 0 : index
    %get3A_7 = vector.load %arg1[%get3A_4, %get3A_5, %get3A_6] : memref<2x1000x16xf32, #tpu.memory_space<vmem>>, vector<1x1000x16xf32>
    %get3A_8 = vector.shape_cast %get3A_7 : vector<1x1000x16xf32> to vector<1000x16xf32>
    %add3A = arith.addf %get3A_3, %get3A_8 : vector<1000x16xf32>
    %get3A_9 = arith.constant 0 : index
    %get3A_10 = arith.constant 0 : index
    %get3A_11 = vector.load %arg2[%get3A_9, %get3A_10] : memref<1000x1xf32, #tpu.memory_space<vmem>>, vector<1000x1xf32>
    %get3A_12 = arith.constant 0 : index
    %get3A_13 = arith.constant 0 : index
    %get3A_14 = vector.load %arg3[%get3A_12, %get3A_13] : memref<1000x1xf32, #tpu.memory_space<vmem>>, vector<1000x1xf32>
    %add3A_15 = arith.addf %get3A_11, %get3A_14 : vector<1000x1xf32>
    %max3A = arith.constant 1.000000e+00 : f32
    %max3A_16 = vector.broadcast %max3A : f32 to vector<1000x1xf32>
    %max3A_17 = arith.maximumf %add3A_15, %max3A_16 : vector<1000x1xf32>
    %div3A = vector.broadcast %max3A_17 : vector<1000x1xf32> to vector<1000x16xf32>
    %div3A_18 = arith.divf %add3A, %div3A : vector<1000x16xf32>
    %get3A_19 = arith.constant 0 : index
    %get3A_20 = arith.constant 0 : index
    %get3A_21 = vector.load %arg4[%get3A_19, %get3A_20] : memref<1000x16xf32, #tpu.memory_space<vmem>>, vector<1000x16xf32>
    %add3A_22 = arith.addf %div3A_18, %get3A_21 : vector<1000x16xf32>
    %get3A_23 = arith.constant 0 : index
    %get3A_24 = arith.constant 0 : index
    %get3A_25 = vector.load %arg5[%get3A_23, %get3A_24] : memref<1x16xf32, #tpu.memory_space<vmem>>, vector<1x16xf32>
    %add3A_26 = vector.broadcast %get3A_25 : vector<1x16xf32> to vector<1000x16xf32>
    %add3A_27 = arith.addf %add3A_22, %add3A_26 : vector<1000x16xf32>
    %iota3A = tpu.iota {dimensions = array<i32: 1>} : vector<1000x16xi32>
    %lt3A = arith.constant 10 : i32
    %lt3A_28 = vector.broadcast %lt3A : i32 to vector<1000x16xi32>
    %lt3A_29 = arith.cmpi slt, %iota3A, %lt3A_28 : vector<1000x16xi32>
    %jit3A = arith.constant -1.000000e+30 : f32
    %broadcast_in_dim3A = vector.broadcast %jit3A : f32 to vector<1000x16xf32>
    %select_n3A = arith.select %lt3A_29, %add3A_27, %broadcast_in_dim3A : vector<1000x16xi1>, vector<1000x16xf32>
    %reduce_max3A = arith.constant dense<0xFF800000> : vector<1000xf32>
    %reduce_max3A_30 = vector.multi_reduction <maximumf>, %select_n3A, %reduce_max3A [1] : vector<1000x16xf32> to vector<1000xf32>
    %broadcast_in_dim3A_31 = vector.shape_cast %reduce_max3A_30 : vector<1000xf32> to vector<1000x1xf32>
    %sub3A = vector.broadcast %broadcast_in_dim3A_31 : vector<1000x1xf32> to vector<1000x16xf32>
    %sub3A_32 = arith.subf %select_n3A, %sub3A : vector<1000x16xf32>
    %exp3A = math.exp %sub3A_32 : vector<1000x16xf32>
    %reduce_sum3A = arith.constant dense<0.000000e+00> : vector<1000xf32>
    %reduce_sum3A_33 = vector.multi_reduction <add>, %exp3A, %reduce_sum3A [1] : vector<1000x16xf32> to vector<1000xf32>
    %broadcast_in_dim3A_34 = vector.shape_cast %reduce_sum3A_33 : vector<1000xf32> to vector<1000x1xf32>
    %log3A = math.log %broadcast_in_dim3A_34 : vector<1000x1xf32>
    %add3A_35 = arith.addf %log3A, %broadcast_in_dim3A_31 : vector<1000x1xf32>
    %sub3A_36 = vector.broadcast %add3A_35 : vector<1000x1xf32> to vector<1000x16xf32>
    %sub3A_37 = arith.subf %add3A_27, %sub3A_36 : vector<1000x16xf32>
    %slice3A = vector.extract_strided_slice %sub3A_37 {offsets = [0, 0], sizes = [1000, 10], strides = [1, 1]} : vector<1000x16xf32> to vector<1000x10xf32>
    %swap3A = arith.constant 0 : index
    %swap3A_38 = arith.constant 0 : index
    %swap3A_39 = vector.load %arg6[%swap3A, %swap3A_38] : memref<1000x10xf32, #tpu.memory_space<vmem>>, vector<1000x10xf32>
    tpu.vector_store %arg6[%swap3A, %swap3A_38], %slice3A {strides = array<i32>} : memref<1000x10xf32, #tpu.memory_space<vmem>>, vector<1000x10xf32>,
    return
  }
  func.func @transform_0(%arg0: i32) -> (i32, i32, i32) {
    %c0_i32 = arith.constant 0 : i32
    %c0_i32_0 = arith.constant 0 : i32
    %c0_i32_1 = arith.constant 0 : i32
    return %c0_i32, %arg0, %c0_i32_0 : i32, i32, i32
  }
  func.func @transform_1(%arg0: i32) -> (i32, i32) {
    %c0_i32 = arith.constant 0 : i32
    %c0_i32_0 = arith.constant 0 : i32
    return %arg0, %c0_i32 : i32, i32
  }
  func.func @transform_2(%arg0: i32) -> (i32, i32) {
    %c0_i32 = arith.constant 0 : i32
    %c0_i32_0 = arith.constant 0 : i32
    return %arg0, %c0_i32 : i32, i32
  }
  func.func @transform_3(%arg0: i32) -> (i32, i32) {
    %c0_i32 = arith.constant 0 : i32
    %c0_i32_0 = arith.constant 0 : i32
    return %arg0, %c0_i32 : i32, i32
  }
  func.func @transform_4(%arg0: i32) -> (i32, i32) {
    %c0_i32 = arith.constant 0 : i32
    %c0_i32_0 = arith.constant 0 : i32
    %c0_i32_1 = arith.constant 0 : i32
    return %c0_i32, %c0_i32_0 : i32, i32
  }
  func.func @transform_5(%arg0: i32) -> (i32, i32) {
    %c0_i32 = arith.constant 0 : i32
    %c0_i32_0 = arith.constant 0 : i32
    return %arg0, %c0_i32 : i32, i32
  }
}

</mosaic_0001>

<sc_bundles>
// kernel: kernel.10.cloned.1.call-start
scs
__scs_entry_jumppad:
0x0: {  	(pc) =	sbr.rel $0x88, $3  }
0x1: {  	(tag) =	ssettag $0x0;
	lr =	simm.s32 $0x1  }
0x2: {  	[smem:$0x3F98] =	sst lr;
	_ =	strace $0xD0000000  }
0x3: {  	_ = 	snop  }
0x4: {  	_ = 	snop  }
0x5: {  	_ = 	snop  }
0x6: {  	_ = 	snop  }
0x7: {  	_ = 	snop  }
__scs_overlays_trampoline_lowered:
0x8: {  	[smem:$0x3FA7] =	sst s0  }
0x9: {  	[smem:$0x3FA8] =	sst s1  }
0xa: {  	[smem:$0x3FA9] =	sst s2  }
0xb: {  	[smem:$0x3FAA] =	sst s3  }
0xc: {  	[smem:$0x3FAB] =	sst s4  }
0xd: {  	[smem:$0x3FAC] =	sst s5  }
0xe: {  	[smem:$0x3FAD] =	sst s6  }
0xf: {  	[smem:$0x3FAE] =	sst s7  }
0x10: {  	[smem:$0x3FAF] =	sst s8  }
0x11: {  	[smem:$0x3FB0] =	sst s9;
	s0 =	simm.s32 @!p0 $0x0  }
0x12: {  	s1 =	sld [smem:$0x3F96];
	s0 =	simm.s32 @p0 $0x1  }
0x13: {  	[smem:$0x3FB1] =	sst s0;
	s0 =	simm.s32 @!p1 $0x0  }
0x14: {  	s2 =	sld [smem:$0x3F95];
	s0 =	simm.s32 @p1 $0x1  }
0x15: {  	[smem:$0x3FB2] =	sst s0;
	s0 =	simm.s32 @!p2 $0x0  }
0x16: {  	s3 =	sld [smem:$0x3FDB];
	s0 =	simm.s32 @p2 $0x1  }
0x17: {  	s4 =	simm.s32 $0x1BF5;
	[smem:$0x3FB4] =	sst s0  }
0x18: {  	s0 =	sld [smem:$0x3F97];
	_ =	swait.ge [sflag:s4], $0x0  }
0x19: {  	s7 =	sld [smem:$0x3F98]  }
0x1a: {  	s8 =	sadd.s32 $0xFFFFE003, lr  }
0x1b: {  	s9 =	sadd.s32 $0xFFFFFEF7, lr;
	s5 =	simm.s32 $0xFFFFFFFF;
	p2 =	slt.u32 s8, $0xFFFFF086  }
0x1c: {  	p1 =	slt.u32 s9, $0xF7A;
	s5 =	simm.s32 @!p2 $0x0  }
0x1d: {  	s5 =	simm.s32 @p1 $0x1;
	p0 =	seq.s32 s7, s2  }
0x1e: {  	s7 =	smul.u32 @!p0 $0xF7A, s2;
	p2 =	seq.s32 @!p0 s5, $0x0  }
0x1f: {  	s9 =	smul.u32 $0xF7A, s1;
	s8 =	simm.s32 @!p0 $0x1BF5;
	p2 =	por !p2, p0  }
0x20: {  	[sflag:s8] =	ssyncset.s32 @!p0 $0xFFFFF086;
	s6 =	sadd.s32 @!p0 s3, s7;
	s7 =	simm.s32 @!p0 $0x108  }
0x21: {  	s3 =	sadd.s32 s3, s9;
	s6 =	sadd.s32 @!p0 $0x88, s6;
	s7 =	simm.s32 @p2 $0x1082  }
0x22: {  	[simem:s7], [sflag:s8] =	dma.local @!p0 [hbm:s6], $0xF7A  }
0x23: {  	s9 =	sor.u32 $0xD0000000, s2;
	s6 =	simm.s32 $0x108;
	_ =	swait.ge @!p0 [sflag:s8], $0x0  }
0x24: {  	s3 =	sadd.s32 $0x88, s3;
	s6 =	simm.s32 @!p1 $0x1082;
	[sflag:s4] =	ssyncset.s32 $0xFFFFF086  }
0x25: {  	[simem:s6], [sflag:s4] =	dma.local [hbm:s3], $0xF7A  }
0x26: {  	[smem:$0x3F98] =	sst s1;
	(tag) =	ssettag s2;
	_ =	strace s9  }
0x27: {  	s1 =	sld [smem:$0x3FA8]  }
0x28: {  	s2 =	sld [smem:$0x3FA9]  }
0x29: {  	s4 =	sld [smem:$0x3FAB]  }
0x2a: {  	p0 =	seq.s32 s5, $0x0;
	s5 =	sld [smem:$0x3FAC]  }
0x2b: {  	s6 =	sld [smem:$0x3FAD]  }
0x2c: {  	s7 =	sld [smem:$0x3FAE]  }
0x2d: {  	s3 =	simm.s32 $0x108;
	s8 =	sld [smem:$0x3FAF]  }
0x2e: {  	s3 =	simm.s32 @!p0 $0x1082;
	s9 =	sld [smem:$0x3FB0]  }
0x2f: {  	lr =	sadd.s32 s0, s3;
	s0 =	sld [smem:$0x3FA7]  }
0x30: {  	s3 =	sld [smem:$0x3FAA]  }
0x31: {  	[smem:$0x3FB3] =	sst s10  }
0x32: {  	s10 =	sld [smem:$0x3FB1];
	_ =	sdelay $0x3  }
0x33: {  	p0 =	seq.s32 s10, $0x1;
	s10 =	sld [smem:$0x3FB3];
	_ =	sdelay $0x3  }
0x34: {  	[smem:$0x3FB3] =	sst s10  }
0x35: {  	s10 =	sld [smem:$0x3FB2];
	_ =	sdelay $0x3  }
0x36: {  	p1 =	seq.s32 s10, $0x1;
	s10 =	sld [smem:$0x3FB3];
	_ =	sdelay $0x3  }
0x37: {  	[smem:$0x3FB3] =	sst s10  }
0x38: {  	s10 =	sld [smem:$0x3FB4]  }
0x39: {  	_ = 	snop;
	(pc) =	sbr.ind lr, $3  }
0x3a: {  	_ = 	snop  }
0x3b: {  	_ = 	snop  }
0x3c: {  	p2 =	seq.s32 s10, $0x1;
	s10 =	sld [smem:$0x3FB3]  }
0x3d: {  	_ =	shalt  }
0x3e: {  	_ =	shalt  }
0x3f: {  	_ =	shalt  }
0x40: {  	_ =	shalt  }
0x41: {  	_ =	shalt  }
0x42: {  	_ =	shalt  }
0x43: {  	_ =	shalt  }
0x44: {  	_ =	shalt  }
0x45: {  	_ =	shalt  }
0x46: {  	_ =	shalt  }
0x47: {  	_ =	shalt  }
0x48: {  	_ =	shalt  }
0x49: {  	_ =	shalt  }
0x4a: {  	_ =	shalt  }
0x4b: {  	_ =	shalt  }
0x4c: {  	_ =	shalt  }
0x4d: {  	_ =	shalt  }
0x4e: {  	_ =	shalt  }
0x4f: {  	_ =	shalt  }
0x50: {  	_ =	shalt  }
0x51: {  	_ =	shalt  }
0x52: {  	_ =	shalt  }
0x53: {  	_ =	shalt  }
0x54: {  	_ =	shalt  }
0x55: {  	_ =	shalt  }
0x56: {  	_ =	shalt  }
0x57: {  	_ =	shalt  }
0x58: {  	_ =	shalt  }
0x59: {  	_ =	shalt  }
0x5a: {  	_ =	shalt  }
0x5b: {  	_ =	shalt  }
0x5c: {  	_ =	shalt  }
0x5d: {  	_ =	shalt  }
0x5e: {  	_ =	shalt  }
0x5f: {  	_ =	shalt  }
0x60: {  	_ =	shalt  }
0x61: {  	_ =	shalt  }
0x62: {  	_ =	shalt  }
0x63: {  	_ =	shalt  }
0x64: {  	_ =	shalt  }
0x65: {  	_ =	shalt  }
0x66: {  	_ =	shalt  }
0x67: {  	_ =	shalt  }
0x68: {  	_ =	shalt  }
0x69: {  	_ =	shalt  }
0x6a: {  	_ =	shalt  }
0x6b: {  	_ =	shalt  }
0x6c: {  	_ =	shalt  }
0x6d: {  	_ =	shalt  }
0x6e: {  	_ =	shalt  }
0x6f: {  	_ =	shalt  }
0x70: {  	_ =	shalt  }
0x71: {  	_ =	shalt  }
0x72: {  	_ =	shalt  }
0x73: {  	_ =	shalt  }
0x74: {  	_ =	shalt  }
0x75: {  	_ =	shalt  }
0x76: {  	_ =	shalt  }
0x77: {  	_ =	shalt  }
0x78: {  	_ =	shalt  }
0x79: {  	_ =	shalt  }
0x7a: {  	_ =	shalt  }
0x7b: {  	_ =	shalt  }
0x7c: {  	_ =	shalt  }
0x7d: {  	_ =	shalt  }
0x7e: {  	_ =	shalt  }
0x7f: {  	_ =	shalt  }
0x80: {  	_ =	shalt  }
0x81: {  	_ =	shalt  }
0x82: {  	_ =	shalt  }
0x83: {  	_ =	shalt  }
0x84: {  	_ =	shalt  }
0x85: {  	_ =	shalt  }
0x86: {  	_ =	shalt  }
0x87: {  	_ =	shalt  }
.Lfunc_end0:
.L_simem_size_0:
called_computation.1_lowered:
.L_overlay_start_0:
0x88: {  	s2 =	sld [smem:$0x3FD9]  }
0x89: {  	s3 =	sld [smem:$0x3FFE];
	_ =	sdelay $0x1  }
0x8a: {  	s1 =	srdreg.scid  }
0x8b: {  	s0 =	sand.u32 $0x1, s1  }
0x8c: {  	s17 =	sshll.u32 s0, $0xA;
	s2 =	sadd.s32 s3, s2  }
0x8d: {  	s2 =	sadd.s32 s2, s17  }
0x8e: {  	[smem:$0x3FBF] =	sst s2  }
0x8f: {  	_ = 	snop  }
0x90: {  	s2 =	sld [smem:$0x3FD0];
	(tm) =	ssettm $0x1  }
0x91: {  	s18 =	sld [smem:$0x3FFB];
	_ =	sdelay $0x3  }
0x92: {  	_ =	strace s18  }
0x93: {  	s3 =	sld [smem:$0x3FFC];
	_ =	sdelay $0x3  }
0x94: {  	_ =	strace s3  }
0x95: {  	s3 =	sld [smem:$0x3FFD];
	_ =	sdelay $0x3  }
0x96: {  	_ =	strace s3  }
0x97: {  	_ =	strace $0x8FFFFFFF  }
0x98: {  	s19 =	sld [smem:$0x3FDB];
	_ =	sdelay $0x1  }
0x99: {  	s4 =	simm.s32 $_scs_section_size  }
0x9a: {  	s5 =	simm.s32 $_size__tile_overlayer_lowered;
	s6 =	simm.s32 $_tile_overlayer_lowered  }
0x9b: {  	s22 =	simm.s32 $0x1BFF;
	s21 =	sshll.u32 s6, $0x1;
	s3 =	sadd.s32 s4, s19  }
0x9c: {  	s7 =	simm.s32 $0x0;
	s20 =	sshll.u32 s5, $0x1;
	s5 =	sadd.s32 s21, s3  }
0x9d: {  	[timem:s7], [sflag:s22] =	dma.local [hbm:s5], s20  }
0x9e: {  	_ =	swait.ge [sflag:s22], s20  }
0x9f: {  	s4 =	ssub.s32 $0x0, s20;
	[sflag:s22] =	ssyncset.done $0x0  }
0xa0: {  	[sflag:s22] =	ssyncadd.s32 s4;
	_ =	sdelay $0x1  }
0xa1: {  	s23 =	simm.s32 $0x1B8B  }
0xa2: {  	_ =	swait.ge [sflag:s23], $0x1  }
0xa3: {  	[sflag:s23] =	ssyncset.done $0x0  }
0xa4: {  	s25 =	simm.s32 $0x1B8E;
	s24 =	sld [smem:$0x3FFE];
	[sflag:s23] =	ssyncadd.s32 $0xFFFFFFFF  }
0xa5: {  	s26 =	simm.s32 $execute0_lowered;
	[smem:$0x3FD2] =	sst s25  }
0xa6: {  	s5 =	sshll.u32 s26, $0x1;
	_ =	strace $0x80000049;
	[dreg:$0x1] =	wrdreg $0xFFFFFFFF  }
0xa7: {  	s28 =	simm.s32 $_size_execute0_lowered;
	s3 =	sadd.s32 s3, s5;
	[dreg:$0x0] =	wrdreg $0x0  }
0xa8: {  	s5 =	sshll.u32 s28, $0x1;
	[dreg:$0x2] =	wrdreg s3  }
0xa9: {  	[dreg:$0x3] =	wrdreg s5  }
0xaa: {  	[dreg:$0x4] =	wrdreg $0xC0  }
0xab: {  	_ =	task [dreg:s7], $0x5FFFF  }
0xac: {  	[dreg:$0x1] =	wrdreg $0xFFFFFFFF  }
0xad: {  	[dreg:$0x0] =	wrdreg $0x60  }
0xae: {  	[dreg:$0x2] =	wrdreg s2  }
0xaf: {  	[dreg:$0x3] =	wrdreg s24  }
0xb0: {  	[dreg:$0x4] =	wrdreg $0x87300  }
0xb1: {  	[dreg:$0x5] =	wrdreg $0x9  }
0xb2: {  	_ =	task.clear_ibuf [dreg:s7], $0x6FFFF;
	_ =	strace $0x90000049  }
0xb3: {  	s29 =	simm.s32 $0x9;
	_ =	strace $0x8000004B  }
0xb4: {  	_ =	swait.ge [sflag:s29], $0x1  }
0xb5: {  	[sflag:s29] =	ssyncadd.s32 $0xFFFFFFFF  }
0xb6: {  	_ =	strace $0x9000004B  }
0xb7: {  	_ =	sfence  }
0xb8: {  	s30 =	sld [smem:$0x0];
	_ =	sdelay $0x2  }
0xb9: {  	s31 =	sshll.u32 s1, $0xD;
	s1 =	sshrl.u32 s1, $0x2  }
0xba: {  	s3 =	sand.u32 $0x4000, s31;
	s1 =	sadd.s32 s1, s30  }
0xbb: {  	s0 =	sor.u32 s3, s0;
	s1 =	sshll.u32 s1, $0x11  }
0xbc: {  	s0 =	sor.u32 s1, s0  }
0xbd: {  	s0 =	sadd.s32 $0x8F2B, s0  }
0xbe: {  	[sflag:s0] =	ssyncadd.remote.s32 $0x1  }
0xbf: {  	_ =	sfence.sel $0xFFFF  }
0xc0: {  	[dreg:$0x0] =	wrdreg $0xFFFFFFFF;
	(pc) =	sbr.abs _section_cstart, $3  }
0xc1: {  	[dreg:$0x1] =	wrdreg $0xFFFFFFFF  }
0xc2: {  	_ =	task.clear_ibuf [dreg:s7], $0x2FFFF;
	_ =	strace $0x9FFFFFFF  }
0xc3: {  	(tm) =	ssettm $0x7FFFFFFF  }
tec
execute0_lowered:
.L_overlay_start_1:
0x0: {  	(tag) =	ssettag $0x1  }
0x1: {  	s1 =	rddreg [dreg:$0x0]  }
0x2: {  	s0 =	srdreg.scid;
	s6 =	rddreg [dreg:$0x1];
	s16 =	simm.s32 $0x7F30  }
0x3: {  	s17 =	simm.s32 $0x3;
	s18 =	simm.s32 $0x2710;
	s19 =	simm.s32 $0x50  }
0x4: {  	s20 =	simm.s32 $0x7530;
	s2 =	sand.u32 $0x1, s0;
	s0 =	stileid.u32  }
0x5: {  	s21 =	simm.s32 $0x7A30;
	s22 =	simm.s32 $0x1;
	s8 =	smul.u32 $0x2800, s0  }
0x6: {  	s23 =	simm.s32 $0x2;
	s5 =	sadd.s32 $0x4AA00, s6;
	s9 =	smul.u32 $0x28000, s2  }
0x7: {  	s3 =	sshll.u32 s2, $0x4;
	s10 =	smul.u32 $0xA000, s0;
	s2 =	ssub.s32 $0x2, s2  }
0x8: {  	s4 =	sor.u32 s0, s3;
	s3 =	rddreg [dreg:$0x2];
	s31 =	sshrl.u32 s2, $0x1  }
0x9: {  	s7 =	smul.u32 $0x4E2, s4;
	s4 =	simm.s32 $0x0;
	s30 =	sadd.s32 s8, s9  }
0xa: {  	s10 =	sshrl.u32 s10, $0x2;
	s2 =	ssub.s32 s2, s31;
	[smem:$0x7FF] =	sst s4  }
0xb: {  	s10 =	sadd.s32 s10, s3;
	s15 =	smax.u32 s2, $0x1;
	_ =	strace $0x8000004A  }
0xc: {  	s13 =	sadd.s32 s7, s6;
	s7 =	sshrl.u32 s30, $0x3;
	s9 =	sadd.s32 $0x1800, s10  }
0xd: {  	s14 =	sadd.s32 s7, s6;
	s6 =	sadd.s32 s8, s3;
	s7 =	sadd.s32 $0x800, s10  }
0xe: {  	s8 =	sadd.s32 $0x1000, s10;
	s10 =	sadd.s32 $0x2000, s10;
	s11 =	sadd.s32 $0x36E00, s13  }
0xf: {  	v0 =	vimm.f32 $0.0e+00;
	s12 =	sadd.s32 $0x2D000, s13;
	s13 =	sadd.s32 $0x40C00, s13;
	s14 =	sadd.s32 $0xE00, s14  }
.LBB2_1:
0x10: {  	s2 =	simm.s32 $0x40;
	s24 =	simm.s32 $0x0  }
.LBB2_2:
0x11: {  	p0 =	sne.s32 s2, $0x1FC0;
	[tilespmem:s24+$0x7F30] =	vst v0;
	s24 =	smov.u32 s2;
	s2 =	sadd.s32 $0x40, s2  }
.Ltmp0:
0x12: {  	(pc) =	sbr.rel @p0 .LBB2_2-.Ltmp0, $2  }
0x13: {  	_ =	sdelay $0x2  }
0x14: {  	s24 =	sshra.s32 s24, $0x2  }
0x15: {  	[tilespmem:s24+$0x7F30] =	vst v0  }
0x16: {  	[spmem:s6] =	stream.linear.scatter [tilespmem:s16], [sflag:$0x3], $0x800, $0x38;
	[tilespmem:$0xAF30] =	vst v63  }
0x17: {  	_ =	swait.ge [sflag:s17], $0x800  }
0x18: {  	[sflag:s17] =	ssyncset.done $0x0  }
0x19: {  	[sflag:s17] =	ssyncadd.s32 $0xFFFFF800  }
0x1a: {  	[spmem:s7] =	stream.linear.scatter [tilespmem:s16], [sflag:$0x3], $0x800, $0x38;
	[tilespmem:$0xAF30] =	vst v63  }
0x1b: {  	_ =	swait.ge [sflag:s17], $0x800  }
0x1c: {  	[sflag:s17] =	ssyncset.done $0x0  }
0x1d: {  	[sflag:s17] =	ssyncadd.s32 $0xFFFFF800  }
0x1e: {  	[spmem:s8] =	stream.linear.scatter [tilespmem:s16], [sflag:$0x3], $0x800, $0x38;
	[tilespmem:$0xAF30] =	vst v63  }
0x1f: {  	_ =	swait.ge [sflag:s17], $0x800  }
0x20: {  	[sflag:s17] =	ssyncset.done $0x0  }
0x21: {  	[sflag:s17] =	ssyncadd.s32 $0xFFFFF800  }
0x22: {  	[spmem:s9] =	stream.linear.scatter [tilespmem:s16], [sflag:$0x3], $0x800, $0x38;
	[tilespmem:$0xAF30] =	vst v63  }
0x23: {  	_ =	swait.ge [sflag:s17], $0x800  }
0x24: {  	[sflag:s17] =	ssyncset.done $0x0  }
0x25: {  	[sflag:s17] =	ssyncadd.s32 $0xFFFFF800  }
0x26: {  	[spmem:s10] =	stream.linear.scatter [tilespmem:s16], [sflag:$0x3], $0x800, $0x38;
	[tilespmem:$0xAF30] =	vst v63  }
0x27: {  	_ =	swait.ge [sflag:s17], $0x800  }
0x28: {  	[sflag:s17] =	ssyncset.done $0x0  }
0x29: {  	[sflag:s17] =	ssyncadd.s32 $0xFFFFF800  }
0x2a: {  	s24 =	simm.s32 $0x0;
	[bflag:$0x0] =	sbarrier.arrive $0xFFFF  }
0x2b: {  	[tilespmem:s24], [sflag:$0x3] =	stream.linear.gather [hbm4b:s11+s24], $0x2710, $0x38;
	[tilespmem:$0xAF30] =	vst v63  }
0x2c: {  	_ =	swait.ge [sflag:s17], $0x2710  }
0x2d: {  	[sflag:s17] =	ssyncset.done $0x0  }
0x2e: {  	[sflag:s17] =	ssyncadd.s32 $0xFFFFD8F0  }
0x2f: {  	[tilespmem:s18], [sflag:$0x3] =	stream.linear.gather [hbm4b:s12+s24], $0x2710, $0x38;
	[tilespmem:$0xAF30] =	vst v63  }
0x30: {  	_ =	swait.ge [sflag:s17], $0x2710  }
0x31: {  	[sflag:s17] =	ssyncset.done $0x0  }
0x32: {  	s25 =	simm.s32 $0x4E20;
	[sflag:s17] =	ssyncadd.s32 $0xFFFFD8F0  }
0x33: {  	[tilespmem:s25], [sflag:$0x3] =	stream.linear.gather [hbm4b:s13+s24], $0x2710, $0x38;
	[tilespmem:$0xAF30] =	vst v63  }
0x34: {  	_ =	swait.ge [sflag:s17], $0x2710  }
0x35: {  	[sflag:s17] =	ssyncset.done $0x0  }
0x36: {  	[sflag:s17] =	ssyncadd.s32 $0xFFFFD8F0  }
.LBB2_4:
0x37: {  	s26 =	smul.u32 $0x50, s24;
	_ =	sdelay $0x1  }
0x38: {  	[tilespmem:s20], [sflag:$0x1] =	stream.indirect.gather [hbm4b:s1+s19], $0x10, s26, s19, $0xb8;
	[tilespmem:$0xAF30] =	vst v63  }
0x39: {  	_ = 	snop  }
0x3a: {  	[tilespmem:s21], [sflag:$0x2] =	stream.indirect.gather [hbm4b:s5+s19], $0x10, s26, s19, $0xb8;
	[tilespmem:$0xAF30] =	vst v63  }
0x3b: {  	_ =	swait.ge [sflag:s22], $0x500  }
0x3c: {  	[sflag:s22] =	ssyncset.done $0x0  }
0x3d: {  	[sflag:s22] =	ssyncadd.s32 $0xFFFFFB00  }
0x3e: {  	_ =	swait.ge [sflag:s23], $0x500  }
0x3f: {  	[sflag:s23] =	ssyncset.done $0x0  }
0x40: {  	s28 =	simm.s32 $0x0;
	[sflag:s23] =	ssyncadd.s32 $0xFFFFFB00  }
0x41: {  	v11 =	vld [tilespmem:s28+$0x7B20]  }
0x42: {  	v9 =	vld [tilespmem:s28+$0x7A30]  }
0x43: {  	v10 =	vld [tilespmem:s28+$0x7A90]  }
0x44: {  	v8 =	vld [tilespmem:s28+$0x7A40]  }
0x45: {  	v1 =	vld [tilespmem:s28+$0x7AF0]  }
0x46: {  	v12 =	vld [tilespmem:s28+$0x7A50]  }
0x47: {  	v15 =	vld [tilespmem:s28+$0x7A60]  }
0x48: {  	v7 =	vld [tilespmem:s28+$0x7AB0]  }
0x49: {  	v3 =	vld [tilespmem:s28+$0x7A80]  }
0x4a: {  	v19 =	vld [tilespmem:s28+$0x7AA0]  }
0x4b: {  	v21 =	vld [tilespmem:s28+$0x7B00]  }
0x4c: {  	v2 =	vld [tilespmem:s28+$0x7590]  }
0x4d: {  	v17 =	vld [tilespmem:s28+$0x7B10]  }
0x4e: {  	v26 =	vld [tilespmem:s28+$0x7AD0]  }
0x4f: {  	v20 =	vld [tilespmem:s28+$0x7AE0]  }
0x50: {  	v4 =	vld [tilespmem:s28+$0x7550]  }
0x51: {  	v13 =	vld [tilespmem:s28+$0x7610]  }
0x52: {  	v28 =	vld [tilespmem:s28+$0x7530]  }
0x53: {  	v18 =	vld [tilespmem:s25+$0x0]  }
0x54: {  	v30 =	vld [tilespmem:s28+$0x7620]  }
0x55: {  	v5 =	vld [tilespmem:s28+$0x7560]  }
0x56: {  	v6 =	vld [tilespmem:s28+$0x75E0]  }
0x57: {  	v24 =	vld [tilespmem:s28+$0x75D0];
	v14 =	vsub.f32 v10, v2  }
0x58: {  	v23 =	vld [tilespmem:s28+$0x7600];
	v16 =	vsub.f32 v12, v4;
	v22 =	vsub.f32 v17, v13;
	v10 =	vmax.f32 v18, $0.0e+00  }
0x59: {  	v12 =	vsub.f32 v9, v28;
	v9 =	vld [tilespmem:s28+$0x75A0];
	v29 =	vsub.f32 v11, v30;
	v10 =	vmin.f32 v10, $1.000000000e+00  }
0x5a: {  	v27 =	vld [tilespmem:s28+$0x7540];
	v18 =	vsub.f32 v15, v5;
	v25 =	vbroadcast v10, $0xE;
	v31 =	vbroadcast v10, $0xF  }
0x5b: {  	v11 =	vld [tilespmem:s28+$0x7580];
	v20 =	vsub.f32 v20, v6;
	v32 =	vbroadcast v10, $0x0;
	v17 =	vbroadcast v10, $0x5  }
0x5c: {  	v34 =	vsub.f32 v26, v24;
	v15 =	vld [tilespmem:s28+$0x75F0];
	v33 =	vbroadcast v10, $0xA;
	v31 =	vmul.f32 v29, v31  }
0x5d: {  	v37 =	vsub.f32 v21, v23;
	v26 =	vld [tilespmem:s28+$0x75B0];
	v36 =	vbroadcast v10, $0xD;
	v35 =	vmul.f32 v12, v32  }
0x5e: {  	v12 =	vld [tilespmem:s28+$0x7570];
	v29 =	vmul.f32 v34, v33;
	v21 =	vsub.f32 v19, v9;
	v32 =	vadd.f32 v31, v30  }
0x5f: {  	s30 =	simm.s32 $0x400;
	s29 =	smov.u32 s25;
	v19 =	vld [tilespmem:s28+$0x75C0];
	v31 =	vadd.f32 v35, v28;
	v28 =	vbroadcast v10, $0x6;
	v30 =	vmul.f32 v37, v36  }
.LBB2_5:
0x60: {  	s2 =	smov.u32 s30  }
0x61: {  	s31 =	sshra.s32 s30, $0x2;
	v33 =	vbroadcast v10, $0x1;
	v8 =	vsub.f32 v8, v27;
	v34 =	vld [tilespmem:s28+$0x7AC0];
	v35 =	vbroadcast v10, $0xC;
	[tilespmem:s28+$0x7620] =	vst v32;
	s29 =	sadd.s32 $0x10, s29;
	s2 =	sadd.s32 $0x400, s30  }
0x62: {  	p0 =	sne.s32 s30, $0x1000;
	v36 =	vbroadcast v10, $0x9;
	v24 =	vadd.f32 v29, v24;
	v32 =	vld [tilespmem:s31+$0x7B20];
	[tilespmem:s28+$0x7530] =	vst v31;
	v31 =	vbroadcast v10, $0x2  }
0x63: {  	v37 =	vbroadcast v10, $0xB;
	v23 =	vadd.f32 v30, v23;
	v33 =	vmul.f32 v8, v33;
	v29 =	vld [tilespmem:s31+$0x7A30]  }
0x64: {  	v38 =	vbroadcast v10, $0x8;
	v22 =	vmul.f32 v22, v25;
	v7 =	vsub.f32 v7, v26;
	v30 =	vld [tilespmem:s31+$0x7A90];
	[tilespmem:s28+$0x75D0] =	vst v24  }
0x65: {  	v25 =	vbroadcast v10, $0x3;
	v3 =	vsub.f32 v3, v11;
	v24 =	vadd.f32 v33, v27;
	v8 =	vld [tilespmem:s31+$0x7A40];
	[tilespmem:s28+$0x7600] =	vst v23  }
0x66: {  	v27 =	vsub.f32 v1, v15;
	v23 =	vbroadcast v10, $0x7;
	v7 =	vmul.f32 v7, v38;
	v1 =	vld [tilespmem:s31+$0x7AF0]  }
0x67: {  	v14 =	vmul.f32 v14, v28;
	v13 =	vadd.f32 v22, v13;
	v16 =	vmul.f32 v16, v31;
	v33 =	vld [tilespmem:s31+$0x7A50];
	[tilespmem:s28+$0x7540] =	vst v24  }
0x68: {  	v20 =	vmul.f32 v20, v37;
	v24 =	vadd.f32 v7, v26;
	v26 =	vsub.f32 v34, v19;
	v22 =	vld [tilespmem:s28+$0x7A70]  }
0x69: {  	v18 =	vmul.f32 v18, v25;
	v25 =	vmul.f32 v27, v35;
	v28 =	vld [tilespmem:s31+$0x7A60];
	[tilespmem:s28+$0x7610] =	vst v13  }
0x6a: {  	v2 =	vadd.f32 v14, v2;
	v4 =	vadd.f32 v16, v4;
	v13 =	vmul.f32 v3, v17;
	v7 =	vld [tilespmem:s31+$0x7AB0];
	[tilespmem:s28+$0x75B0] =	vst v24  }
0x6b: {  	v5 =	vadd.f32 v18, v5;
	v14 =	vmul.f32 v21, v23;
	v15 =	vadd.f32 v25, v15;
	v3 =	vld [tilespmem:s31+$0x7A80]  }
0x6c: {  	v6 =	vadd.f32 v20, v6;
	v11 =	vadd.f32 v13, v11;
	v13 =	vmul.f32 v26, v36;
	v21 =	vld [tilespmem:s31+$0x7AA0];
	[tilespmem:s28+$0x7590] =	vst v2  }
0x6d: {  	v9 =	vadd.f32 v14, v9;
	v26 =	vld [tilespmem:s31+$0x7B00];
	[tilespmem:s28+$0x7550] =	vst v4;
	v4 =	vbroadcast v10, $0x4;
	v10 =	vsub.f32 v22, v12  }
0x6e: {  	v13 =	vadd.f32 v13, v19;
	v2 =	vld [tilespmem:s31+$0x7590];
	[tilespmem:s28+$0x75E0] =	vst v6  }
0x6f: {  	v17 =	vld [tilespmem:s31+$0x7B10];
	v4 =	vmul.f32 v10, v4;
	[tilespmem:s28+$0x75A0] =	vst v9  }
0x70: {  	v19 =	vld [tilespmem:s31+$0x7AD0];
	[tilespmem:s28+$0x7560] =	vst v5  }
0x71: {  	v20 =	vld [tilespmem:s31+$0x7AE0];
	v5 =	vadd.f32 v4, v12;
	[tilespmem:s28+$0x75C0] =	vst v13  }
0x72: {  	v4 =	vld [tilespmem:s31+$0x7550];
	[tilespmem:s28+$0x7580] =	vst v11  }
0x73: {  	v14 =	vsub.f32 v30, v2;
	v13 =	vld [tilespmem:s31+$0x7610];
	[tilespmem:s28+$0x7570] =	vst v5  }
0x74: {  	v30 =	vld [tilespmem:s31+$0x7530];
	[tilespmem:s28+$0x75F0] =	vst v15;
	s28 =	smov.u32 s31  }
0x75: {  	v9 =	vld [tilespmem:s29+$0x0]  }
0x76: {  	v31 =	vld [tilespmem:s28+$0x7620]  }
0x77: {  	v16 =	vsub.f32 v33, v4;
	v5 =	vld [tilespmem:s28+$0x7560]  }
0x78: {  	v6 =	vld [tilespmem:s28+$0x75E0];
	v22 =	vsub.f32 v17, v13  }
0x79: {  	v12 =	vsub.f32 v29, v30;
	v24 =	vld [tilespmem:s28+$0x75D0]  }
0x7a: {  	v9 =	vmax.f32 v9, $0.0e+00;
	v23 =	vld [tilespmem:s28+$0x7600]  }
0x7b: {  	v10 =	vmin.f32 v9, $1.000000000e+00;
	v9 =	vld [tilespmem:s28+$0x75A0];
	v29 =	vsub.f32 v32, v31  }
0x7c: {  	v18 =	vsub.f32 v28, v5;
	v11 =	vld [tilespmem:s28+$0x7580];
	v25 =	vbroadcast v10, $0xE;
	v28 =	vbroadcast v10, $0xF  }
.Ltmp1:
0x7d: {  	v32 =	vbroadcast v10, $0x0;
	v17 =	vbroadcast v10, $0x5;
	v27 =	vld [tilespmem:s28+$0x7540];
	v20 =	vsub.f32 v20, v6;
	(pc) =	sbr.rel @p0 .LBB2_5-.Ltmp1, $4  }
0x7e: {  	v33 =	vbroadcast v10, $0xA;
	v19 =	vsub.f32 v19, v24;
	v15 =	vld [tilespmem:s28+$0x75F0];
	v28 =	vmul.f32 v29, v28  }
0x7f: {  	v35 =	vbroadcast v10, $0xD;
	v34 =	vmul.f32 v12, v32;
	v12 =	vld [tilespmem:s28+$0x7570];
	v36 =	vsub.f32 v26, v23  }
0x80: {  	v21 =	vsub.f32 v21, v9;
	v26 =	vld [tilespmem:s28+$0x75B0];
	v29 =	vmul.f32 v19, v33;
	v32 =	vadd.f32 v28, v31  }
0x81: {  	s30 =	smov.u32 s2;
	v31 =	vadd.f32 v34, v30;
	v28 =	vbroadcast v10, $0x6;
	v19 =	vld [tilespmem:s28+$0x75C0];
	v30 =	vmul.f32 v36, v35  }
0x82: {  	v33 =	vbroadcast v10, $0x1;
	v52 =	vbroadcast v10, $0xC  }
0x83: {  	v8 =	vsub.f32 v8, v27;
	v53 =	vbroadcast v10, $0x2;
	v54 =	vbroadcast v10, $0x8  }
0x84: {  	[tilespmem:s28+$0x7620] =	vst v32;
	v24 =	vadd.f32 v29, v24;
	v55 =	vbroadcast v10, $0x9;
	v22 =	vmul.f32 v22, v25  }
0x85: {  	v56 =	vbroadcast v10, $0xB;
	[tilespmem:s28+$0x7530] =	vst v31;
	v23 =	vadd.f32 v30, v23;
	v14 =	vmul.f32 v14, v28  }
0x86: {  	v57 =	vbroadcast v10, $0x3;
	v8 =	vmul.f32 v8, v33;
	[tilespmem:s28+$0x75D0] =	vst v24;
	v13 =	vadd.f32 v22, v13  }
0x87: {  	v34 =	vld [tilespmem:s28+$0x7AC0];
	v3 =	vsub.f32 v3, v11;
	v16 =	vmul.f32 v16, v53;
	[tilespmem:s28+$0x7600] =	vst v23;
	v2 =	vadd.f32 v14, v2  }
0x88: {  	v58 =	vld [tilespmem:s28+$0x7A70];
	v1 =	vsub.f32 v1, v15;
	v20 =	vmul.f32 v20, v56;
	v8 =	vadd.f32 v8, v27;
	[tilespmem:s28+$0x7610] =	vst v13  }
0x89: {  	v3 =	vmul.f32 v3, v17;
	v7 =	vsub.f32 v7, v26;
	v4 =	vadd.f32 v16, v4;
	[tilespmem:s28+$0x7590] =	vst v2  }
0x8a: {  	v59 =	vbroadcast v10, $0x7;
	v1 =	vmul.f32 v1, v52;
	v6 =	vadd.f32 v20, v6;
	[tilespmem:s28+$0x7540] =	vst v8  }
0x8b: {  	v62 =	vbroadcast v10, $0x4;
	v3 =	vadd.f32 v3, v11;
	v7 =	vmul.f32 v7, v54;
	[tilespmem:s28+$0x7550] =	vst v4  }
0x8c: {  	v60 =	vsub.f32 v34, v19;
	v1 =	vadd.f32 v1, v15;
	v8 =	vmul.f32 v18, v57;
	[tilespmem:s28+$0x75E0] =	vst v6  }
0x8d: {  	v61 =	vmul.f32 v21, v59;
	v63 =	vsub.f32 v58, v12;
	[tilespmem:s28+$0x7580] =	vst v3;
	v7 =	vadd.f32 v7, v26  }
0x8e: {  	v2 =	vmul.f32 v60, v55;
	[tilespmem:s28+$0x75F0] =	vst v1;
	v5 =	vadd.f32 v8, v5  }
0x8f: {  	v4 =	vmul.f32 v63, v62;
	[tilespmem:s28+$0x75B0] =	vst v7;
	v7 =	vadd.f32 v61, v9  }
0x90: {  	v2 =	vadd.f32 v2, v19;
	[tilespmem:s28+$0x7560] =	vst v5  }
0x91: {  	s24 =	sadd.s32 $0x1, s24;
	v4 =	vadd.f32 v4, v12;
	[tilespmem:s28+$0x75A0] =	vst v7  }
0x92: {  	p0 =	sne.s32 s24, $0x7D;
	[tilespmem:s28+$0x75C0] =	vst v2  }
.Ltmp2:
0x93: {  	s2 =	sadd.s32 $0x2710, s26;
	[tilespmem:s28+$0x7570] =	vst v4;
	(pc) =	sbr.rel @p0 .LBB2_4-.Ltmp2, $4  }
0x94: {  	[spmem:s3] =	stream.indirect.scatter.add.f32 [tilespmem:s20], [sflag:$0x3], $0x10, s2, s19, $0xb8;
	[tilespmem:$0xAF30] =	vst v63  }
0x95: {  	_ =	swait.ge [sflag:s17], $0x500  }
0x96: {  	[sflag:s17] =	ssyncset.done $0x0  }
0x97: {  	s25 =	sadd.s32 $0x50, s25;
	[sflag:s17] =	ssyncadd.s32 $0xFFFFFB00  }
0x98: {  	s4 =	sadd.s32 $0x1, s4  }
0x99: {  	s2 =	sshll.u32 s0, $0x6;
	[bflag:$0x0] =	sbarrier.arrive $0xFFFF;
	p0 =	sne.s32 s4, s15  }
.Ltmp3:
0x9a: {  	s24 =	sshrl.u32 s6, $0x3;
	s2 =	sor.u32 $0x1C03, s2;
	(pc) =	sbr.rel @p0 .LBB2_1-.Ltmp3, $4  }
0x9b: {  	[hbm:s14], [sflag:s2] =	dma.local [spmem:s24], $0x500  }
0x9c: {  	_ =	swait.ge [sflag:s17], $0x500  }
0x9d: {  	[sflag:s17] =	ssyncset.done $0x0  }
0x9e: {  	[sflag:s17] =	ssyncadd.s32 $0xFFFFFB00  }
0x9f: {  	_ =	sfence.sel $0x180000  }
0xa0: {  	[bflag:$0x0] =	sbarrier.arrive $0xFFFF  }
0xa1: {  	_ =	strace $0x9000004A  }
0xa2: {  	[bflag:$0x2] =	sbarrier.arrive $0xFFFF  }
0xa3: {  	p0 =	sne.s32 s0, $0x0;
	s0 =	rddreg [dreg:$0x3]  }
0xa4: {  	s0 =	sadd.s32 @!p0 $0x100000, s0  }
0xa5: {  	[sflag:s0] =	ssyncadd.tile.s32 @!p0 $0x1;
	_ =	shalt  }
.Lfunc_end2:
_tile_overlayer_lowered:
.L_overlay_start_2:
0xa6: {  	(tag) =	ssettag $0x2  }
0xa7: {  	s0 =	rddreg [dreg:$0x0];
	s2 =	stileid.u32  }
0xa8: {  	s1 =	rddreg [dreg:$0x1];
	p0 =	sne.s32 s2, $0x0  }
0xa9: {  	s3 =	rddreg [dreg:$0x2];
	[bflag:$0x3] =	sbarrier.arrive $0xFFFF;
	s2 =	simm.s32 @!p0 $0x1C03  }
0xaa: {  	[timem:s3], [sflag:s2] =	dma.local @!p0 [hbm:s0], s1  }
0xab: {  	s0 =	simm.s32 @!p0 $0x3  }
0xac: {  	_ =	swait.ge @!p0 [sflag:s0], s1  }
0xad: {  	s1 =	ssub.s32 @!p0 $0x0, s1;
	[sflag:s0] =	ssyncset.done @!p0 $0x0  }
0xae: {  	[sflag:s0] =	ssyncadd.s32 @!p0 s1  }
0xaf: {  	[bflag:$0x3] =	sbarrier.arrive $0xFFFF  }
0xb0: {  	_ =	shalt  }

// kernel: kernel.7.cloned.1.call-start
scs
__scs_entry_jumppad:
0x0: {  	(pc) =	sbr.rel $0x88, $3  }
0x1: {  	(tag) =	ssettag $0x0;
	lr =	simm.s32 $0x1  }
0x2: {  	[smem:$0x3F98] =	sst lr;
	_ =	strace $0xD0000000  }
0x3: {  	_ = 	snop  }
0x4: {  	_ = 	snop  }
0x5: {  	_ = 	snop  }
0x6: {  	_ = 	snop  }
0x7: {  	_ = 	snop  }
__scs_overlays_trampoline_lowered:
0x8: {  	[smem:$0x3FA7] =	sst s0  }
0x9: {  	[smem:$0x3FA8] =	sst s1  }
0xa: {  	[smem:$0x3FA9] =	sst s2  }
0xb: {  	[smem:$0x3FAA] =	sst s3  }
0xc: {  	[smem:$0x3FAB] =	sst s4  }
0xd: {  	[smem:$0x3FAC] =	sst s5  }
0xe: {  	[smem:$0x3FAD] =	sst s6  }
0xf: {  	[smem:$0x3FAE] =	sst s7  }
0x10: {  	[smem:$0x3FAF] =	sst s8  }
0x11: {  	[smem:$0x3FB0] =	sst s9;
	s0 =	simm.s32 @!p0 $0x0  }
0x12: {  	s1 =	sld [smem:$0x3F96];
	s0 =	simm.s32 @p0 $0x1  }
0x13: {  	[smem:$0x3FB1] =	sst s0;
	s0 =	simm.s32 @!p1 $0x0  }
0x14: {  	s2 =	sld [smem:$0x3F95];
	s0 =	simm.s32 @p1 $0x1  }
0x15: {  	[smem:$0x3FB2] =	sst s0;
	s0 =	simm.s32 @!p2 $0x0  }
0x16: {  	s3 =	sld [smem:$0x3FDB];
	s0 =	simm.s32 @p2 $0x1  }
0x17: {  	s4 =	simm.s32 $0x1BF5;
	[smem:$0x3FB4] =	sst s0  }
0x18: {  	s0 =	sld [smem:$0x3F97];
	_ =	swait.ge [sflag:s4], $0x0  }
0x19: {  	s7 =	sld [smem:$0x3F98]  }
0x1a: {  	s8 =	sadd.s32 $0xFFFFE003, lr  }
0x1b: {  	s9 =	sadd.s32 $0xFFFFFEF7, lr;
	s5 =	simm.s32 $0xFFFFFFFF;
	p2 =	slt.u32 s8, $0xFFFFF086  }
0x1c: {  	p1 =	slt.u32 s9, $0xF7A;
	s5 =	simm.s32 @!p2 $0x0  }
0x1d: {  	s5 =	simm.s32 @p1 $0x1;
	p0 =	seq.s32 s7, s2  }
0x1e: {  	s7 =	smul.u32 @!p0 $0xF7A, s2;
	p2 =	seq.s32 @!p0 s5, $0x0  }
0x1f: {  	s9 =	smul.u32 $0xF7A, s1;
	s8 =	simm.s32 @!p0 $0x1BF5;
	p2 =	por !p2, p0  }
0x20: {  	[sflag:s8] =	ssyncset.s32 @!p0 $0xFFFFF086;
	s6 =	sadd.s32 @!p0 s3, s7;
	s7 =	simm.s32 @!p0 $0x108  }
0x21: {  	s3 =	sadd.s32 s3, s9;
	s6 =	sadd.s32 @!p0 $0x88, s6;
	s7 =	simm.s32 @p2 $0x1082  }
0x22: {  	[simem:s7], [sflag:s8] =	dma.local @!p0 [hbm:s6], $0xF7A  }
0x23: {  	s9 =	sor.u32 $0xD0000000, s2;
	s6 =	simm.s32 $0x108;
	_ =	swait.ge @!p0 [sflag:s8], $0x0  }
0x24: {  	s3 =	sadd.s32 $0x88, s3;
	s6 =	simm.s32 @!p1 $0x1082;
	[sflag:s4] =	ssyncset.s32 $0xFFFFF086  }
0x25: {  	[simem:s6], [sflag:s4] =	dma.local [hbm:s3], $0xF7A  }
0x26: {  	[smem:$0x3F98] =	sst s1;
	(tag) =	ssettag s2;
	_ =	strace s9  }
0x27: {  	s1 =	sld [smem:$0x3FA8]  }
0x28: {  	s2 =	sld [smem:$0x3FA9]  }
0x29: {  	s4 =	sld [smem:$0x3FAB]  }
0x2a: {  	p0 =	seq.s32 s5, $0x0;
	s5 =	sld [smem:$0x3FAC]  }
0x2b: {  	s6 =	sld [smem:$0x3FAD]  }
0x2c: {  	s7 =	sld [smem:$0x3FAE]  }
0x2d: {  	s3 =	simm.s32 $0x108;
	s8 =	sld [smem:$0x3FAF]  }
0x2e: {  	s3 =	simm.s32 @!p0 $0x1082;
	s9 =	sld [smem:$0x3FB0]  }
0x2f: {  	lr =	sadd.s32 s0, s3;
	s0 =	sld [smem:$0x3FA7]  }
0x30: {  	s3 =	sld [smem:$0x3FAA]  }
0x31: {  	[smem:$0x3FB3] =	sst s10  }
0x32: {  	s10 =	sld [smem:$0x3FB1];
	_ =	sdelay $0x3  }
0x33: {  	p0 =	seq.s32 s10, $0x1;
	s10 =	sld [smem:$0x3FB3];
	_ =	sdelay $0x3  }
0x34: {  	[smem:$0x3FB3] =	sst s10  }
0x35: {  	s10 =	sld [smem:$0x3FB2];
	_ =	sdelay $0x3  }
0x36: {  	p1 =	seq.s32 s10, $0x1;
	s10 =	sld [smem:$0x3FB3];
	_ =	sdelay $0x3  }
0x37: {  	[smem:$0x3FB3] =	sst s10  }
0x38: {  	s10 =	sld [smem:$0x3FB4]  }
0x39: {  	_ = 	snop;
	(pc) =	sbr.ind lr, $3  }
0x3a: {  	_ = 	snop  }
0x3b: {  	_ = 	snop  }
0x3c: {  	p2 =	seq.s32 s10, $0x1;
	s10 =	sld [smem:$0x3FB3]  }
0x3d: {  	_ =	shalt  }
0x3e: {  	_ =	shalt  }
0x3f: {  	_ =	shalt  }
0x40: {  	_ =	shalt  }
0x41: {  	_ =	shalt  }
0x42: {  	_ =	shalt  }
0x43: {  	_ =	shalt  }
0x44: {  	_ =	shalt  }
0x45: {  	_ =	shalt  }
0x46: {  	_ =	shalt  }
0x47: {  	_ =	shalt  }
0x48: {  	_ =	shalt  }
0x49: {  	_ =	shalt  }
0x4a: {  	_ =	shalt  }
0x4b: {  	_ =	shalt  }
0x4c: {  	_ =	shalt  }
0x4d: {  	_ =	shalt  }
0x4e: {  	_ =	shalt  }
0x4f: {  	_ =	shalt  }
0x50: {  	_ =	shalt  }
0x51: {  	_ =	shalt  }
0x52: {  	_ =	shalt  }
0x53: {  	_ =	shalt  }
0x54: {  	_ =	shalt  }
0x55: {  	_ =	shalt  }
0x56: {  	_ =	shalt  }
0x57: {  	_ =	shalt  }
0x58: {  	_ =	shalt  }
0x59: {  	_ =	shalt  }
0x5a: {  	_ =	shalt  }
0x5b: {  	_ =	shalt  }
0x5c: {  	_ =	shalt  }
0x5d: {  	_ =	shalt  }
0x5e: {  	_ =	shalt  }
0x5f: {  	_ =	shalt  }
0x60: {  	_ =	shalt  }
0x61: {  	_ =	shalt  }
0x62: {  	_ =	shalt  }
0x63: {  	_ =	shalt  }
0x64: {  	_ =	shalt  }
0x65: {  	_ =	shalt  }
0x66: {  	_ =	shalt  }
0x67: {  	_ =	shalt  }
0x68: {  	_ =	shalt  }
0x69: {  	_ =	shalt  }
0x6a: {  	_ =	shalt  }
0x6b: {  	_ =	shalt  }
0x6c: {  	_ =	shalt  }
0x6d: {  	_ =	shalt  }
0x6e: {  	_ =	shalt  }
0x6f: {  	_ =	shalt  }
0x70: {  	_ =	shalt  }
0x71: {  	_ =	shalt  }
0x72: {  	_ =	shalt  }
0x73: {  	_ =	shalt  }
0x74: {  	_ =	shalt  }
0x75: {  	_ =	shalt  }
0x76: {  	_ =	shalt  }
0x77: {  	_ =	shalt  }
0x78: {  	_ =	shalt  }
0x79: {  	_ =	shalt  }
0x7a: {  	_ =	shalt  }
0x7b: {  	_ =	shalt  }
0x7c: {  	_ =	shalt  }
0x7d: {  	_ =	shalt  }
0x7e: {  	_ =	shalt  }
0x7f: {  	_ =	shalt  }
0x80: {  	_ =	shalt  }
0x81: {  	_ =	shalt  }
0x82: {  	_ =	shalt  }
0x83: {  	_ =	shalt  }
0x84: {  	_ =	shalt  }
0x85: {  	_ =	shalt  }
0x86: {  	_ =	shalt  }
0x87: {  	_ =	shalt  }
.Lfunc_end0:
.L_simem_size_0:
called_computation_lowered:
.L_overlay_start_0:
0x88: {  	s2 =	sld [smem:$0x3FD9]  }
0x89: {  	s3 =	sld [smem:$0x3FFE];
	_ =	sdelay $0x1  }
0x8a: {  	s1 =	srdreg.scid  }
0x8b: {  	s0 =	sand.u32 $0x1, s1  }
0x8c: {  	s17 =	sshll.u32 s0, $0xA;
	s2 =	sadd.s32 s3, s2  }
0x8d: {  	s2 =	sadd.s32 s2, s17  }
0x8e: {  	[smem:$0x3FBF] =	sst s2  }
0x8f: {  	_ = 	snop  }
0x90: {  	s2 =	sld [smem:$0x3FD0];
	(tm) =	ssettm $0x1  }
0x91: {  	s18 =	sld [smem:$0x3FFB];
	_ =	sdelay $0x3  }
0x92: {  	_ =	strace s18  }
0x93: {  	s3 =	sld [smem:$0x3FFC];
	_ =	sdelay $0x3  }
0x94: {  	_ =	strace s3  }
0x95: {  	s3 =	sld [smem:$0x3FFD];
	_ =	sdelay $0x3  }
0x96: {  	_ =	strace s3  }
0x97: {  	_ =	strace $0x8FFFFFFF  }
0x98: {  	s19 =	sld [smem:$0x3FDB];
	_ =	sdelay $0x1  }
0x99: {  	s4 =	simm.s32 $_scs_section_size  }
0x9a: {  	s5 =	simm.s32 $_size__tile_overlayer_lowered;
	s6 =	simm.s32 $_tile_overlayer_lowered  }
0x9b: {  	s22 =	simm.s32 $0x1BFF;
	s21 =	sshll.u32 s6, $0x1;
	s3 =	sadd.s32 s4, s19  }
0x9c: {  	s7 =	simm.s32 $0x0;
	s20 =	sshll.u32 s5, $0x1;
	s5 =	sadd.s32 s21, s3  }
0x9d: {  	[timem:s7], [sflag:s22] =	dma.local [hbm:s5], s20  }
0x9e: {  	_ =	swait.ge [sflag:s22], s20  }
0x9f: {  	s4 =	ssub.s32 $0x0, s20;
	[sflag:s22] =	ssyncset.done $0x0  }
0xa0: {  	[sflag:s22] =	ssyncadd.s32 s4;
	_ =	sdelay $0x1  }
0xa1: {  	s23 =	simm.s32 $0x1B8B  }
0xa2: {  	_ =	swait.ge [sflag:s23], $0x1  }
0xa3: {  	[sflag:s23] =	ssyncset.done $0x0  }
0xa4: {  	s25 =	simm.s32 $0x1B8E;
	s24 =	sld [smem:$0x3FFE];
	[sflag:s23] =	ssyncadd.s32 $0xFFFFFFFF  }
0xa5: {  	s26 =	simm.s32 $execute0_lowered;
	[smem:$0x3FD2] =	sst s25  }
0xa6: {  	s5 =	sshll.u32 s26, $0x1;
	_ =	strace $0x80000046;
	[dreg:$0x1] =	wrdreg $0xFFFFFFFF  }
0xa7: {  	s28 =	simm.s32 $_size_execute0_lowered;
	s3 =	sadd.s32 s3, s5;
	[dreg:$0x0] =	wrdreg $0x0  }
0xa8: {  	s5 =	sshll.u32 s28, $0x1;
	[dreg:$0x2] =	wrdreg s3  }
0xa9: {  	[dreg:$0x3] =	wrdreg s5  }
0xaa: {  	[dreg:$0x4] =	wrdreg $0xC0  }
0xab: {  	_ =	task [dreg:s7], $0x5FFFF  }
0xac: {  	[dreg:$0x1] =	wrdreg $0xFFFFFFFF  }
0xad: {  	[dreg:$0x0] =	wrdreg $0x60  }
0xae: {  	[dreg:$0x2] =	wrdreg s2  }
0xaf: {  	[dreg:$0x3] =	wrdreg s24  }
0xb0: {  	[dreg:$0x4] =	wrdreg $0x8A000  }
0xb1: {  	[dreg:$0x5] =	wrdreg $0xB2000  }
0xb2: {  	[dreg:$0x6] =	wrdreg $0x9  }
0xb3: {  	_ =	task.clear_ibuf [dreg:s7], $0x7FFFF;
	_ =	strace $0x90000046  }
0xb4: {  	s29 =	simm.s32 $0x9;
	_ =	strace $0x80000048  }
0xb5: {  	_ =	swait.ge [sflag:s29], $0x1  }
0xb6: {  	[sflag:s29] =	ssyncadd.s32 $0xFFFFFFFF  }
0xb7: {  	_ =	strace $0x90000048  }
0xb8: {  	_ =	sfence  }
0xb9: {  	s30 =	sld [smem:$0x0];
	_ =	sdelay $0x2  }
0xba: {  	s31 =	sshll.u32 s1, $0xD;
	s1 =	sshrl.u32 s1, $0x2  }
0xbb: {  	s3 =	sand.u32 $0x4000, s31;
	s1 =	sadd.s32 s1, s30  }
0xbc: {  	s0 =	sor.u32 s3, s0;
	s1 =	sshll.u32 s1, $0x11  }
0xbd: {  	s0 =	sor.u32 s1, s0  }
0xbe: {  	s0 =	sadd.s32 $0x8F2B, s0  }
0xbf: {  	[sflag:s0] =	ssyncadd.remote.s32 $0x1  }
0xc0: {  	_ =	sfence.sel $0xFFFF  }
0xc1: {  	[dreg:$0x0] =	wrdreg $0xFFFFFFFF;
	(pc) =	sbr.abs _section_cstart, $3  }
0xc2: {  	[dreg:$0x1] =	wrdreg $0xFFFFFFFF  }
0xc3: {  	_ =	task.clear_ibuf [dreg:s7], $0x2FFFF;
	_ =	strace $0x9FFFFFFF  }
0xc4: {  	(tm) =	ssettm $0x7FFFFFFF  }
0xc5: {  	_ =	shalt  }
tec
execute0_lowered:
.L_overlay_start_1:
0x0: {  	(tag) =	ssettag $0x1  }
0x1: {  	s1 =	rddreg [dreg:$0x0]  }
0x2: {  	s0 =	srdreg.scid;
	s7 =	rddreg [dreg:$0x1]  }
0x3: {  	s11 =	stileid.u32;
	s3 =	rddreg [dreg:$0x2]  }
0x4: {  	s4 =	rddreg [dreg:$0x3];
	s5 =	simm.s32 $0x0;
	s19 =	simm.s32 $0x7F80  }
0x5: {  	s20 =	simm.s32 $0x3;
	s23 =	simm.s32 $0x50;
	s24 =	simm.s32 $0x7530  }
0x6: {  	s28 =	simm.s32 $0x2;
	s29 =	simm.s32 $0x7F30;
	s8 =	smul.u32 $0x2800, s11  }
0x7: {  	s0 =	sand.u32 $0x1, s0;
	[smem:$0x7FF] =	sst s5;
	s12 =	smul.u32 $0x280, s11  }
0x8: {  	s6 =	sadd.s32 $0x28000, s7;
	s2 =	sshll.u32 s0, $0x4;
	s9 =	smul.u32 $0x28000, s0  }
0x9: {  	_ =	strace $0x80000047;
	s10 =	smul.u32 $0x2800, s0;
	s0 =	ssub.s32 $0x2, s0  }
0xa: {  	s2 =	sor.u32 s11, s2;
	s11 =	smul.u32 $0xA000, s11;
	s25 =	sshrl.u32 s0, $0x1  }
0xb: {  	s2 =	smul.u32 $0x4E2, s2;
	s9 =	sadd.s32 s8, s9;
	s10 =	sadd.s32 s12, s10  }
0xc: {  	s0 =	ssub.s32 s0, s25;
	s12 =	sadd.s32 s12, s4;
	s25 =	simm.s32 $0x7A30  }
0xd: {  	s9 =	sshrl.u32 s9, $0x3;
	s10 =	sshrl.u32 s10, $0x3;
	s26 =	sshrl.u32 s11, $0x2  }
0xe: {  	s18 =	smax.u32 s0, $0x1;
	s2 =	sadd.s32 s2, s7;
	s9 =	sadd.s32 s9, s7  }
0xf: {  	s17 =	sadd.s32 s10, s7;
	s7 =	sadd.s32 s8, s3;
	s30 =	sadd.s32 s26, s3  }
0x10: {  	s26 =	simm.s32 $0x1;
	s10 =	sadd.s32 $0x800, s30;
	s31 =	sadd.s32 $0x1000, s30  }
0x11: {  	s11 =	sadd.s32 $0x2000, s30;
	s13 =	sadd.s32 $0x36E00, s2;
	s14 =	sadd.s32 $0x2D000, s2  }
0x12: {  	s15 =	sadd.s32 $0x40C00, s2;
	s16 =	sadd.s32 $0x4B400, s9;
	[dreg:$0x5] =	wrdreg s10  }
0x13: {  	v0 =	vimm.f32 $0.0e+00;
	v1 =	vimm.f32 $1.000000000e+00;
	s17 =	sadd.s32 $0x4AA00, s17;
	[dreg:$0x6] =	wrdreg s31;
	s10 =	sadd.s32 $0x1800, s30  }
.LBB2_1:
0x14: {  	s0 =	simm.s32 $0x40;
	s2 =	simm.s32 $0x0  }
.LBB2_2:
0x15: {  	p0 =	sne.s32 s0, $0x1FC0;
	[tilespmem:s2+$0x7F80] =	vst v0;
	s2 =	smov.u32 s0;
	s0 =	sadd.s32 $0x40, s0  }
.Ltmp0:
0x16: {  	(pc) =	sbr.rel @p0 .LBB2_2-.Ltmp0, $2  }
0x17: {  	_ =	sdelay $0x2  }
0x18: {  	s2 =	sshra.s32 s2, $0x2  }
0x19: {  	[tilespmem:s2+$0x7F80] =	vst v0  }
0x1a: {  	[spmem:s7] =	stream.linear.scatter [tilespmem:s19], [sflag:$0x3], $0x800, $0x38;
	[tilespmem:$0xB480] =	vst v63  }
0x1b: {  	_ =	swait.ge [sflag:s20], $0x800  }
0x1c: {  	[sflag:s20] =	ssyncset.done $0x0  }
0x1d: {  	s0 =	rddreg [dreg:$0x5];
	[sflag:s20] =	ssyncadd.s32 $0xFFFFF800  }
0x1e: {  	[spmem:s0] =	stream.linear.scatter [tilespmem:s19], [sflag:$0x3], $0x800, $0x38;
	[tilespmem:$0xB480] =	vst v63  }
0x1f: {  	_ =	swait.ge [sflag:s20], $0x800  }
0x20: {  	[sflag:s20] =	ssyncset.done $0x0  }
0x21: {  	s21 =	rddreg [dreg:$0x6];
	[sflag:s20] =	ssyncadd.s32 $0xFFFFF800  }
0x22: {  	[spmem:s21] =	stream.linear.scatter [tilespmem:s19], [sflag:$0x3], $0x800, $0x38;
	[tilespmem:$0xB480] =	vst v63  }
0x23: {  	_ =	swait.ge [sflag:s20], $0x800  }
0x24: {  	[sflag:s20] =	ssyncset.done $0x0  }
0x25: {  	[sflag:s20] =	ssyncadd.s32 $0xFFFFF800  }
0x26: {  	[spmem:s10] =	stream.linear.scatter [tilespmem:s19], [sflag:$0x3], $0x800, $0x38;
	[tilespmem:$0xB480] =	vst v63  }
0x27: {  	_ =	swait.ge [sflag:s20], $0x800  }
0x28: {  	[sflag:s20] =	ssyncset.done $0x0  }
0x29: {  	[sflag:s20] =	ssyncadd.s32 $0xFFFFF800  }
0x2a: {  	[spmem:s11] =	stream.linear.scatter [tilespmem:s19], [sflag:$0x3], $0x800, $0x38;
	[tilespmem:$0xB480] =	vst v63  }
0x2b: {  	_ =	swait.ge [sflag:s20], $0x800  }
0x2c: {  	[sflag:s20] =	ssyncset.done $0x0  }
0x2d: {  	[sflag:s20] =	ssyncadd.s32 $0xFFFFF800  }
0x2e: {  	[tilespmem:$0x8780] =	vst v0  }
0x2f: {  	[tilespmem:$0x8790] =	vst v0  }
0x30: {  	[tilespmem:$0x87A0] =	vst v0  }
0x31: {  	[tilespmem:$0x87B0] =	vst v0  }
0x32: {  	[tilespmem:$0x87C0] =	vst v0  }
0x33: {  	[tilespmem:$0x87D0] =	vst v0  }
0x34: {  	[tilespmem:$0x87E0] =	vst v0  }
0x35: {  	[tilespmem:$0x87F0] =	vst v0  }
0x36: {  	[tilespmem:$0x8800] =	vst v0  }
0x37: {  	[tilespmem:$0x8810] =	vst v0  }
0x38: {  	[tilespmem:$0x8820] =	vst v0  }
0x39: {  	[tilespmem:$0x8830] =	vst v0  }
0x3a: {  	[tilespmem:$0x8840] =	vst v0  }
0x3b: {  	[tilespmem:$0x8850] =	vst v0  }
0x3c: {  	[tilespmem:$0x8860] =	vst v0  }
0x3d: {  	[tilespmem:$0x8870] =	vst v0  }
0x3e: {  	[tilespmem:$0x8880] =	vst v0  }
0x3f: {  	[tilespmem:$0x8890] =	vst v0  }
0x40: {  	[tilespmem:$0x88A0] =	vst v0  }
0x41: {  	[tilespmem:$0x88B0] =	vst v0  }
0x42: {  	[tilespmem:$0x88C0] =	vst v0  }
0x43: {  	[tilespmem:$0x88D0] =	vst v0  }
0x44: {  	[tilespmem:$0x88E0] =	vst v0  }
0x45: {  	[tilespmem:$0x88F0] =	vst v0  }
0x46: {  	[tilespmem:$0x8900] =	vst v0  }
0x47: {  	[tilespmem:$0x8910] =	vst v0  }
0x48: {  	[tilespmem:$0x8920] =	vst v0  }
0x49: {  	[tilespmem:$0x8930] =	vst v0  }
0x4a: {  	[tilespmem:$0x8940] =	vst v0  }
0x4b: {  	[tilespmem:$0x8950] =	vst v0  }
0x4c: {  	[tilespmem:$0x8960] =	vst v0  }
0x4d: {  	[tilespmem:$0x8970] =	vst v0  }
0x4e: {  	[tilespmem:$0x8980] =	vst v0  }
0x4f: {  	[tilespmem:$0x8990] =	vst v0  }
0x50: {  	[tilespmem:$0x89A0] =	vst v0  }
0x51: {  	[tilespmem:$0x89B0] =	vst v0  }
0x52: {  	[tilespmem:$0x89C0] =	vst v0  }
0x53: {  	[tilespmem:$0x89D0] =	vst v0  }
0x54: {  	[tilespmem:$0x89E0] =	vst v0  }
0x55: {  	s22 =	simm.s32 $0x8780;
	[tilespmem:$0x89F0] =	vst v0  }
0x56: {  	[spmem:s12] =	stream.linear.scatter [tilespmem:s22], [sflag:$0x3], $0x280, $0x38;
	[tilespmem:$0xB480] =	vst v63  }
0x57: {  	_ =	swait.ge [sflag:s20], $0x280  }
0x58: {  	[sflag:s20] =	ssyncset.done $0x0  }
0x59: {  	[sflag:s20] =	ssyncadd.s32 $0xFFFFFD80  }
0x5a: {  	[tilespmem:$0x7F30] =	vst v1  }
0x5b: {  	[tilespmem:$0x7F40] =	vst v1  }
0x5c: {  	[tilespmem:$0x7F50] =	vst v1  }
0x5d: {  	[tilespmem:$0x7F60] =	vst v1  }
0x5e: {  	[tilespmem:$0x7F70] =	vst v1  }
0x5f: {  	s30 =	simm.s32 $0x0;
	[bflag:$0x0] =	sbarrier.arrive $0xFFFF  }
0x60: {  	[tilespmem:s30], [sflag:$0x3] =	stream.linear.gather [hbm4b:s13+s30], $0x2710, $0x38;
	[tilespmem:$0xB480] =	vst v63  }
0x61: {  	_ =	swait.ge [sflag:s20], $0x2710  }
0x62: {  	[sflag:s20] =	ssyncset.done $0x0  }
0x63: {  	s31 =	simm.s32 $0x2710;
	[sflag:s20] =	ssyncadd.s32 $0xFFFFD8F0  }
0x64: {  	[tilespmem:s31], [sflag:$0x3] =	stream.linear.gather [hbm4b:s14+s30], $0x2710, $0x38;
	[tilespmem:$0xB480] =	vst v63  }
0x65: {  	_ =	swait.ge [sflag:s20], $0x2710  }
0x66: {  	[sflag:s20] =	ssyncset.done $0x0  }
0x67: {  	s22 =	simm.s32 $0x4E20;
	[sflag:s20] =	ssyncadd.s32 $0xFFFFD8F0  }
0x68: {  	[tilespmem:s22], [sflag:$0x3] =	stream.linear.gather [hbm4b:s15+s30], $0x2710, $0x38;
	[tilespmem:$0xB480] =	vst v63  }
0x69: {  	_ =	swait.ge [sflag:s20], $0x2710  }
0x6a: {  	[sflag:s20] =	ssyncset.done $0x0  }
0x6b: {  	[sflag:s20] =	ssyncadd.s32 $0xFFFFD8F0  }
.LBB2_4:
0x6c: {  	s2 =	smul.u32 $0x50, s30;
	_ =	sdelay $0x1  }
0x6d: {  	[tilespmem:s24], [sflag:$0x1] =	stream.indirect.gather [hbm4b:s1+s23], $0x10, s2, s23, $0xb8;
	[tilespmem:$0xB480] =	vst v63  }
0x6e: {  	_ = 	snop  }
0x6f: {  	[tilespmem:s25], [sflag:$0x2] =	stream.indirect.gather [hbm4b:s6+s23], $0x10, s2, s23, $0xb8;
	[tilespmem:$0xB480] =	vst v63  }
0x70: {  	_ =	swait.ge [sflag:s26], $0x500  }
0x71: {  	[sflag:s26] =	ssyncset.done $0x0  }
0x72: {  	[sflag:s26] =	ssyncadd.s32 $0xFFFFFB00  }
0x73: {  	_ =	swait.ge [sflag:s28], $0x500  }
0x74: {  	[sflag:s28] =	ssyncset.done $0x0  }
0x75: {  	s21 =	simm.s32 $0x0;
	[sflag:s28] =	ssyncadd.s32 $0xFFFFFB00  }
0x76: {  	v12 =	vld [tilespmem:s21+$0x7B20]  }
0x77: {  	v10 =	vld [tilespmem:s21+$0x7A30]  }
0x78: {  	v11 =	vld [tilespmem:s21+$0x7A90]  }
0x79: {  	v9 =	vld [tilespmem:s21+$0x7A40]  }
0x7a: {  	v2 =	vld [tilespmem:s21+$0x7AF0]  }
0x7b: {  	v13 =	vld [tilespmem:s21+$0x7A50]  }
0x7c: {  	v16 =	vld [tilespmem:s21+$0x7A60]  }
0x7d: {  	v8 =	vld [tilespmem:s21+$0x7AB0]  }
0x7e: {  	v4 =	vld [tilespmem:s21+$0x7A80]  }
0x7f: {  	v20 =	vld [tilespmem:s21+$0x7AA0]  }
0x80: {  	v22 =	vld [tilespmem:s21+$0x7B00]  }
0x81: {  	v3 =	vld [tilespmem:s21+$0x7590]  }
0x82: {  	v18 =	vld [tilespmem:s21+$0x7B10]  }
0x83: {  	v27 =	vld [tilespmem:s21+$0x7AD0]  }
0x84: {  	v21 =	vld [tilespmem:s21+$0x7AE0]  }
0x85: {  	v5 =	vld [tilespmem:s21+$0x7550]  }
0x86: {  	v14 =	vld [tilespmem:s21+$0x7610]  }
0x87: {  	v29 =	vld [tilespmem:s21+$0x7530]  }
0x88: {  	v19 =	vld [tilespmem:s22+$0x0]  }
0x89: {  	v31 =	vld [tilespmem:s21+$0x7620]  }
0x8a: {  	v6 =	vld [tilespmem:s21+$0x7560]  }
0x8b: {  	v7 =	vld [tilespmem:s21+$0x75E0]  }
0x8c: {  	v25 =	vld [tilespmem:s21+$0x75D0];
	v15 =	vsub.f32 v11, v3  }
0x8d: {  	v24 =	vld [tilespmem:s21+$0x7600];
	v17 =	vsub.f32 v13, v5;
	v23 =	vsub.f32 v18, v14;
	v11 =	vmax.f32 v19, $0.0e+00  }
0x8e: {  	v13 =	vsub.f32 v10, v29;
	v10 =	vld [tilespmem:s21+$0x75A0];
	v30 =	vsub.f32 v12, v31;
	v11 =	vmin.f32 v11, $1.000000000e+00  }
0x8f: {  	v28 =	vld [tilespmem:s21+$0x7540];
	v19 =	vsub.f32 v16, v6;
	v26 =	vbroadcast v11, $0xE;
	v32 =	vbroadcast v11, $0xF  }
0x90: {  	v12 =	vld [tilespmem:s21+$0x7580];
	v21 =	vsub.f32 v21, v7;
	v33 =	vbroadcast v11, $0x0;
	v18 =	vbroadcast v11, $0x5  }
0x91: {  	v35 =	vsub.f32 v27, v25;
	v16 =	vld [tilespmem:s21+$0x75F0];
	v34 =	vbroadcast v11, $0xA;
	v32 =	vmul.f32 v30, v32  }
0x92: {  	v38 =	vsub.f32 v22, v24;
	v27 =	vld [tilespmem:s21+$0x75B0];
	v37 =	vbroadcast v11, $0xD;
	v36 =	vmul.f32 v13, v33  }
0x93: {  	v13 =	vld [tilespmem:s21+$0x7570];
	v30 =	vmul.f32 v35, v34;
	v22 =	vsub.f32 v20, v10;
	v33 =	vadd.f32 v32, v31  }
0x94: {  	s0 =	simm.s32 $0x400;
	s31 =	smov.u32 s22;
	v20 =	vld [tilespmem:s21+$0x75C0];
	v32 =	vadd.f32 v36, v29;
	v29 =	vbroadcast v11, $0x6;
	v31 =	vmul.f32 v38, v37  }
.LBB2_5:
0x95: {  	s9 =	smov.u32 s0  }
0x96: {  	s8 =	sshra.s32 s0, $0x2;
	v34 =	vbroadcast v11, $0x1;
	v9 =	vsub.f32 v9, v28;
	v35 =	vld [tilespmem:s21+$0x7AC0];
	v36 =	vbroadcast v11, $0xC;
	[tilespmem:s21+$0x7620] =	vst v33;
	s31 =	sadd.s32 $0x10, s31;
	s9 =	sadd.s32 $0x400, s0  }
0x97: {  	p0 =	sne.s32 s0, $0x1000;
	v37 =	vbroadcast v11, $0x9;
	v25 =	vadd.f32 v30, v25;
	v33 =	vld [tilespmem:s8+$0x7B20];
	[tilespmem:s21+$0x7530] =	vst v32;
	v32 =	vbroadcast v11, $0x2  }
0x98: {  	v38 =	vbroadcast v11, $0xB;
	v24 =	vadd.f32 v31, v24;
	v34 =	vmul.f32 v9, v34;
	v30 =	vld [tilespmem:s8+$0x7A30]  }
0x99: {  	v39 =	vbroadcast v11, $0x8;
	v23 =	vmul.f32 v23, v26;
	v8 =	vsub.f32 v8, v27;
	v31 =	vld [tilespmem:s8+$0x7A90];
	[tilespmem:s21+$0x75D0] =	vst v25  }
0x9a: {  	v26 =	vbroadcast v11, $0x3;
	v4 =	vsub.f32 v4, v12;
	v25 =	vadd.f32 v34, v28;
	v9 =	vld [tilespmem:s8+$0x7A40];
	[tilespmem:s21+$0x7600] =	vst v24  }
0x9b: {  	v28 =	vsub.f32 v2, v16;
	v24 =	vbroadcast v11, $0x7;
	v8 =	vmul.f32 v8, v39;
	v2 =	vld [tilespmem:s8+$0x7AF0]  }
0x9c: {  	v15 =	vmul.f32 v15, v29;
	v14 =	vadd.f32 v23, v14;
	v17 =	vmul.f32 v17, v32;
	v34 =	vld [tilespmem:s8+$0x7A50];
	[tilespmem:s21+$0x7540] =	vst v25  }
0x9d: {  	v21 =	vmul.f32 v21, v38;
	v25 =	vadd.f32 v8, v27;
	v27 =	vsub.f32 v35, v20;
	v23 =	vld [tilespmem:s21+$0x7A70]  }
0x9e: {  	v19 =	vmul.f32 v19, v26;
	v26 =	vmul.f32 v28, v36;
	v29 =	vld [tilespmem:s8+$0x7A60];
	[tilespmem:s21+$0x7610] =	vst v14  }
0x9f: {  	v3 =	vadd.f32 v15, v3;
	v5 =	vadd.f32 v17, v5;
	v14 =	vmul.f32 v4, v18;
	v8 =	vld [tilespmem:s8+$0x7AB0];
	[tilespmem:s21+$0x75B0] =	vst v25  }
0xa0: {  	v6 =	vadd.f32 v19, v6;
	v15 =	vmul.f32 v22, v24;
	v16 =	vadd.f32 v26, v16;
	v4 =	vld [tilespmem:s8+$0x7A80]  }
0xa1: {  	v7 =	vadd.f32 v21, v7;
	v12 =	vadd.f32 v14, v12;
	v14 =	vmul.f32 v27, v37;
	v22 =	vld [tilespmem:s8+$0x7AA0];
	[tilespmem:s21+$0x7590] =	vst v3  }
0xa2: {  	v10 =	vadd.f32 v15, v10;
	v27 =	vld [tilespmem:s8+$0x7B00];
	[tilespmem:s21+$0x7550] =	vst v5;
	v5 =	vbroadcast v11, $0x4;
	v11 =	vsub.f32 v23, v13  }
0xa3: {  	v14 =	vadd.f32 v14, v20;
	v3 =	vld [tilespmem:s8+$0x7590];
	[tilespmem:s21+$0x75E0] =	vst v7  }
0xa4: {  	v18 =	vld [tilespmem:s8+$0x7B10];
	v5 =	vmul.f32 v11, v5;
	[tilespmem:s21+$0x75A0] =	vst v10  }
0xa5: {  	v20 =	vld [tilespmem:s8+$0x7AD0];
	[tilespmem:s21+$0x7560] =	vst v6  }
0xa6: {  	v21 =	vld [tilespmem:s8+$0x7AE0];
	v6 =	vadd.f32 v5, v13;
	[tilespmem:s21+$0x75C0] =	vst v14  }
0xa7: {  	v5 =	vld [tilespmem:s8+$0x7550];
	[tilespmem:s21+$0x7580] =	vst v12  }
0xa8: {  	v15 =	vsub.f32 v31, v3;
	v14 =	vld [tilespmem:s8+$0x7610];
	[tilespmem:s21+$0x7570] =	vst v6  }
0xa9: {  	v31 =	vld [tilespmem:s8+$0x7530];
	[tilespmem:s21+$0x75F0] =	vst v16;
	s21 =	smov.u32 s8  }
0xaa: {  	v10 =	vld [tilespmem:s31+$0x0]  }
0xab: {  	v32 =	vld [tilespmem:s21+$0x7620]  }
0xac: {  	v17 =	vsub.f32 v34, v5;
	v6 =	vld [tilespmem:s21+$0x7560]  }
0xad: {  	v7 =	vld [tilespmem:s21+$0x75E0];
	v23 =	vsub.f32 v18, v14  }
0xae: {  	v13 =	vsub.f32 v30, v31;
	v25 =	vld [tilespmem:s21+$0x75D0]  }
0xaf: {  	v10 =	vmax.f32 v10, $0.0e+00;
	v24 =	vld [tilespmem:s21+$0x7600]  }
0xb0: {  	v11 =	vmin.f32 v10, $1.000000000e+00;
	v10 =	vld [tilespmem:s21+$0x75A0];
	v30 =	vsub.f32 v33, v32  }
0xb1: {  	v19 =	vsub.f32 v29, v6;
	v12 =	vld [tilespmem:s21+$0x7580];
	v26 =	vbroadcast v11, $0xE;
	v29 =	vbroadcast v11, $0xF  }
.Ltmp1:
0xb2: {  	v33 =	vbroadcast v11, $0x0;
	v18 =	vbroadcast v11, $0x5;
	v28 =	vld [tilespmem:s21+$0x7540];
	v21 =	vsub.f32 v21, v7;
	(pc) =	sbr.rel @p0 .LBB2_5-.Ltmp1, $4  }
0xb3: {  	v34 =	vbroadcast v11, $0xA;
	v20 =	vsub.f32 v20, v25;
	v16 =	vld [tilespmem:s21+$0x75F0];
	v29 =	vmul.f32 v30, v29  }
0xb4: {  	v36 =	vbroadcast v11, $0xD;
	v35 =	vmul.f32 v13, v33;
	v13 =	vld [tilespmem:s21+$0x7570];
	v37 =	vsub.f32 v27, v24  }
0xb5: {  	v22 =	vsub.f32 v22, v10;
	v27 =	vld [tilespmem:s21+$0x75B0];
	v30 =	vmul.f32 v20, v34;
	v33 =	vadd.f32 v29, v32  }
0xb6: {  	s0 =	smov.u32 s9;
	v32 =	vadd.f32 v35, v31;
	v29 =	vbroadcast v11, $0x6;
	v20 =	vld [tilespmem:s21+$0x75C0];
	v31 =	vmul.f32 v37, v36  }
0xb7: {  	v34 =	vbroadcast v11, $0x1;
	v52 =	vbroadcast v11, $0xC  }
0xb8: {  	v9 =	vsub.f32 v9, v28;
	v53 =	vbroadcast v11, $0x2;
	v54 =	vbroadcast v11, $0x8  }
0xb9: {  	[tilespmem:s21+$0x7620] =	vst v33;
	v25 =	vadd.f32 v30, v25;
	v55 =	vbroadcast v11, $0x9;
	v23 =	vmul.f32 v23, v26  }
0xba: {  	v56 =	vbroadcast v11, $0xB;
	[tilespmem:s21+$0x7530] =	vst v32;
	v24 =	vadd.f32 v31, v24;
	v15 =	vmul.f32 v15, v29  }
0xbb: {  	v57 =	vbroadcast v11, $0x3;
	v9 =	vmul.f32 v9, v34;
	[tilespmem:s21+$0x75D0] =	vst v25;
	v14 =	vadd.f32 v23, v14  }
0xbc: {  	v35 =	vld [tilespmem:s21+$0x7AC0];
	v4 =	vsub.f32 v4, v12;
	v17 =	vmul.f32 v17, v53;
	[tilespmem:s21+$0x7600] =	vst v24;
	v3 =	vadd.f32 v15, v3  }
0xbd: {  	v58 =	vld [tilespmem:s21+$0x7A70];
	v2 =	vsub.f32 v2, v16;
	v21 =	vmul.f32 v21, v56;
	v9 =	vadd.f32 v9, v28;
	[tilespmem:s21+$0x7610] =	vst v14  }
0xbe: {  	v4 =	vmul.f32 v4, v18;
	v8 =	vsub.f32 v8, v27;
	v5 =	vadd.f32 v17, v5;
	[tilespmem:s21+$0x7590] =	vst v3  }
0xbf: {  	v59 =	vbroadcast v11, $0x7;
	v2 =	vmul.f32 v2, v52;
	v7 =	vadd.f32 v21, v7;
	[tilespmem:s21+$0x7540] =	vst v9  }
0xc0: {  	v62 =	vbroadcast v11, $0x4;
	v4 =	vadd.f32 v4, v12;
	v8 =	vmul.f32 v8, v54;
	[tilespmem:s21+$0x7550] =	vst v5  }
0xc1: {  	v60 =	vsub.f32 v35, v20;
	v2 =	vadd.f32 v2, v16;
	v9 =	vmul.f32 v19, v57;
	[tilespmem:s21+$0x75E0] =	vst v7  }
0xc2: {  	v61 =	vmul.f32 v22, v59;
	v63 =	vsub.f32 v58, v13;
	[tilespmem:s21+$0x7580] =	vst v4;
	v8 =	vadd.f32 v8, v27  }
0xc3: {  	v3 =	vmul.f32 v60, v55;
	[tilespmem:s21+$0x75F0] =	vst v2;
	v6 =	vadd.f32 v9, v6  }
0xc4: {  	v5 =	vmul.f32 v63, v62;
	[tilespmem:s21+$0x75B0] =	vst v8;
	v8 =	vadd.f32 v61, v10  }
0xc5: {  	v3 =	vadd.f32 v3, v20;
	[tilespmem:s21+$0x7560] =	vst v6  }
0xc6: {  	v5 =	vadd.f32 v5, v13;
	[tilespmem:s21+$0x75A0] =	vst v8  }
0xc7: {  	[tilespmem:s21+$0x75C0] =	vst v3  }
0xc8: {  	s0 =	sadd.s32 $0x2710, s2;
	[tilespmem:s21+$0x7570] =	vst v5  }
0xc9: {  	[spmem:s3] =	stream.indirect.scatter.add.f32 [tilespmem:s24], [sflag:$0x3], $0x10, s0, s23, $0xb8;
	[tilespmem:$0xB480] =	vst v63  }
0xca: {  	s30 =	sadd.s32 $0x1, s30;
	_ =	swait.ge [sflag:s20], $0x500  }
0xcb: {  	p0 =	sne.s32 s30, $0x7D;
	[sflag:s20] =	ssyncset.done $0x0  }
.Ltmp2:
0xcc: {  	[sflag:s20] =	ssyncadd.s32 $0xFFFFFB00;
	(pc) =	sbr.rel @p0 .LBB2_4-.Ltmp2, $4  }
0xcd: {  	[spmem:s4] =	stream.indirect.scatter.add.f32 [tilespmem:s29], [sflag:$0x3], $0x1, s0, s23, $0xb8;
	[tilespmem:$0xB480] =	vst v63  }
0xce: {  	_ =	swait.ge [sflag:s20], $0x50  }
0xcf: {  	[sflag:s20] =	ssyncset.done $0x0  }
0xd0: {  	s22 =	sadd.s32 $0x50, s22;
	[sflag:s20] =	ssyncadd.s32 $0xFFFFFFB0  }
0xd1: {  	s0 =	stileid.u32  }
0xd2: {  	s0 =	sshll.u32 s0, $0x6  }
0xd3: {  	[bflag:$0x0] =	sbarrier.arrive $0xFFFF;
	s2 =	sshrl.u32 s7, $0x3;
	s0 =	sor.u32 $0x1C03, s0  }
0xd4: {  	[hbm:s16], [sflag:s0] =	dma.local [spmem:s2], $0x500  }
0xd5: {  	s5 =	sadd.s32 $0x1, s5;
	_ =	swait.ge [sflag:s20], $0x500  }
0xd6: {  	p0 =	sne.s32 s5, s18;
	[sflag:s20] =	ssyncset.done $0x0  }
.Ltmp3:
0xd7: {  	s31 =	sshrl.u32 s12, $0x3;
	[sflag:s20] =	ssyncadd.s32 $0xFFFFFB00;
	(pc) =	sbr.rel @p0 .LBB2_1-.Ltmp3, $4  }
0xd8: {  	[hbm:s17], [sflag:s0] =	dma.local [spmem:s31], $0x50  }
0xd9: {  	_ =	swait.ge [sflag:s20], $0x50  }
0xda: {  	[sflag:s20] =	ssyncset.done $0x0  }
0xdb: {  	[sflag:s20] =	ssyncadd.s32 $0xFFFFFFB0  }
0xdc: {  	_ =	sfence.sel $0x180000  }
0xdd: {  	[bflag:$0x0] =	sbarrier.arrive $0xFFFF  }
0xde: {  	_ =	strace $0x90000047  }
0xdf: {  	s0 =	stileid.u32;
	[bflag:$0x2] =	sbarrier.arrive $0xFFFF  }
0xe0: {  	p0 =	sne.s32 s0, $0x0;
	s0 =	rddreg [dreg:$0x4]  }
0xe1: {  	s0 =	sadd.s32 @!p0 $0x100000, s0  }
0xe2: {  	[sflag:s0] =	ssyncadd.tile.s32 @!p0 $0x1;
	_ =	shalt  }
.Lfunc_end2:
_tile_overlayer_lowered:
.L_overlay_start_2:
0xe3: {  	(tag) =	ssettag $0x2  }
0xe4: {  	s0 =	rddreg [dreg:$0x0];
	s2 =	stileid.u32  }
0xe5: {  	s1 =	rddreg [dreg:$0x1];
	p0 =	sne.s32 s2, $0x0  }
0xe6: {  	s3 =	rddreg [dreg:$0x2];
	[bflag:$0x3] =	sbarrier.arrive $0xFFFF;
	s2 =	simm.s32 @!p0 $0x1C03  }
0xe7: {  	[timem:s3], [sflag:s2] =	dma.local @!p0 [hbm:s0], s1  }
0xe8: {  	s0 =	simm.s32 @!p0 $0x3  }
0xe9: {  	_ =	swait.ge @!p0 [sflag:s0], s1  }
0xea: {  	s1 =	ssub.s32 @!p0 $0x0, s1;
	[sflag:s0] =	ssyncset.done @!p0 $0x0  }
0xeb: {  	[sflag:s0] =	ssyncadd.s32 @!p0 s1  }
0xec: {  	[bflag:$0x3] =	sbarrier.arrive $0xFFFF  }
0xed: {  	_ =	shalt  }

</sc_bundles>
